<compile_context>
chip_gen: v7x
topology: tpu7x:2x2x1
jax: 0.10.2.dev20260603
libtpu: 0.0.44.dev20260713+nightly
codegen_flags: <defaults>
</compile_context>

<pallas_src>
import functools

import jax
import jax.numpy as jnp
from jax import lax
from jax.experimental import pallas as pl
from jax.experimental.pallas import tpu as pltpu
from jax.experimental.pallas import tpu_sc as plsc

N = 10000
D = 128
E = 320000
NC = 2
NS = 16
NW = NC * NS
EW = E // NW
CH = 40
NK = EW // CH
R = 7
A = 3
SG = 25
NSG = NK // SG
NV = (SG * CH + 15) // 16
NPAD = 10240
RPT = NPAD // NS

BN = 1000
NB = N // BN


def _elu(x):
    return jnp.where(x > 0, x, jnp.exp(jnp.minimum(x, 0.0)) - 1.0)


def _ln(x, scale, bias, eps=1e-5):
    mu = jnp.mean(x, axis=-1, keepdims=True)
    var = jnp.mean((x - mu) ** 2, axis=-1, keepdims=True)
    return (x - mu) / jnp.sqrt(var + eps) * scale + bias


def _ln1_body(h_ref, s_ref, b_ref, out_ref):
    out_ref[...] = _ln(h_ref[...], s_ref[...], b_ref[...])


def _ln1(h, s, b):
    return pl.pallas_call(
        _ln1_body,
        grid=(NB,),
        in_specs=[
            pl.BlockSpec((BN, D), lambda i: (i, 0)),
            pl.BlockSpec((1, D), lambda i: (0, 0)),
            pl.BlockSpec((1, D), lambda i: (0, 0)),
        ],
        out_specs=pl.BlockSpec((BN, D), lambda i: (i, 0)),
        out_shape=jax.ShapeDtypeStruct((N, D), jnp.float32),
    )(h, s, b)


def _sc_body(src_hbm, dst_hbm, tab_hbm, out_hbm, deg_hbm,
             sidx, didx, rows_v, ones_v, zd_v, acc_sh, deg_sh,
             gsem, ssem, dsem):
    c = lax.axis_index("c")
    s = lax.axis_index("s")
    wid = s * NC + c

    z16 = jnp.zeros((16,), jnp.float32)
    one16 = jnp.ones((16,), jnp.float32)

    for r in range(3):
        ones_v[pl.ds(r * 16, 16)] = one16
    @pl.loop(0, RPT // 16)
    def _zd(i):
        zd_v[pl.ds(i * 16, 16)] = z16

    @pl.loop(0, CH)
    def _zrow(r):
        for c2 in range(D // 16):
            rows_v[0, r, pl.ds(c2 * 16, 16)] = z16

    for i in range(RPT // CH):
        pltpu.async_copy(rows_v.at[0],
                         acc_sh.at[pl.ds(s * RPT + i * CH, CH)],
                         gsem.at[0])
    pltpu.async_copy(zd_v, deg_sh.at[pl.ds(s * RPT, RPT)], gsem.at[0])
    for i in range(RPT // CH):
        pltpu.make_async_copy(rows_v.at[0],
                              acc_sh.at[pl.ds(s * RPT, CH)],
                              gsem.at[0]).wait()
    pltpu.make_async_copy(zd_v, deg_sh.at[pl.ds(s * RPT, RPT)],
                          gsem.at[0]).wait()
    plsc.subcore_barrier()

    def stage_idx(sg, slot):
        pltpu.sync_copy(src_hbm.at[wid, pl.ds(sg * SG, SG)], sidx.at[slot])
        pltpu.sync_copy(dst_hbm.at[wid, pl.ds(sg * SG, SG)], didx.at[slot])

    def fire_gather(k):
        slot2 = lax.rem(lax.div(k, SG), 2)
        pltpu.async_copy(tab_hbm.at[sidx.at[slot2, lax.rem(k, SG)]],
                         rows_v.at[lax.rem(k, R)], gsem.at[lax.rem(k, 4)])

    def wait_gather(k):
        pltpu.make_async_copy(tab_hbm.at[sidx.at[0, 0]], rows_v.at[0],
                              gsem.at[lax.rem(k, 4)]).wait()

    def fire_scatter(k):
        slot2 = lax.rem(lax.div(k, SG), 2)
        pltpu.async_copy(rows_v.at[lax.rem(k, R)],
                         acc_sh.at[didx.at[slot2, lax.rem(k, SG)]],
                         ssem.at[lax.rem(k, 4)], add=True)

    def wait_scatter(k):
        pltpu.make_async_copy(rows_v.at[0], acc_sh.at[didx.at[0, 0]],
                              ssem.at[lax.rem(k, 4)]).wait()

    def fire_deg(k):
        slot2 = lax.rem(lax.div(k, SG), 2)
        pltpu.async_copy(ones_v.at[pl.ds(0, CH)],
                         deg_sh.at[didx.at[slot2, lax.rem(k, SG)]],
                         dsem.at[lax.rem(k, 4)], add=True)

    def wait_deg(k):
        pltpu.make_async_copy(ones_v.at[pl.ds(0, CH)],
                              deg_sh.at[didx.at[0, 0]],
                              dsem.at[lax.rem(k, 4)]).wait()

    stage_idx(0, 0)
    for b in range(A):
        fire_gather(b)

    @pl.loop(0, NK)
    def _chunk(k):
        kn = k + A

        @pl.when(k >= R - A)
        def _free_slot():
            wait_scatter(k - (R - A))
            wait_deg(k - (R - A))

        @pl.when(kn < NK)
        def _ahead():
            @pl.when(lax.rem(kn, SG) == 0)
            def _restage():
                sg = lax.div(kn, SG)
                slot = lax.rem(sg, 2)
                stage_idx(sg, slot)

            fire_gather(kn)

        wait_gather(k)
        fire_scatter(k)
        fire_deg(k)

    for t in range(NK - (R - A), NK):
        wait_scatter(t)
        wait_deg(t)
    plsc.subcore_barrier()

    @pl.when(s == 0)
    def _wb_deg():
        for b in range(NB):
            pltpu.sync_copy(deg_sh.at[pl.ds(b * BN, BN)], deg_hbm.at[b, c])
    pltpu.sync_copy(acc_sh.at[pl.ds(s * RPT, RPT)],
                    out_hbm.at[c, pl.ds(s * RPT, RPT)])


@functools.cache
def _sc_agg_kernel():
    return pl.kernel(
        _sc_body,
        out_type=(
            jax.ShapeDtypeStruct((NC, NPAD, D), jnp.float32),
            jax.ShapeDtypeStruct((NB, NC, BN), jnp.float32),
        ),
        mesh=plsc.VectorSubcoreMesh(core_axis_name="c", subcore_axis_name="s",
                                    num_cores=NC, num_subcores=NS),
        scratch_types=[
            pltpu.VMEM((2, SG, CH), jnp.int32),
            pltpu.VMEM((2, SG, CH), jnp.int32),
            pltpu.VMEM((R, CH, D), jnp.float32),
            pltpu.VMEM((48,), jnp.float32),
            pltpu.VMEM((RPT,), jnp.float32),
            pltpu.VMEM_SHARED((NPAD, D), jnp.float32),
            pltpu.VMEM_SHARED((NPAD,), jnp.float32),
            pltpu.SemaphoreType.DMA((4,)),
            pltpu.SemaphoreType.DMA((4,)),
            pltpu.SemaphoreType.DMA((4,)),
        ],
        compiler_params=pltpu.CompilerParams(use_tc_tiling_on_sc=False),
    )


def _post_body(hn_ref, agg_ref, deg_ref, ws_ref, wn_ref, bc_ref, wsi_ref,
               bsi_ref, s2_ref, b2_ref, out_ref):
    hn = hn_ref[...]
    a = agg_ref[0] + agg_ref[1]
    dd = deg_ref[0]
    deg = jnp.maximum(jnp.transpose(dd[0:1] + dd[1:2]), 1.0)
    h_neigh = a / deg
    conv = (
        jnp.dot(hn, ws_ref[...], preferred_element_type=jnp.float32)
        + jnp.dot(h_neigh, wn_ref[...], preferred_element_type=jnp.float32)
        + bc_ref[...]
    )
    h1 = _elu(conv) + hn
    h2 = _ln(h1, s2_ref[...], b2_ref[...])
    h3 = _elu(
        jnp.dot(h2, wsi_ref[...], preferred_element_type=jnp.float32)
        + bsi_ref[...]
    )
    out_ref[...] = h3 + h2


def _post(hn, agg, deg, W_self, W_neigh, b_conv, W_si, b_si, s2, b2):
    full = lambda shape: pl.BlockSpec(shape, lambda i: tuple(0 for _ in shape))
    return pl.pallas_call(
        _post_body,
        grid=(NB,),
        in_specs=[
            pl.BlockSpec((BN, D), lambda i: (i, 0)),
            pl.BlockSpec((NC, BN, D), lambda i: (0, i, 0)),
            pl.BlockSpec((1, NC, BN), lambda i: (i, 0, 0)),
            full((D, D)),
            full((D, D)),
            full((1, D)),
            full((D, D)),
            full((1, D)),
            full((1, D)),
            full((1, D)),
        ],
        out_specs=pl.BlockSpec((BN, D), lambda i: (i, 0)),
        out_shape=jax.ShapeDtypeStruct((N, D), jnp.float32),
    )(hn, agg, deg, W_self, W_neigh, b_conv, W_si, b_si, s2, b2)


def kernel(h, edge_index, ln1_scale, ln1_bias, W_self, W_neigh, b_conv,
           W_si, b_si, ln2_scale, ln2_bias):
    src = edge_index[0].astype(jnp.int32).reshape(NW, NK, CH)
    dst = edge_index[1].astype(jnp.int32).reshape(NW, NK, CH)

    hn = _ln1(h, ln1_scale.reshape(1, D), ln1_bias.reshape(1, D))
    agg, deg = _sc_agg_kernel()(src, dst, hn)
    return _post(hn, agg, deg, W_self, W_neigh,
                 b_conv.reshape(1, D), W_si, b_si.reshape(1, D),
                 ln2_scale.reshape(1, D), ln2_bias.reshape(1, D))

# --- scband reference (transcript-rebuilt; emitter-appended) ---
"""Pipeline reference for scband-residual-conv-block-57312043598119 (READ-ONLY COPY).

The authoritative reference and input builder live on the scoring server;
editing this copy changes nothing except your own understanding.
"""

import jax, jax.numpy as jnp
import numpy as np

N = 10000
E = 320000
D = 128


def _layernorm(x, scale, bias, eps=1e-5):
    mu = jnp.mean(x, axis=-1, keepdims=True)
    var = jnp.mean((x - mu) ** 2, axis=-1, keepdims=True)
    return (x - mu) / jnp.sqrt(var + eps) * scale + bias


def setup_inputs(seed: int = 0) -> dict:
    key = jax.random.key(seed)
    ks = jax.random.split(key, 10)
    h = jax.random.normal(ks[0], (N, D), dtype=jnp.float32)
    edge_index = jax.random.randint(ks[1], (2, E), 0, N)
    s = 1.0 / np.sqrt(D)
    W_self = jax.random.normal(ks[2], (D, D), dtype=jnp.float32) * s
    W_neigh = jax.random.normal(ks[3], (D, D), dtype=jnp.float32) * s
    b_conv = jnp.zeros((D,), dtype=jnp.float32)
    W_si = jax.random.normal(ks[4], (D, D), dtype=jnp.float32) * s
    b_si = jnp.zeros((D,), dtype=jnp.float32)
    ln1_scale = jnp.ones((D,), dtype=jnp.float32)
    ln1_bias = jnp.zeros((D,), dtype=jnp.float32)
    ln2_scale = jnp.ones((D,), dtype=jnp.float32)
    ln2_bias = jnp.zeros((D,), dtype=jnp.float32)
    return {
        "h": h,
        "edge_index": edge_index,
        "ln1_scale": ln1_scale,
        "ln1_bias": ln1_bias,
        "W_self": W_self,
        "W_neigh": W_neigh,
        "b_conv": b_conv,
        "W_si": W_si,
        "b_si": b_si,
        "ln2_scale": ln2_scale,
        "ln2_bias": ln2_bias,
    }


def reference(h, edge_index, ln1_scale, ln1_bias, W_self, W_neigh, b_conv, W_si, b_si, ln2_scale, ln2_bias):
    n = h.shape[0]
    # 1. LayerNorm
    hn = _layernorm(h, ln1_scale, ln1_bias)
    h_skip = hn
    # 2. SAGEConv (mean aggregator): gather src feats, segment-mean by dst
    src = edge_index[0]
    dst = edge_index[1]
    msg = jnp.take(hn, src, axis=0)
    agg = jax.ops.segment_sum(msg, dst, num_segments=n)
    deg = jax.ops.segment_sum(jnp.ones((msg.shape[0],), dtype=hn.dtype), dst, num_segments=n)
    h_neigh = agg / jnp.maximum(deg, 1.0)[:, None]
    conv = hn @ W_self + h_neigh @ W_neigh + b_conv
    # 3. Activation (ELU), 4. Dropout p=0 (identity)
    h1 = jax.nn.elu(conv)
    # 5. skip connection (out_feats/in_feats == 1 -> repeat_interleave is identity)
    h1 = h1 + h_skip
    # 6. interaction LayerNorm
    h2 = _layernorm(h1, ln2_scale, ln2_bias)
    h_skip2 = h2
    # 7. self-interaction: Linear + ELU, 8. Dropout p=0, 9. residual
    h3 = jax.nn.elu(h2 @ W_si + b_si)
    return h3 + h_skip2

if __name__ == "__main__":
    import jax
    _d = setup_inputs()
    print(jax.jit(kernel)(*tuple(_d.values())))

</pallas_src>

<mosaic_0001>
#map = affine_map<(d0, d1) -> (0, 0, 0)>
#map1 = affine_map<(d0, d1) -> (0, 0)>
module attributes {stable_mosaic.version = 14 : i64} {
  func.func @_sc_body(%arg0: i32, %arg1: i32, %arg2: memref<32x250x40xi32, #tpu.memory_space<hbm>>, %arg3: memref<32x250x40xi32, #tpu.memory_space<hbm>>, %arg4: memref<10000x128xf32, #tpu.memory_space<hbm>>, %arg5: memref<2x10240x128xf32, #tpu.memory_space<hbm>>, %arg6: memref<10x2x1000xf32, #tpu.memory_space<hbm>>, %arg7: memref<2x25x40xi32, #tpu.memory_space<vmem>>, %arg8: memref<2x25x40xi32, #tpu.memory_space<vmem>>, %arg9: memref<7x40x128xf32, #tpu.memory_space<vmem>>, %arg10: memref<48xf32, #tpu.memory_space<vmem>>, %arg11: memref<640xf32, #tpu.memory_space<vmem>>, %arg12: memref<10240x128xf32, #tpu.memory_space<vmem_shared>>, %arg13: memref<10240xf32, #tpu.memory_space<vmem_shared>>, %arg14: memref<4x!tpu.dma_semaphore, #tpu.memory_space<semaphore_mem>>, %arg15: memref<4x!tpu.dma_semaphore, #tpu.memory_space<semaphore_mem>>, %arg16: memref<4x!tpu.dma_semaphore, #tpu.memory_space<semaphore_mem>>) attributes {dimension_semantics = [#tpu.dimension_semantics<core_parallel>, #tpu.dimension_semantics<subcore_parallel>], iteration_bounds = array<i64: 2, 16>, scalar_prefetch = 0 : i64, scratch_operands = 10 : i64, tpu.core_type = #tpu.core_type<sc_vector_subcore>, window_params = [{transform_indices = #map}, {transform_indices = #map}, {transform_indices = #map1}, {transform_indices = #map}, {transform_indices = #map}]} {
    %mul3A = arith.constant 2 : i32
    %mul3A_0 = arith.muli %arg1, %mul3A : i32
    %add3A = arith.addi %mul3A_0, %arg0 : i32
    %broadcast_in_dim3A = arith.constant 0.000000e+00 : f32
    %broadcast_in_dim3A_1 = vector.broadcast %broadcast_in_dim3A : f32 to vector<16xf32>
    %broadcast_in_dim3A_2 = arith.constant 1.000000e+00 : f32
    %broadcast_in_dim3A_3 = vector.broadcast %broadcast_in_dim3A_2 : f32 to vector<16xf32>
    %swap3A = arith.constant 0 : index
    %swap3A_4 = tpu.vector_load %arg10[%swap3A] {strides = array<i32>} : memref<48xf32, #tpu.memory_space<vmem>>, vector<16xf32>,
    %swap3A_5 = vector.shape_cast %swap3A_4 : vector<16xf32> to vector<16xf32>
    %swap3A_6 = vector.shape_cast %broadcast_in_dim3A_3 : vector<16xf32> to vector<16xf32>
    tpu.vector_store %arg10[%swap3A], %swap3A_6 {strides = array<i32>} : memref<48xf32, #tpu.memory_space<vmem>>, vector<16xf32>,
    %swap3A_7 = arith.constant 16 : index
    %swap3A_8 = tpu.vector_load %arg10[%swap3A_7] {strides = array<i32>} : memref<48xf32, #tpu.memory_space<vmem>>, vector<16xf32>,
    %swap3A_9 = vector.shape_cast %swap3A_8 : vector<16xf32> to vector<16xf32>
    %swap3A_10 = vector.shape_cast %broadcast_in_dim3A_3 : vector<16xf32> to vector<16xf32>
    tpu.vector_store %arg10[%swap3A_7], %swap3A_10 {strides = array<i32>} : memref<48xf32, #tpu.memory_space<vmem>>, vector<16xf32>,
    %swap3A_11 = arith.constant 32 : index
    %swap3A_12 = tpu.vector_load %arg10[%swap3A_11] {strides = array<i32>} : memref<48xf32, #tpu.memory_space<vmem>>, vector<16xf32>,
    %swap3A_13 = vector.shape_cast %swap3A_12 : vector<16xf32> to vector<16xf32>
    %swap3A_14 = vector.shape_cast %broadcast_in_dim3A_3 : vector<16xf32> to vector<16xf32>
    tpu.vector_store %arg10[%swap3A_11], %swap3A_14 {strides = array<i32>} : memref<48xf32, #tpu.memory_space<vmem>>, vector<16xf32>,
    %scan3A = arith.constant 0 : i32
    %scan3A_15 = arith.constant 40 : i32
    %scan3A_16 = arith.addi %scan3A, %scan3A_15 : i32
    %scan3A_17 = arith.constant 1 : i32
    scf.for %scan3A_861 = %scan3A to %scan3A_16 step %scan3A_17  : i32 {
      %mul3A_862 = arith.constant 1 : i32
      %mul3A_863 = arith.muli %scan3A_861, %mul3A_862 : i32
      %add3A_864 = arith.constant 0 : i32
      %add3A_865 = arith.addi %add3A_864, %mul3A_863 : i32
      %mul3A_866 = arith.constant 16 : i32
      %mul3A_867 = arith.muli %add3A_865, %mul3A_866 : i32
      %swap3A_868 = arith.index_cast %mul3A_867 : i32 to index
      %swap3A_869 = tpu.vector_load %arg11[%swap3A_868] {strides = array<i32>} : memref<640xf32, #tpu.memory_space<vmem>>, vector<16xf32>,
      %swap3A_870 = vector.shape_cast %swap3A_869 : vector<16xf32> to vector<16xf32>
      %swap3A_871 = vector.shape_cast %broadcast_in_dim3A_1 : vector<16xf32> to vector<16xf32>
      tpu.vector_store %arg11[%swap3A_868], %swap3A_871 {strides = array<i32>} : memref<640xf32, #tpu.memory_space<vmem>>, vector<16xf32>,
    }
    %scan3A_18 = arith.constant 40 : i32
    %scan3A_19 = arith.constant 0 : i32
    %scan3A_20 = arith.constant 40 : i32
    %scan3A_21 = arith.addi %scan3A_19, %scan3A_20 : i32
    %scan3A_22 = arith.constant 1 : i32
    scf.for %scan3A_861 = %scan3A_19 to %scan3A_21 step %scan3A_22  : i32 {
      %mul3A_862 = arith.constant 1 : i32
      %mul3A_863 = arith.muli %scan3A_861, %mul3A_862 : i32
      %add3A_864 = arith.constant 0 : i32
      %add3A_865 = arith.addi %add3A_864, %mul3A_863 : i32
      %swap3A_866 = arith.constant 0 : i32
      %swap3A_867 = arith.index_cast %swap3A_866 : i32 to index
      %swap3A_868 = arith.index_cast %add3A_865 : i32 to index
      %swap3A_869 = arith.constant 0 : index
      %swap3A_870 = tpu.vector_load %arg9[%swap3A_867, %swap3A_868, %swap3A_869] {strides = array<i32>} : memref<7x40x128xf32, #tpu.memory_space<vmem>>, vector<1x1x16xf32>,
      %swap3A_871 = vector.shape_cast %swap3A_870 : vector<1x1x16xf32> to vector<16xf32>
      %swap3A_872 = vector.shape_cast %broadcast_in_dim3A_1 : vector<16xf32> to vector<1x1x16xf32>
      tpu.vector_store %arg9[%swap3A_867, %swap3A_868, %swap3A_869], %swap3A_872 {strides = array<i32>} : memref<7x40x128xf32, #tpu.memory_space<vmem>>, vector<1x1x16xf32>,
      %swap3A_873 = arith.constant 0 : i32
      %swap3A_874 = arith.index_cast %swap3A_873 : i32 to index
      %swap3A_875 = arith.index_cast %add3A_865 : i32 to index
      %swap3A_876 = arith.constant 16 : index
      %swap3A_877 = tpu.vector_load %arg9[%swap3A_874, %swap3A_875, %swap3A_876] {strides = array<i32>} : memref<7x40x128xf32, #tpu.memory_space<vmem>>, vector<1x1x16xf32>,
      %swap3A_878 = vector.shape_cast %swap3A_877 : vector<1x1x16xf32> to vector<16xf32>
      %swap3A_879 = vector.shape_cast %broadcast_in_dim3A_1 : vector<16xf32> to vector<1x1x16xf32>
      tpu.vector_store %arg9[%swap3A_874, %swap3A_875, %swap3A_876], %swap3A_879 {strides = array<i32>} : memref<7x40x128xf32, #tpu.memory_space<vmem>>, vector<1x1x16xf32>,
      %swap3A_880 = arith.constant 0 : i32
      %swap3A_881 = arith.index_cast %swap3A_880 : i32 to index
      %swap3A_882 = arith.index_cast %add3A_865 : i32 to index
      %swap3A_883 = arith.constant 32 : index
      %swap3A_884 = tpu.vector_load %arg9[%swap3A_881, %swap3A_882, %swap3A_883] {strides = array<i32>} : memref<7x40x128xf32, #tpu.memory_space<vmem>>, vector<1x1x16xf32>,
      %swap3A_885 = vector.shape_cast %swap3A_884 : vector<1x1x16xf32> to vector<16xf32>
      %swap3A_886 = vector.shape_cast %broadcast_in_dim3A_1 : vector<16xf32> to vector<1x1x16xf32>
      tpu.vector_store %arg9[%swap3A_881, %swap3A_882, %swap3A_883], %swap3A_886 {strides = array<i32>} : memref<7x40x128xf32, #tpu.memory_space<vmem>>, vector<1x1x16xf32>,
      %swap3A_887 = arith.constant 0 : i32
      %swap3A_888 = arith.index_cast %swap3A_887 : i32 to index
      %swap3A_889 = arith.index_cast %add3A_865 : i32 to index
      %swap3A_890 = arith.constant 48 : index
      %swap3A_891 = tpu.vector_load %arg9[%swap3A_888, %swap3A_889, %swap3A_890] {strides = array<i32>} : memref<7x40x128xf32, #tpu.memory_space<vmem>>, vector<1x1x16xf32>,
      %swap3A_892 = vector.shape_cast %swap3A_891 : vector<1x1x16xf32> to vector<16xf32>
      %swap3A_893 = vector.shape_cast %broadcast_in_dim3A_1 : vector<16xf32> to vector<1x1x16xf32>
      tpu.vector_store %arg9[%swap3A_888, %swap3A_889, %swap3A_890], %swap3A_893 {strides = array<i32>} : memref<7x40x128xf32, #tpu.memory_space<vmem>>, vector<1x1x16xf32>,
      %swap3A_894 = arith.constant 0 : i32
      %swap3A_895 = arith.index_cast %swap3A_894 : i32 to index
      %swap3A_896 = arith.index_cast %add3A_865 : i32 to index
      %swap3A_897 = arith.constant 64 : index
      %swap3A_898 = tpu.vector_load %arg9[%swap3A_895, %swap3A_896, %swap3A_897] {strides = array<i32>} : memref<7x40x128xf32, #tpu.memory_space<vmem>>, vector<1x1x16xf32>,
      %swap3A_899 = vector.shape_cast %swap3A_898 : vector<1x1x16xf32> to vector<16xf32>
      %swap3A_900 = vector.shape_cast %broadcast_in_dim3A_1 : vector<16xf32> to vector<1x1x16xf32>
      tpu.vector_store %arg9[%swap3A_895, %swap3A_896, %swap3A_897], %swap3A_900 {strides = array<i32>} : memref<7x40x128xf32, #tpu.memory_space<vmem>>, vector<1x1x16xf32>,
      %swap3A_901 = arith.constant 0 : i32
      %swap3A_902 = arith.index_cast %swap3A_901 : i32 to index
      %swap3A_903 = arith.index_cast %add3A_865 : i32 to index
      %swap3A_904 = arith.constant 80 : index
      %swap3A_905 = tpu.vector_load %arg9[%swap3A_902, %swap3A_903, %swap3A_904] {strides = array<i32>} : memref<7x40x128xf32, #tpu.memory_space<vmem>>, vector<1x1x16xf32>,
      %swap3A_906 = vector.shape_cast %swap3A_905 : vector<1x1x16xf32> to vector<16xf32>
      %swap3A_907 = vector.shape_cast %broadcast_in_dim3A_1 : vector<16xf32> to vector<1x1x16xf32>
      tpu.vector_store %arg9[%swap3A_902, %swap3A_903, %swap3A_904], %swap3A_907 {strides = array<i32>} : memref<7x40x128xf32, #tpu.memory_space<vmem>>, vector<1x1x16xf32>,
      %swap3A_908 = arith.constant 0 : i32
      %swap3A_909 = arith.index_cast %swap3A_908 : i32 to index
      %swap3A_910 = arith.index_cast %add3A_865 : i32 to index
      %swap3A_911 = arith.constant 96 : index
      %swap3A_912 = tpu.vector_load %arg9[%swap3A_909, %swap3A_910, %swap3A_911] {strides = array<i32>} : memref<7x40x128xf32, #tpu.memory_space<vmem>>, vector<1x1x16xf32>,
      %swap3A_913 = vector.shape_cast %swap3A_912 : vector<1x1x16xf32> to vector<16xf32>
      %swap3A_914 = vector.shape_cast %broadcast_in_dim3A_1 : vector<16xf32> to vector<1x1x16xf32>
      tpu.vector_store %arg9[%swap3A_909, %swap3A_910, %swap3A_911], %swap3A_914 {strides = array<i32>} : memref<7x40x128xf32, #tpu.memory_space<vmem>>, vector<1x1x16xf32>,
      %swap3A_915 = arith.constant 0 : i32
      %swap3A_916 = arith.index_cast %swap3A_915 : i32 to index
      %swap3A_917 = arith.index_cast %add3A_865 : i32 to index
      %swap3A_918 = arith.constant 112 : index
      %swap3A_919 = tpu.vector_load %arg9[%swap3A_916, %swap3A_917, %swap3A_918] {strides = array<i32>} : memref<7x40x128xf32, #tpu.memory_space<vmem>>, vector<1x1x16xf32>,
      %swap3A_920 = vector.shape_cast %swap3A_919 : vector<1x1x16xf32> to vector<16xf32>
      %swap3A_921 = vector.shape_cast %broadcast_in_dim3A_1 : vector<16xf32> to vector<1x1x16xf32>
      tpu.vector_store %arg9[%swap3A_916, %swap3A_917, %swap3A_918], %swap3A_921 {strides = array<i32>} : memref<7x40x128xf32, #tpu.memory_space<vmem>>, vector<1x1x16xf32>,
    }
    %scan3A_23 = arith.constant 40 : i32
    %mul3A_24 = arith.constant 640 : i32
    %mul3A_25 = arith.muli %arg1, %mul3A_24 : i32
    %add3A_26 = arith.constant 0 : i32
    %add3A_27 = arith.addi %mul3A_25, %add3A_26 : i32
    %dma_start3A = arith.constant 0 : i32
    %dma_start3A_28 = arith.constant 0 : i32
    %dma_start3A_29 = arith.constant 0 : i32
    %dma_start3A_30 = arith.constant 0 : i32
    %dma_start3A_31 = tpu.memref_slice %arg9[%dma_start3A, %dma_start3A_29, %dma_start3A_30] : memref<7x40x128xf32, #tpu.memory_space<vmem>> -> memref<1x40x128xf32, #tpu.memory_space<vmem>>
    %dma_start3A_32 = tpu.memref_squeeze %dma_start3A_31 : memref<1x40x128xf32, #tpu.memory_space<vmem>> -> memref<40x128xf32, #tpu.memory_space<vmem>>
    %dma_start3A_33 = arith.constant 0 : i32
    %dma_start3A_34 = tpu.memref_slice %arg12[%add3A_27, %dma_start3A_33] : memref<10240x128xf32, #tpu.memory_space<vmem_shared>> -> memref<40x128xf32, #tpu.memory_space<vmem_shared>>
    %dma_start3A_35 = tpu.memref_slice %arg14[%dma_start3A_28] : memref<4x!tpu.dma_semaphore, #tpu.memory_space<semaphore_mem>> -> memref<1x!tpu.dma_semaphore, #tpu.memory_space<semaphore_mem>>
    %dma_start3A_36 = tpu.memref_squeeze %dma_start3A_35 : memref<1x!tpu.dma_semaphore, #tpu.memory_space<semaphore_mem>> -> memref<!tpu.dma_semaphore, #tpu.memory_space<semaphore_mem>>
    %dma_start3A_37 = arith.constant 0 : i32
    %dma_start3A_38 = tpu.memref_slice %arg12[%add3A_27, %dma_start3A_37] : memref<10240x128xf32, #tpu.memory_space<vmem_shared>> -> memref<40x128xf32, #tpu.memory_space<vmem_shared>>
    %dma_start3A_39 = arith.constant 0 : i32
    %dma_start3A_40 = arith.constant 0 : i32
    %dma_start3A_41 = tpu.memref_slice %arg9[%dma_start3A, %dma_start3A_39, %dma_start3A_40] : memref<7x40x128xf32, #tpu.memory_space<vmem>> -> memref<1x40x128xf32, #tpu.memory_space<vmem>>
    %dma_start3A_42 = tpu.memref_squeeze %dma_start3A_41 : memref<1x40x128xf32, #tpu.memory_space<vmem>> -> memref<40x128xf32, #tpu.memory_space<vmem>>
    tpu.enqueue_dma source(%dma_start3A_42 : memref<40x128xf32, #tpu.memory_space<vmem>>) target(%dma_start3A_38 : memref<40x128xf32, #tpu.memory_space<vmem_shared>>) target_semaphore(%dma_start3A_36 : memref<!tpu.dma_semaphore, #tpu.memory_space<semaphore_mem>>)
    %mul3A_43 = arith.constant 640 : i32
    %mul3A_44 = arith.muli %arg1, %mul3A_43 : i32
    %add3A_45 = arith.constant 40 : i32
    %add3A_46 = arith.addi %mul3A_44, %add3A_45 : i32
    %dma_start3A_47 = arith.constant 0 : i32
    %dma_start3A_48 = arith.constant 0 : i32
    %dma_start3A_49 = arith.constant 0 : i32
    %dma_start3A_50 = arith.constant 0 : i32
    %dma_start3A_51 = tpu.memref_slice %arg9[%dma_start3A_47, %dma_start3A_49, %dma_start3A_50] : memref<7x40x128xf32, #tpu.memory_space<vmem>> -> memref<1x40x128xf32, #tpu.memory_space<vmem>>
    %dma_start3A_52 = tpu.memref_squeeze %dma_start3A_51 : memref<1x40x128xf32, #tpu.memory_space<vmem>> -> memref<40x128xf32, #tpu.memory_space<vmem>>
    %dma_start3A_53 = arith.constant 0 : i32
    %dma_start3A_54 = tpu.memref_slice %arg12[%add3A_46, %dma_start3A_53] : memref<10240x128xf32, #tpu.memory_space<vmem_shared>> -> memref<40x128xf32, #tpu.memory_space<vmem_shared>>
    %dma_start3A_55 = tpu.memref_slice %arg14[%dma_start3A_48] : memref<4x!tpu.dma_semaphore, #tpu.memory_space<semaphore_mem>> -> memref<1x!tpu.dma_semaphore, #tpu.memory_space<semaphore_mem>>
    %dma_start3A_56 = tpu.memref_squeeze %dma_start3A_55 : memref<1x!tpu.dma_semaphore, #tpu.memory_space<semaphore_mem>> -> memref<!tpu.dma_semaphore, #tpu.memory_space<semaphore_mem>>
    %dma_start3A_57 = arith.constant 0 : i32
    %dma_start3A_58 = tpu.memref_slice %arg12[%add3A_46, %dma_start3A_57] : memref<10240x128xf32, #tpu.memory_space<vmem_shared>> -> memref<40x128xf32, #tpu.memory_space<vmem_shared>>
    %dma_start3A_59 = arith.constant 0 : i32
    %dma_start3A_60 = arith.constant 0 : i32
    %dma_start3A_61 = tpu.memref_slice %arg9[%dma_start3A_47, %dma_start3A_59, %dma_start3A_60] : memref<7x40x128xf32, #tpu.memory_space<vmem>> -> memref<1x40x128xf32, #tpu.memory_space<vmem>>
    %dma_start3A_62 = tpu.memref_squeeze %dma_start3A_61 : memref<1x40x128xf32, #tpu.memory_space<vmem>> -> memref<40x128xf32, #tpu.memory_space<vmem>>
    tpu.enqueue_dma source(%dma_start3A_62 : memref<40x128xf32, #tpu.memory_space<vmem>>) target(%dma_start3A_58 : memref<40x128xf32, #tpu.memory_space<vmem_shared>>) target_semaphore(%dma_start3A_56 : memref<!tpu.dma_semaphore, #tpu.memory_space<semaphore_mem>>)
    %mul3A_63 = arith.constant 640 : i32
    %mul3A_64 = arith.muli %arg1, %mul3A_63 : i32
    %add3A_65 = arith.constant 80 : i32
    %add3A_66 = arith.addi %mul3A_64, %add3A_65 : i32
    %dma_start3A_67 = arith.constant 0 : i32
    %dma_start3A_68 = arith.constant 0 : i32
    %dma_start3A_69 = arith.constant 0 : i32
    %dma_start3A_70 = arith.constant 0 : i32
    %dma_start3A_71 = tpu.memref_slice %arg9[%dma_start3A_67, %dma_start3A_69, %dma_start3A_70] : memref<7x40x128xf32, #tpu.memory_space<vmem>> -> memref<1x40x128xf32, #tpu.memory_space<vmem>>
    %dma_start3A_72 = tpu.memref_squeeze %dma_start3A_71 : memref<1x40x128xf32, #tpu.memory_space<vmem>> -> memref<40x128xf32, #tpu.memory_space<vmem>>
    %dma_start3A_73 = arith.constant 0 : i32
    %dma_start3A_74 = tpu.memref_slice %arg12[%add3A_66, %dma_start3A_73] : memref<10240x128xf32, #tpu.memory_space<vmem_shared>> -> memref<40x128xf32, #tpu.memory_space<vmem_shared>>
    %dma_start3A_75 = tpu.memref_slice %arg14[%dma_start3A_68] : memref<4x!tpu.dma_semaphore, #tpu.memory_space<semaphore_mem>> -> memref<1x!tpu.dma_semaphore, #tpu.memory_space<semaphore_mem>>
    %dma_start3A_76 = tpu.memref_squeeze %dma_start3A_75 : memref<1x!tpu.dma_semaphore, #tpu.memory_space<semaphore_mem>> -> memref<!tpu.dma_semaphore, #tpu.memory_space<semaphore_mem>>
    %dma_start3A_77 = arith.constant 0 : i32
    %dma_start3A_78 = tpu.memref_slice %arg12[%add3A_66, %dma_start3A_77] : memref<10240x128xf32, #tpu.memory_space<vmem_shared>> -> memref<40x128xf32, #tpu.memory_space<vmem_shared>>
    %dma_start3A_79 = arith.constant 0 : i32
    %dma_start3A_80 = arith.constant 0 : i32
    %dma_start3A_81 = tpu.memref_slice %arg9[%dma_start3A_67, %dma_start3A_79, %dma_start3A_80] : memref<7x40x128xf32, #tpu.memory_space<vmem>> -> memref<1x40x128xf32, #tpu.memory_space<vmem>>
    %dma_start3A_82 = tpu.memref_squeeze %dma_start3A_81 : memref<1x40x128xf32, #tpu.memory_space<vmem>> -> memref<40x128xf32, #tpu.memory_space<vmem>>
    tpu.enqueue_dma source(%dma_start3A_82 : memref<40x128xf32, #tpu.memory_space<vmem>>) target(%dma_start3A_78 : memref<40x128xf32, #tpu.memory_space<vmem_shared>>) target_semaphore(%dma_start3A_76 : memref<!tpu.dma_semaphore, #tpu.memory_space<semaphore_mem>>)
    %mul3A_83 = arith.constant 640 : i32
    %mul3A_84 = arith.muli %arg1, %mul3A_83 : i32
    %add3A_85 = arith.constant 120 : i32
    %add3A_86 = arith.addi %mul3A_84, %add3A_85 : i32
    %dma_start3A_87 = arith.constant 0 : i32
    %dma_start3A_88 = arith.constant 0 : i32
    %dma_start3A_89 = arith.constant 0 : i32
    %dma_start3A_90 = arith.constant 0 : i32
    %dma_start3A_91 = tpu.memref_slice %arg9[%dma_start3A_87, %dma_start3A_89, %dma_start3A_90] : memref<7x40x128xf32, #tpu.memory_space<vmem>> -> memref<1x40x128xf32, #tpu.memory_space<vmem>>
    %dma_start3A_92 = tpu.memref_squeeze %dma_start3A_91 : memref<1x40x128xf32, #tpu.memory_space<vmem>> -> memref<40x128xf32, #tpu.memory_space<vmem>>
    %dma_start3A_93 = arith.constant 0 : i32
    %dma_start3A_94 = tpu.memref_slice %arg12[%add3A_86, %dma_start3A_93] : memref<10240x128xf32, #tpu.memory_space<vmem_shared>> -> memref<40x128xf32, #tpu.memory_space<vmem_shared>>
    %dma_start3A_95 = tpu.memref_slice %arg14[%dma_start3A_88] : memref<4x!tpu.dma_semaphore, #tpu.memory_space<semaphore_mem>> -> memref<1x!tpu.dma_semaphore, #tpu.memory_space<semaphore_mem>>
    %dma_start3A_96 = tpu.memref_squeeze %dma_start3A_95 : memref<1x!tpu.dma_semaphore, #tpu.memory_space<semaphore_mem>> -> memref<!tpu.dma_semaphore, #tpu.memory_space<semaphore_mem>>
    %dma_start3A_97 = arith.constant 0 : i32
    %dma_start3A_98 = tpu.memref_slice %arg12[%add3A_86, %dma_start3A_97] : memref<10240x128xf32, #tpu.memory_space<vmem_shared>> -> memref<40x128xf32, #tpu.memory_space<vmem_shared>>
    %dma_start3A_99 = arith.constant 0 : i32
    %dma_start3A_100 = arith.constant 0 : i32
    %dma_start3A_101 = tpu.memref_slice %arg9[%dma_start3A_87, %dma_start3A_99, %dma_start3A_100] : memref<7x40x128xf32, #tpu.memory_space<vmem>> -> memref<1x40x128xf32, #tpu.memory_space<vmem>>
    %dma_start3A_102 = tpu.memref_squeeze %dma_start3A_101 : memref<1x40x128xf32, #tpu.memory_space<vmem>> -> memref<40x128xf32, #tpu.memory_space<vmem>>
    tpu.enqueue_dma source(%dma_start3A_102 : memref<40x128xf32, #tpu.memory_space<vmem>>) target(%dma_start3A_98 : memref<40x128xf32, #tpu.memory_space<vmem_shared>>) target_semaphore(%dma_start3A_96 : memref<!tpu.dma_semaphore, #tpu.memory_space<semaphore_mem>>)
    %mul3A_103 = arith.constant 640 : i32
    %mul3A_104 = arith.muli %arg1, %mul3A_103 : i32
    %add3A_105 = arith.constant 160 : i32
    %add3A_106 = arith.addi %mul3A_104, %add3A_105 : i32
    %dma_start3A_107 = arith.constant 0 : i32
    %dma_start3A_108 = arith.constant 0 : i32
    %dma_start3A_109 = arith.constant 0 : i32
    %dma_start3A_110 = arith.constant 0 : i32
    %dma_start3A_111 = tpu.memref_slice %arg9[%dma_start3A_107, %dma_start3A_109, %dma_start3A_110] : memref<7x40x128xf32, #tpu.memory_space<vmem>> -> memref<1x40x128xf32, #tpu.memory_space<vmem>>
    %dma_start3A_112 = tpu.memref_squeeze %dma_start3A_111 : memref<1x40x128xf32, #tpu.memory_space<vmem>> -> memref<40x128xf32, #tpu.memory_space<vmem>>
    %dma_start3A_113 = arith.constant 0 : i32
    %dma_start3A_114 = tpu.memref_slice %arg12[%add3A_106, %dma_start3A_113] : memref<10240x128xf32, #tpu.memory_space<vmem_shared>> -> memref<40x128xf32, #tpu.memory_space<vmem_shared>>
    %dma_start3A_115 = tpu.memref_slice %arg14[%dma_start3A_108] : memref<4x!tpu.dma_semaphore, #tpu.memory_space<semaphore_mem>> -> memref<1x!tpu.dma_semaphore, #tpu.memory_space<semaphore_mem>>
    %dma_start3A_116 = tpu.memref_squeeze %dma_start3A_115 : memref<1x!tpu.dma_semaphore, #tpu.memory_space<semaphore_mem>> -> memref<!tpu.dma_semaphore, #tpu.memory_space<semaphore_mem>>
    %dma_start3A_117 = arith.constant 0 : i32
    %dma_start3A_118 = tpu.memref_slice %arg12[%add3A_106, %dma_start3A_117] : memref<10240x128xf32, #tpu.memory_space<vmem_shared>> -> memref<40x128xf32, #tpu.memory_space<vmem_shared>>
    %dma_start3A_119 = arith.constant 0 : i32
    %dma_start3A_120 = arith.constant 0 : i32
    %dma_start3A_121 = tpu.memref_slice %arg9[%dma_start3A_107, %dma_start3A_119, %dma_start3A_120] : memref<7x40x128xf32, #tpu.memory_space<vmem>> -> memref<1x40x128xf32, #tpu.memory_space<vmem>>
    %dma_start3A_122 = tpu.memref_squeeze %dma_start3A_121 : memref<1x40x128xf32, #tpu.memory_space<vmem>> -> memref<40x128xf32, #tpu.memory_space<vmem>>
    tpu.enqueue_dma source(%dma_start3A_122 : memref<40x128xf32, #tpu.memory_space<vmem>>) target(%dma_start3A_118 : memref<40x128xf32, #tpu.memory_space<vmem_shared>>) target_semaphore(%dma_start3A_116 : memref<!tpu.dma_semaphore, #tpu.memory_space<semaphore_mem>>)
    %mul3A_123 = arith.constant 640 : i32
    %mul3A_124 = arith.muli %arg1, %mul3A_123 : i32
    %add3A_125 = arith.constant 200 : i32
    %add3A_126 = arith.addi %mul3A_124, %add3A_125 : i32
    %dma_start3A_127 = arith.constant 0 : i32
    %dma_start3A_128 = arith.constant 0 : i32
    %dma_start3A_129 = arith.constant 0 : i32
    %dma_start3A_130 = arith.constant 0 : i32
    %dma_start3A_131 = tpu.memref_slice %arg9[%dma_start3A_127, %dma_start3A_129, %dma_start3A_130] : memref<7x40x128xf32, #tpu.memory_space<vmem>> -> memref<1x40x128xf32, #tpu.memory_space<vmem>>
    %dma_start3A_132 = tpu.memref_squeeze %dma_start3A_131 : memref<1x40x128xf32, #tpu.memory_space<vmem>> -> memref<40x128xf32, #tpu.memory_space<vmem>>
    %dma_start3A_133 = arith.constant 0 : i32
    %dma_start3A_134 = tpu.memref_slice %arg12[%add3A_126, %dma_start3A_133] : memref<10240x128xf32, #tpu.memory_space<vmem_shared>> -> memref<40x128xf32, #tpu.memory_space<vmem_shared>>
    %dma_start3A_135 = tpu.memref_slice %arg14[%dma_start3A_128] : memref<4x!tpu.dma_semaphore, #tpu.memory_space<semaphore_mem>> -> memref<1x!tpu.dma_semaphore, #tpu.memory_space<semaphore_mem>>
    %dma_start3A_136 = tpu.memref_squeeze %dma_start3A_135 : memref<1x!tpu.dma_semaphore, #tpu.memory_space<semaphore_mem>> -> memref<!tpu.dma_semaphore, #tpu.memory_space<semaphore_mem>>
    %dma_start3A_137 = arith.constant 0 : i32
    %dma_start3A_138 = tpu.memref_slice %arg12[%add3A_126, %dma_start3A_137] : memref<10240x128xf32, #tpu.memory_space<vmem_shared>> -> memref<40x128xf32, #tpu.memory_space<vmem_shared>>
    %dma_start3A_139 = arith.constant 0 : i32
    %dma_start3A_140 = arith.constant 0 : i32
    %dma_start3A_141 = tpu.memref_slice %arg9[%dma_start3A_127, %dma_start3A_139, %dma_start3A_140] : memref<7x40x128xf32, #tpu.memory_space<vmem>> -> memref<1x40x128xf32, #tpu.memory_space<vmem>>
    %dma_start3A_142 = tpu.memref_squeeze %dma_start3A_141 : memref<1x40x128xf32, #tpu.memory_space<vmem>> -> memref<40x128xf32, #tpu.memory_space<vmem>>
    tpu.enqueue_dma source(%dma_start3A_142 : memref<40x128xf32, #tpu.memory_space<vmem>>) target(%dma_start3A_138 : memref<40x128xf32, #tpu.memory_space<vmem_shared>>) target_semaphore(%dma_start3A_136 : memref<!tpu.dma_semaphore, #tpu.memory_space<semaphore_mem>>)
    %mul3A_143 = arith.constant 640 : i32
    %mul3A_144 = arith.muli %arg1, %mul3A_143 : i32
    %add3A_145 = arith.constant 240 : i32
    %add3A_146 = arith.addi %mul3A_144, %add3A_145 : i32
    %dma_start3A_147 = arith.constant 0 : i32
    %dma_start3A_148 = arith.constant 0 : i32
    %dma_start3A_149 = arith.constant 0 : i32
    %dma_start3A_150 = arith.constant 0 : i32
    %dma_start3A_151 = tpu.memref_slice %arg9[%dma_start3A_147, %dma_start3A_149, %dma_start3A_150] : memref<7x40x128xf32, #tpu.memory_space<vmem>> -> memref<1x40x128xf32, #tpu.memory_space<vmem>>
    %dma_start3A_152 = tpu.memref_squeeze %dma_start3A_151 : memref<1x40x128xf32, #tpu.memory_space<vmem>> -> memref<40x128xf32, #tpu.memory_space<vmem>>
    %dma_start3A_153 = arith.constant 0 : i32
    %dma_start3A_154 = tpu.memref_slice %arg12[%add3A_146, %dma_start3A_153] : memref<10240x128xf32, #tpu.memory_space<vmem_shared>> -> memref<40x128xf32, #tpu.memory_space<vmem_shared>>
    %dma_start3A_155 = tpu.memref_slice %arg14[%dma_start3A_148] : memref<4x!tpu.dma_semaphore, #tpu.memory_space<semaphore_mem>> -> memref<1x!tpu.dma_semaphore, #tpu.memory_space<semaphore_mem>>
    %dma_start3A_156 = tpu.memref_squeeze %dma_start3A_155 : memref<1x!tpu.dma_semaphore, #tpu.memory_space<semaphore_mem>> -> memref<!tpu.dma_semaphore, #tpu.memory_space<semaphore_mem>>
    %dma_start3A_157 = arith.constant 0 : i32
    %dma_start3A_158 = tpu.memref_slice %arg12[%add3A_146, %dma_start3A_157] : memref<10240x128xf32, #tpu.memory_space<vmem_shared>> -> memref<40x128xf32, #tpu.memory_space<vmem_shared>>
    %dma_start3A_159 = arith.constant 0 : i32
    %dma_start3A_160 = arith.constant 0 : i32
    %dma_start3A_161 = tpu.memref_slice %arg9[%dma_start3A_147, %dma_start3A_159, %dma_start3A_160] : memref<7x40x128xf32, #tpu.memory_space<vmem>> -> memref<1x40x128xf32, #tpu.memory_space<vmem>>
    %dma_start3A_162 = tpu.memref_squeeze %dma_start3A_161 : memref<1x40x128xf32, #tpu.memory_space<vmem>> -> memref<40x128xf32, #tpu.memory_space<vmem>>
    tpu.enqueue_dma source(%dma_start3A_162 : memref<40x128xf32, #tpu.memory_space<vmem>>) target(%dma_start3A_158 : memref<40x128xf32, #tpu.memory_space<vmem_shared>>) target_semaphore(%dma_start3A_156 : memref<!tpu.dma_semaphore, #tpu.memory_space<semaphore_mem>>)
    %mul3A_163 = arith.constant 640 : i32
    %mul3A_164 = arith.muli %arg1, %mul3A_163 : i32
    %add3A_165 = arith.constant 280 : i32
    %add3A_166 = arith.addi %mul3A_164, %add3A_165 : i32
    %dma_start3A_167 = arith.constant 0 : i32
    %dma_start3A_168 = arith.constant 0 : i32
    %dma_start3A_169 = arith.constant 0 : i32
    %dma_start3A_170 = arith.constant 0 : i32
    %dma_start3A_171 = tpu.memref_slice %arg9[%dma_start3A_167, %dma_start3A_169, %dma_start3A_170] : memref<7x40x128xf32, #tpu.memory_space<vmem>> -> memref<1x40x128xf32, #tpu.memory_space<vmem>>
    %dma_start3A_172 = tpu.memref_squeeze %dma_start3A_171 : memref<1x40x128xf32, #tpu.memory_space<vmem>> -> memref<40x128xf32, #tpu.memory_space<vmem>>
    %dma_start3A_173 = arith.constant 0 : i32
    %dma_start3A_174 = tpu.memref_slice %arg12[%add3A_166, %dma_start3A_173] : memref<10240x128xf32, #tpu.memory_space<vmem_shared>> -> memref<40x128xf32, #tpu.memory_space<vmem_shared>>
    %dma_start3A_175 = tpu.memref_slice %arg14[%dma_start3A_168] : memref<4x!tpu.dma_semaphore, #tpu.memory_space<semaphore_mem>> -> memref<1x!tpu.dma_semaphore, #tpu.memory_space<semaphore_mem>>
    %dma_start3A_176 = tpu.memref_squeeze %dma_start3A_175 : memref<1x!tpu.dma_semaphore, #tpu.memory_space<semaphore_mem>> -> memref<!tpu.dma_semaphore, #tpu.memory_space<semaphore_mem>>
    %dma_start3A_177 = arith.constant 0 : i32
    %dma_start3A_178 = tpu.memref_slice %arg12[%add3A_166, %dma_start3A_177] : memref<10240x128xf32, #tpu.memory_space<vmem_shared>> -> memref<40x128xf32, #tpu.memory_space<vmem_shared>>
    %dma_start3A_179 = arith.constant 0 : i32
    %dma_start3A_180 = arith.constant 0 : i32
    %dma_start3A_181 = tpu.memref_slice %arg9[%dma_start3A_167, %dma_start3A_179, %dma_start3A_180] : memref<7x40x128xf32, #tpu.memory_space<vmem>> -> memref<1x40x128xf32, #tpu.memory_space<vmem>>
    %dma_start3A_182 = tpu.memref_squeeze %dma_start3A_181 : memref<1x40x128xf32, #tpu.memory_space<vmem>> -> memref<40x128xf32, #tpu.memory_space<vmem>>
    tpu.enqueue_dma source(%dma_start3A_182 : memref<40x128xf32, #tpu.memory_space<vmem>>) target(%dma_start3A_178 : memref<40x128xf32, #tpu.memory_space<vmem_shared>>) target_semaphore(%dma_start3A_176 : memref<!tpu.dma_semaphore, #tpu.memory_space<semaphore_mem>>)
    %mul3A_183 = arith.constant 640 : i32
    %mul3A_184 = arith.muli %arg1, %mul3A_183 : i32
    %add3A_185 = arith.constant 320 : i32
    %add3A_186 = arith.addi %mul3A_184, %add3A_185 : i32
    %dma_start3A_187 = arith.constant 0 : i32
    %dma_start3A_188 = arith.constant 0 : i32
    %dma_start3A_189 = arith.constant 0 : i32
    %dma_start3A_190 = arith.constant 0 : i32
    %dma_start3A_191 = tpu.memref_slice %arg9[%dma_start3A_187, %dma_start3A_189, %dma_start3A_190] : memref<7x40x128xf32, #tpu.memory_space<vmem>> -> memref<1x40x128xf32, #tpu.memory_space<vmem>>
    %dma_start3A_192 = tpu.memref_squeeze %dma_start3A_191 : memref<1x40x128xf32, #tpu.memory_space<vmem>> -> memref<40x128xf32, #tpu.memory_space<vmem>>
    %dma_start3A_193 = arith.constant 0 : i32
    %dma_start3A_194 = tpu.memref_slice %arg12[%add3A_186, %dma_start3A_193] : memref<10240x128xf32, #tpu.memory_space<vmem_shared>> -> memref<40x128xf32, #tpu.memory_space<vmem_shared>>
    %dma_start3A_195 = tpu.memref_slice %arg14[%dma_start3A_188] : memref<4x!tpu.dma_semaphore, #tpu.memory_space<semaphore_mem>> -> memref<1x!tpu.dma_semaphore, #tpu.memory_space<semaphore_mem>>
    %dma_start3A_196 = tpu.memref_squeeze %dma_start3A_195 : memref<1x!tpu.dma_semaphore, #tpu.memory_space<semaphore_mem>> -> memref<!tpu.dma_semaphore, #tpu.memory_space<semaphore_mem>>
    %dma_start3A_197 = arith.constant 0 : i32
    %dma_start3A_198 = tpu.memref_slice %arg12[%add3A_186, %dma_start3A_197] : memref<10240x128xf32, #tpu.memory_space<vmem_shared>> -> memref<40x128xf32, #tpu.memory_space<vmem_shared>>
    %dma_start3A_199 = arith.constant 0 : i32
    %dma_start3A_200 = arith.constant 0 : i32
    %dma_start3A_201 = tpu.memref_slice %arg9[%dma_start3A_187, %dma_start3A_199, %dma_start3A_200] : memref<7x40x128xf32, #tpu.memory_space<vmem>> -> memref<1x40x128xf32, #tpu.memory_space<vmem>>
    %dma_start3A_202 = tpu.memref_squeeze %dma_start3A_201 : memref<1x40x128xf32, #tpu.memory_space<vmem>> -> memref<40x128xf32, #tpu.memory_space<vmem>>
    tpu.enqueue_dma source(%dma_start3A_202 : memref<40x128xf32, #tpu.memory_space<vmem>>) target(%dma_start3A_198 : memref<40x128xf32, #tpu.memory_space<vmem_shared>>) target_semaphore(%dma_start3A_196 : memref<!tpu.dma_semaphore, #tpu.memory_space<semaphore_mem>>)
    %mul3A_203 = arith.constant 640 : i32
    %mul3A_204 = arith.muli %arg1, %mul3A_203 : i32
    %add3A_205 = arith.constant 360 : i32
    %add3A_206 = arith.addi %mul3A_204, %add3A_205 : i32
    %dma_start3A_207 = arith.constant 0 : i32
    %dma_start3A_208 = arith.constant 0 : i32
    %dma_start3A_209 = arith.constant 0 : i32
    %dma_start3A_210 = arith.constant 0 : i32
    %dma_start3A_211 = tpu.memref_slice %arg9[%dma_start3A_207, %dma_start3A_209, %dma_start3A_210] : memref<7x40x128xf32, #tpu.memory_space<vmem>> -> memref<1x40x128xf32, #tpu.memory_space<vmem>>
    %dma_start3A_212 = tpu.memref_squeeze %dma_start3A_211 : memref<1x40x128xf32, #tpu.memory_space<vmem>> -> memref<40x128xf32, #tpu.memory_space<vmem>>
    %dma_start3A_213 = arith.constant 0 : i32
    %dma_start3A_214 = tpu.memref_slice %arg12[%add3A_206, %dma_start3A_213] : memref<10240x128xf32, #tpu.memory_space<vmem_shared>> -> memref<40x128xf32, #tpu.memory_space<vmem_shared>>
    %dma_start3A_215 = tpu.memref_slice %arg14[%dma_start3A_208] : memref<4x!tpu.dma_semaphore, #tpu.memory_space<semaphore_mem>> -> memref<1x!tpu.dma_semaphore, #tpu.memory_space<semaphore_mem>>
    %dma_start3A_216 = tpu.memref_squeeze %dma_start3A_215 : memref<1x!tpu.dma_semaphore, #tpu.memory_space<semaphore_mem>> -> memref<!tpu.dma_semaphore, #tpu.memory_space<semaphore_mem>>
    %dma_start3A_217 = arith.constant 0 : i32
    %dma_start3A_218 = tpu.memref_slice %arg12[%add3A_206, %dma_start3A_217] : memref<10240x128xf32, #tpu.memory_space<vmem_shared>> -> memref<40x128xf32, #tpu.memory_space<vmem_shared>>
    %dma_start3A_219 = arith.constant 0 : i32
    %dma_start3A_220 = arith.constant 0 : i32
    %dma_start3A_221 = tpu.memref_slice %arg9[%dma_start3A_207, %dma_start3A_219, %dma_start3A_220] : memref<7x40x128xf32, #tpu.memory_space<vmem>> -> memref<1x40x128xf32, #tpu.memory_space<vmem>>
    %dma_start3A_222 = tpu.memref_squeeze %dma_start3A_221 : memref<1x40x128xf32, #tpu.memory_space<vmem>> -> memref<40x128xf32, #tpu.memory_space<vmem>>
    tpu.enqueue_dma source(%dma_start3A_222 : memref<40x128xf32, #tpu.memory_space<vmem>>) target(%dma_start3A_218 : memref<40x128xf32, #tpu.memory_space<vmem_shared>>) target_semaphore(%dma_start3A_216 : memref<!tpu.dma_semaphore, #tpu.memory_space<semaphore_mem>>)
    %mul3A_223 = arith.constant 640 : i32
    %mul3A_224 = arith.muli %arg1, %mul3A_223 : i32
    %add3A_225 = arith.constant 400 : i32
    %add3A_226 = arith.addi %mul3A_224, %add3A_225 : i32
    %dma_start3A_227 = arith.constant 0 : i32
    %dma_start3A_228 = arith.constant 0 : i32
    %dma_start3A_229 = arith.constant 0 : i32
    %dma_start3A_230 = arith.constant 0 : i32
    %dma_start3A_231 = tpu.memref_slice %arg9[%dma_start3A_227, %dma_start3A_229, %dma_start3A_230] : memref<7x40x128xf32, #tpu.memory_space<vmem>> -> memref<1x40x128xf32, #tpu.memory_space<vmem>>
    %dma_start3A_232 = tpu.memref_squeeze %dma_start3A_231 : memref<1x40x128xf32, #tpu.memory_space<vmem>> -> memref<40x128xf32, #tpu.memory_space<vmem>>
    %dma_start3A_233 = arith.constant 0 : i32
    %dma_start3A_234 = tpu.memref_slice %arg12[%add3A_226, %dma_start3A_233] : memref<10240x128xf32, #tpu.memory_space<vmem_shared>> -> memref<40x128xf32, #tpu.memory_space<vmem_shared>>
    %dma_start3A_235 = tpu.memref_slice %arg14[%dma_start3A_228] : memref<4x!tpu.dma_semaphore, #tpu.memory_space<semaphore_mem>> -> memref<1x!tpu.dma_semaphore, #tpu.memory_space<semaphore_mem>>
    %dma_start3A_236 = tpu.memref_squeeze %dma_start3A_235 : memref<1x!tpu.dma_semaphore, #tpu.memory_space<semaphore_mem>> -> memref<!tpu.dma_semaphore, #tpu.memory_space<semaphore_mem>>
    %dma_start3A_237 = arith.constant 0 : i32
    %dma_start3A_238 = tpu.memref_slice %arg12[%add3A_226, %dma_start3A_237] : memref<10240x128xf32, #tpu.memory_space<vmem_shared>> -> memref<40x128xf32, #tpu.memory_space<vmem_shared>>
    %dma_start3A_239 = arith.constant 0 : i32
    %dma_start3A_240 = arith.constant 0 : i32
    %dma_start3A_241 = tpu.memref_slice %arg9[%dma_start3A_227, %dma_start3A_239, %dma_start3A_240] : memref<7x40x128xf32, #tpu.memory_space<vmem>> -> memref<1x40x128xf32, #tpu.memory_space<vmem>>
    %dma_start3A_242 = tpu.memref_squeeze %dma_start3A_241 : memref<1x40x128xf32, #tpu.memory_space<vmem>> -> memref<40x128xf32, #tpu.memory_space<vmem>>
    tpu.enqueue_dma source(%dma_start3A_242 : memref<40x128xf32, #tpu.memory_space<vmem>>) target(%dma_start3A_238 : memref<40x128xf32, #tpu.memory_space<vmem_shared>>) target_semaphore(%dma_start3A_236 : memref<!tpu.dma_semaphore, #tpu.memory_space<semaphore_mem>>)
    %mul3A_243 = arith.constant 640 : i32
    %mul3A_244 = arith.muli %arg1, %mul3A_243 : i32
    %add3A_245 = arith.constant 440 : i32
    %add3A_246 = arith.addi %mul3A_244, %add3A_245 : i32
    %dma_start3A_247 = arith.constant 0 : i32
    %dma_start3A_248 = arith.constant 0 : i32
    %dma_start3A_249 = arith.constant 0 : i32
    %dma_start3A_250 = arith.constant 0 : i32
    %dma_start3A_251 = tpu.memref_slice %arg9[%dma_start3A_247, %dma_start3A_249, %dma_start3A_250] : memref<7x40x128xf32, #tpu.memory_space<vmem>> -> memref<1x40x128xf32, #tpu.memory_space<vmem>>
    %dma_start3A_252 = tpu.memref_squeeze %dma_start3A_251 : memref<1x40x128xf32, #tpu.memory_space<vmem>> -> memref<40x128xf32, #tpu.memory_space<vmem>>
    %dma_start3A_253 = arith.constant 0 : i32
    %dma_start3A_254 = tpu.memref_slice %arg12[%add3A_246, %dma_start3A_253] : memref<10240x128xf32, #tpu.memory_space<vmem_shared>> -> memref<40x128xf32, #tpu.memory_space<vmem_shared>>
    %dma_start3A_255 = tpu.memref_slice %arg14[%dma_start3A_248] : memref<4x!tpu.dma_semaphore, #tpu.memory_space<semaphore_mem>> -> memref<1x!tpu.dma_semaphore, #tpu.memory_space<semaphore_mem>>
    %dma_start3A_256 = tpu.memref_squeeze %dma_start3A_255 : memref<1x!tpu.dma_semaphore, #tpu.memory_space<semaphore_mem>> -> memref<!tpu.dma_semaphore, #tpu.memory_space<semaphore_mem>>
    %dma_start3A_257 = arith.constant 0 : i32
    %dma_start3A_258 = tpu.memref_slice %arg12[%add3A_246, %dma_start3A_257] : memref<10240x128xf32, #tpu.memory_space<vmem_shared>> -> memref<40x128xf32, #tpu.memory_space<vmem_shared>>
    %dma_start3A_259 = arith.constant 0 : i32
    %dma_start3A_260 = arith.constant 0 : i32
    %dma_start3A_261 = tpu.memref_slice %arg9[%dma_start3A_247, %dma_start3A_259, %dma_start3A_260] : memref<7x40x128xf32, #tpu.memory_space<vmem>> -> memref<1x40x128xf32, #tpu.memory_space<vmem>>
    %dma_start3A_262 = tpu.memref_squeeze %dma_start3A_261 : memref<1x40x128xf32, #tpu.memory_space<vmem>> -> memref<40x128xf32, #tpu.memory_space<vmem>>
    tpu.enqueue_dma source(%dma_start3A_262 : memref<40x128xf32, #tpu.memory_space<vmem>>) target(%dma_start3A_258 : memref<40x128xf32, #tpu.memory_space<vmem_shared>>) target_semaphore(%dma_start3A_256 : memref<!tpu.dma_semaphore, #tpu.memory_space<semaphore_mem>>)
    %mul3A_263 = arith.constant 640 : i32
    %mul3A_264 = arith.muli %arg1, %mul3A_263 : i32
    %add3A_265 = arith.constant 480 : i32
    %add3A_266 = arith.addi %mul3A_264, %add3A_265 : i32
    %dma_start3A_267 = arith.constant 0 : i32
    %dma_start3A_268 = arith.constant 0 : i32
    %dma_start3A_269 = arith.constant 0 : i32
    %dma_start3A_270 = arith.constant 0 : i32
    %dma_start3A_271 = tpu.memref_slice %arg9[%dma_start3A_267, %dma_start3A_269, %dma_start3A_270] : memref<7x40x128xf32, #tpu.memory_space<vmem>> -> memref<1x40x128xf32, #tpu.memory_space<vmem>>
    %dma_start3A_272 = tpu.memref_squeeze %dma_start3A_271 : memref<1x40x128xf32, #tpu.memory_space<vmem>> -> memref<40x128xf32, #tpu.memory_space<vmem>>
    %dma_start3A_273 = arith.constant 0 : i32
    %dma_start3A_274 = tpu.memref_slice %arg12[%add3A_266, %dma_start3A_273] : memref<10240x128xf32, #tpu.memory_space<vmem_shared>> -> memref<40x128xf32, #tpu.memory_space<vmem_shared>>
    %dma_start3A_275 = tpu.memref_slice %arg14[%dma_start3A_268] : memref<4x!tpu.dma_semaphore, #tpu.memory_space<semaphore_mem>> -> memref<1x!tpu.dma_semaphore, #tpu.memory_space<semaphore_mem>>
    %dma_start3A_276 = tpu.memref_squeeze %dma_start3A_275 : memref<1x!tpu.dma_semaphore, #tpu.memory_space<semaphore_mem>> -> memref<!tpu.dma_semaphore, #tpu.memory_space<semaphore_mem>>
    %dma_start3A_277 = arith.constant 0 : i32
    %dma_start3A_278 = tpu.memref_slice %arg12[%add3A_266, %dma_start3A_277] : memref<10240x128xf32, #tpu.memory_space<vmem_shared>> -> memref<40x128xf32, #tpu.memory_space<vmem_shared>>
    %dma_start3A_279 = arith.constant 0 : i32
    %dma_start3A_280 = arith.constant 0 : i32
    %dma_start3A_281 = tpu.memref_slice %arg9[%dma_start3A_267, %dma_start3A_279, %dma_start3A_280] : memref<7x40x128xf32, #tpu.memory_space<vmem>> -> memref<1x40x128xf32, #tpu.memory_space<vmem>>
    %dma_start3A_282 = tpu.memref_squeeze %dma_start3A_281 : memref<1x40x128xf32, #tpu.memory_space<vmem>> -> memref<40x128xf32, #tpu.memory_space<vmem>>
    tpu.enqueue_dma source(%dma_start3A_282 : memref<40x128xf32, #tpu.memory_space<vmem>>) target(%dma_start3A_278 : memref<40x128xf32, #tpu.memory_space<vmem_shared>>) target_semaphore(%dma_start3A_276 : memref<!tpu.dma_semaphore, #tpu.memory_space<semaphore_mem>>)
    %mul3A_283 = arith.constant 640 : i32
    %mul3A_284 = arith.muli %arg1, %mul3A_283 : i32
    %add3A_285 = arith.constant 520 : i32
    %add3A_286 = arith.addi %mul3A_284, %add3A_285 : i32
    %dma_start3A_287 = arith.constant 0 : i32
    %dma_start3A_288 = arith.constant 0 : i32
    %dma_start3A_289 = arith.constant 0 : i32
    %dma_start3A_290 = arith.constant 0 : i32
    %dma_start3A_291 = tpu.memref_slice %arg9[%dma_start3A_287, %dma_start3A_289, %dma_start3A_290] : memref<7x40x128xf32, #tpu.memory_space<vmem>> -> memref<1x40x128xf32, #tpu.memory_space<vmem>>
    %dma_start3A_292 = tpu.memref_squeeze %dma_start3A_291 : memref<1x40x128xf32, #tpu.memory_space<vmem>> -> memref<40x128xf32, #tpu.memory_space<vmem>>
    %dma_start3A_293 = arith.constant 0 : i32
    %dma_start3A_294 = tpu.memref_slice %arg12[%add3A_286, %dma_start3A_293] : memref<10240x128xf32, #tpu.memory_space<vmem_shared>> -> memref<40x128xf32, #tpu.memory_space<vmem_shared>>
    %dma_start3A_295 = tpu.memref_slice %arg14[%dma_start3A_288] : memref<4x!tpu.dma_semaphore, #tpu.memory_space<semaphore_mem>> -> memref<1x!tpu.dma_semaphore, #tpu.memory_space<semaphore_mem>>
    %dma_start3A_296 = tpu.memref_squeeze %dma_start3A_295 : memref<1x!tpu.dma_semaphore, #tpu.memory_space<semaphore_mem>> -> memref<!tpu.dma_semaphore, #tpu.memory_space<semaphore_mem>>
    %dma_start3A_297 = arith.constant 0 : i32
    %dma_start3A_298 = tpu.memref_slice %arg12[%add3A_286, %dma_start3A_297] : memref<10240x128xf32, #tpu.memory_space<vmem_shared>> -> memref<40x128xf32, #tpu.memory_space<vmem_shared>>
    %dma_start3A_299 = arith.constant 0 : i32
    %dma_start3A_300 = arith.constant 0 : i32
    %dma_start3A_301 = tpu.memref_slice %arg9[%dma_start3A_287, %dma_start3A_299, %dma_start3A_300] : memref<7x40x128xf32, #tpu.memory_space<vmem>> -> memref<1x40x128xf32, #tpu.memory_space<vmem>>
    %dma_start3A_302 = tpu.memref_squeeze %dma_start3A_301 : memref<1x40x128xf32, #tpu.memory_space<vmem>> -> memref<40x128xf32, #tpu.memory_space<vmem>>
    tpu.enqueue_dma source(%dma_start3A_302 : memref<40x128xf32, #tpu.memory_space<vmem>>) target(%dma_start3A_298 : memref<40x128xf32, #tpu.memory_space<vmem_shared>>) target_semaphore(%dma_start3A_296 : memref<!tpu.dma_semaphore, #tpu.memory_space<semaphore_mem>>)
    %mul3A_303 = arith.constant 640 : i32
    %mul3A_304 = arith.muli %arg1, %mul3A_303 : i32
    %add3A_305 = arith.constant 560 : i32
    %add3A_306 = arith.addi %mul3A_304, %add3A_305 : i32
    %dma_start3A_307 = arith.constant 0 : i32
    %dma_start3A_308 = arith.constant 0 : i32
    %dma_start3A_309 = arith.constant 0 : i32
    %dma_start3A_310 = arith.constant 0 : i32
    %dma_start3A_311 = tpu.memref_slice %arg9[%dma_start3A_307, %dma_start3A_309, %dma_start3A_310] : memref<7x40x128xf32, #tpu.memory_space<vmem>> -> memref<1x40x128xf32, #tpu.memory_space<vmem>>
    %dma_start3A_312 = tpu.memref_squeeze %dma_start3A_311 : memref<1x40x128xf32, #tpu.memory_space<vmem>> -> memref<40x128xf32, #tpu.memory_space<vmem>>
    %dma_start3A_313 = arith.constant 0 : i32
    %dma_start3A_314 = tpu.memref_slice %arg12[%add3A_306, %dma_start3A_313] : memref<10240x128xf32, #tpu.memory_space<vmem_shared>> -> memref<40x128xf32, #tpu.memory_space<vmem_shared>>
    %dma_start3A_315 = tpu.memref_slice %arg14[%dma_start3A_308] : memref<4x!tpu.dma_semaphore, #tpu.memory_space<semaphore_mem>> -> memref<1x!tpu.dma_semaphore, #tpu.memory_space<semaphore_mem>>
    %dma_start3A_316 = tpu.memref_squeeze %dma_start3A_315 : memref<1x!tpu.dma_semaphore, #tpu.memory_space<semaphore_mem>> -> memref<!tpu.dma_semaphore, #tpu.memory_space<semaphore_mem>>
    %dma_start3A_317 = arith.constant 0 : i32
    %dma_start3A_318 = tpu.memref_slice %arg12[%add3A_306, %dma_start3A_317] : memref<10240x128xf32, #tpu.memory_space<vmem_shared>> -> memref<40x128xf32, #tpu.memory_space<vmem_shared>>
    %dma_start3A_319 = arith.constant 0 : i32
    %dma_start3A_320 = arith.constant 0 : i32
    %dma_start3A_321 = tpu.memref_slice %arg9[%dma_start3A_307, %dma_start3A_319, %dma_start3A_320] : memref<7x40x128xf32, #tpu.memory_space<vmem>> -> memref<1x40x128xf32, #tpu.memory_space<vmem>>
    %dma_start3A_322 = tpu.memref_squeeze %dma_start3A_321 : memref<1x40x128xf32, #tpu.memory_space<vmem>> -> memref<40x128xf32, #tpu.memory_space<vmem>>
    tpu.enqueue_dma source(%dma_start3A_322 : memref<40x128xf32, #tpu.memory_space<vmem>>) target(%dma_start3A_318 : memref<40x128xf32, #tpu.memory_space<vmem_shared>>) target_semaphore(%dma_start3A_316 : memref<!tpu.dma_semaphore, #tpu.memory_space<semaphore_mem>>)
    %mul3A_323 = arith.constant 640 : i32
    %mul3A_324 = arith.muli %arg1, %mul3A_323 : i32
    %add3A_325 = arith.constant 600 : i32
    %add3A_326 = arith.addi %mul3A_324, %add3A_325 : i32
    %dma_start3A_327 = arith.constant 0 : i32
    %dma_start3A_328 = arith.constant 0 : i32
    %dma_start3A_329 = arith.constant 0 : i32
    %dma_start3A_330 = arith.constant 0 : i32
    %dma_start3A_331 = tpu.memref_slice %arg9[%dma_start3A_327, %dma_start3A_329, %dma_start3A_330] : memref<7x40x128xf32, #tpu.memory_space<vmem>> -> memref<1x40x128xf32, #tpu.memory_space<vmem>>
    %dma_start3A_332 = tpu.memref_squeeze %dma_start3A_331 : memref<1x40x128xf32, #tpu.memory_space<vmem>> -> memref<40x128xf32, #tpu.memory_space<vmem>>
    %dma_start3A_333 = arith.constant 0 : i32
    %dma_start3A_334 = tpu.memref_slice %arg12[%add3A_326, %dma_start3A_333] : memref<10240x128xf32, #tpu.memory_space<vmem_shared>> -> memref<40x128xf32, #tpu.memory_space<vmem_shared>>
    %dma_start3A_335 = tpu.memref_slice %arg14[%dma_start3A_328] : memref<4x!tpu.dma_semaphore, #tpu.memory_space<semaphore_mem>> -> memref<1x!tpu.dma_semaphore, #tpu.memory_space<semaphore_mem>>
    %dma_start3A_336 = tpu.memref_squeeze %dma_start3A_335 : memref<1x!tpu.dma_semaphore, #tpu.memory_space<semaphore_mem>> -> memref<!tpu.dma_semaphore, #tpu.memory_space<semaphore_mem>>
    %dma_start3A_337 = arith.constant 0 : i32
    %dma_start3A_338 = tpu.memref_slice %arg12[%add3A_326, %dma_start3A_337] : memref<10240x128xf32, #tpu.memory_space<vmem_shared>> -> memref<40x128xf32, #tpu.memory_space<vmem_shared>>
    %dma_start3A_339 = arith.constant 0 : i32
    %dma_start3A_340 = arith.constant 0 : i32
    %dma_start3A_341 = tpu.memref_slice %arg9[%dma_start3A_327, %dma_start3A_339, %dma_start3A_340] : memref<7x40x128xf32, #tpu.memory_space<vmem>> -> memref<1x40x128xf32, #tpu.memory_space<vmem>>
    %dma_start3A_342 = tpu.memref_squeeze %dma_start3A_341 : memref<1x40x128xf32, #tpu.memory_space<vmem>> -> memref<40x128xf32, #tpu.memory_space<vmem>>
    tpu.enqueue_dma source(%dma_start3A_342 : memref<40x128xf32, #tpu.memory_space<vmem>>) target(%dma_start3A_338 : memref<40x128xf32, #tpu.memory_space<vmem_shared>>) target_semaphore(%dma_start3A_336 : memref<!tpu.dma_semaphore, #tpu.memory_space<semaphore_mem>>)
    %mul3A_343 = arith.constant 640 : i32
    %mul3A_344 = arith.muli %arg1, %mul3A_343 : i32
    %dma_start3A_345 = arith.constant 0 : i32
    %dma_start3A_346 = tpu.memref_slice %arg13[%mul3A_344] : memref<10240xf32, #tpu.memory_space<vmem_shared>> -> memref<640xf32, #tpu.memory_space<vmem_shared>>
    %dma_start3A_347 = tpu.memref_slice %arg14[%dma_start3A_345] : memref<4x!tpu.dma_semaphore, #tpu.memory_space<semaphore_mem>> -> memref<1x!tpu.dma_semaphore, #tpu.memory_space<semaphore_mem>>
    %dma_start3A_348 = tpu.memref_squeeze %dma_start3A_347 : memref<1x!tpu.dma_semaphore, #tpu.memory_space<semaphore_mem>> -> memref<!tpu.dma_semaphore, #tpu.memory_space<semaphore_mem>>
    %dma_start3A_349 = tpu.memref_slice %arg13[%mul3A_344] : memref<10240xf32, #tpu.memory_space<vmem_shared>> -> memref<640xf32, #tpu.memory_space<vmem_shared>>
    tpu.enqueue_dma source(%arg11 : memref<640xf32, #tpu.memory_space<vmem>>) target(%dma_start3A_349 : memref<640xf32, #tpu.memory_space<vmem_shared>>) target_semaphore(%dma_start3A_348 : memref<!tpu.dma_semaphore, #tpu.memory_space<semaphore_mem>>)
    %mul3A_350 = arith.constant 640 : i32
    %mul3A_351 = arith.muli %arg1, %mul3A_350 : i32
    %dma_wait3A = arith.constant 0 : i32
    %dma_wait3A_352 = arith.constant 0 : i32
    %dma_wait3A_353 = arith.constant 0 : i32
    %dma_wait3A_354 = arith.constant 0 : i32
    %dma_wait3A_355 = tpu.memref_slice %arg9[%dma_wait3A, %dma_wait3A_353, %dma_wait3A_354] : memref<7x40x128xf32, #tpu.memory_space<vmem>> -> memref<1x40x128xf32, #tpu.memory_space<vmem>>
    %dma_wait3A_356 = tpu.memref_squeeze %dma_wait3A_355 : memref<1x40x128xf32, #tpu.memory_space<vmem>> -> memref<40x128xf32, #tpu.memory_space<vmem>>
    %dma_wait3A_357 = arith.constant 0 : i32
    %dma_wait3A_358 = tpu.memref_slice %arg12[%mul3A_351, %dma_wait3A_357] : memref<10240x128xf32, #tpu.memory_space<vmem_shared>> -> memref<40x128xf32, #tpu.memory_space<vmem_shared>>
    %dma_wait3A_359 = tpu.memref_slice %arg14[%dma_wait3A_352] : memref<4x!tpu.dma_semaphore, #tpu.memory_space<semaphore_mem>> -> memref<1x!tpu.dma_semaphore, #tpu.memory_space<semaphore_mem>>
    %dma_wait3A_360 = tpu.memref_squeeze %dma_wait3A_359 : memref<1x!tpu.dma_semaphore, #tpu.memory_space<semaphore_mem>> -> memref<!tpu.dma_semaphore, #tpu.memory_space<semaphore_mem>>
    %dma_wait3A_361 = arith.constant 0 : i32
    %dma_wait3A_362 = tpu.memref_slice %arg12[%mul3A_351, %dma_wait3A_361] : memref<10240x128xf32, #tpu.memory_space<vmem_shared>> -> memref<40x128xf32, #tpu.memory_space<vmem_shared>>
    %dma_wait3A_363 = arith.constant 0 : i32
    %dma_wait3A_364 = arith.constant 0 : i32
    %dma_wait3A_365 = tpu.memref_slice %arg9[%dma_wait3A, %dma_wait3A_363, %dma_wait3A_364] : memref<7x40x128xf32, #tpu.memory_space<vmem>> -> memref<1x40x128xf32, #tpu.memory_space<vmem>>
    %dma_wait3A_366 = tpu.memref_squeeze %dma_wait3A_365 : memref<1x40x128xf32, #tpu.memory_space<vmem>> -> memref<40x128xf32, #tpu.memory_space<vmem>>
    tpu.wait_dma2 semaphore(%dma_wait3A_360 : memref<!tpu.dma_semaphore, #tpu.memory_space<semaphore_mem>>) src(%dma_wait3A_366 : memref<40x128xf32, #tpu.memory_space<vmem>>) dst(%dma_wait3A_362 : memref<40x128xf32, #tpu.memory_space<vmem_shared>>)
    %mul3A_367 = arith.constant 640 : i32
    %mul3A_368 = arith.muli %arg1, %mul3A_367 : i32
    %dma_wait3A_369 = arith.constant 0 : i32
    %dma_wait3A_370 = arith.constant 0 : i32
    %dma_wait3A_371 = arith.constant 0 : i32
    %dma_wait3A_372 = arith.constant 0 : i32
    %dma_wait3A_373 = tpu.memref_slice %arg9[%dma_wait3A_369, %dma_wait3A_371, %dma_wait3A_372] : memref<7x40x128xf32, #tpu.memory_space<vmem>> -> memref<1x40x128xf32, #tpu.memory_space<vmem>>
    %dma_wait3A_374 = tpu.memref_squeeze %dma_wait3A_373 : memref<1x40x128xf32, #tpu.memory_space<vmem>> -> memref<40x128xf32, #tpu.memory_space<vmem>>
    %dma_wait3A_375 = arith.constant 0 : i32
    %dma_wait3A_376 = tpu.memref_slice %arg12[%mul3A_368, %dma_wait3A_375] : memref<10240x128xf32, #tpu.memory_space<vmem_shared>> -> memref<40x128xf32, #tpu.memory_space<vmem_shared>>
    %dma_wait3A_377 = tpu.memref_slice %arg14[%dma_wait3A_370] : memref<4x!tpu.dma_semaphore, #tpu.memory_space<semaphore_mem>> -> memref<1x!tpu.dma_semaphore, #tpu.memory_space<semaphore_mem>>
    %dma_wait3A_378 = tpu.memref_squeeze %dma_wait3A_377 : memref<1x!tpu.dma_semaphore, #tpu.memory_space<semaphore_mem>> -> memref<!tpu.dma_semaphore, #tpu.memory_space<semaphore_mem>>
    %dma_wait3A_379 = arith.constant 0 : i32
    %dma_wait3A_380 = tpu.memref_slice %arg12[%mul3A_368, %dma_wait3A_379] : memref<10240x128xf32, #tpu.memory_space<vmem_shared>> -> memref<40x128xf32, #tpu.memory_space<vmem_shared>>
    %dma_wait3A_381 = arith.constant 0 : i32
    %dma_wait3A_382 = arith.constant 0 : i32
    %dma_wait3A_383 = tpu.memref_slice %arg9[%dma_wait3A_369, %dma_wait3A_381, %dma_wait3A_382] : memref<7x40x128xf32, #tpu.memory_space<vmem>> -> memref<1x40x128xf32, #tpu.memory_space<vmem>>
    %dma_wait3A_384 = tpu.memref_squeeze %dma_wait3A_383 : memref<1x40x128xf32, #tpu.memory_space<vmem>> -> memref<40x128xf32, #tpu.memory_space<vmem>>
    tpu.wait_dma2 semaphore(%dma_wait3A_378 : memref<!tpu.dma_semaphore, #tpu.memory_space<semaphore_mem>>) src(%dma_wait3A_384 : memref<40x128xf32, #tpu.memory_space<vmem>>) dst(%dma_wait3A_380 : memref<40x128xf32, #tpu.memory_space<vmem_shared>>)
    %mul3A_385 = arith.constant 640 : i32
    %mul3A_386 = arith.muli %arg1, %mul3A_385 : i32
    %dma_wait3A_387 = arith.constant 0 : i32
    %dma_wait3A_388 = arith.constant 0 : i32
    %dma_wait3A_389 = arith.constant 0 : i32
    %dma_wait3A_390 = arith.constant 0 : i32
    %dma_wait3A_391 = tpu.memref_slice %arg9[%dma_wait3A_387, %dma_wait3A_389, %dma_wait3A_390] : memref<7x40x128xf32, #tpu.memory_space<vmem>> -> memref<1x40x128xf32, #tpu.memory_space<vmem>>
    %dma_wait3A_392 = tpu.memref_squeeze %dma_wait3A_391 : memref<1x40x128xf32, #tpu.memory_space<vmem>> -> memref<40x128xf32, #tpu.memory_space<vmem>>
    %dma_wait3A_393 = arith.constant 0 : i32
    %dma_wait3A_394 = tpu.memref_slice %arg12[%mul3A_386, %dma_wait3A_393] : memref<10240x128xf32, #tpu.memory_space<vmem_shared>> -> memref<40x128xf32, #tpu.memory_space<vmem_shared>>
    %dma_wait3A_395 = tpu.memref_slice %arg14[%dma_wait3A_388] : memref<4x!tpu.dma_semaphore, #tpu.memory_space<semaphore_mem>> -> memref<1x!tpu.dma_semaphore, #tpu.memory_space<semaphore_mem>>
    %dma_wait3A_396 = tpu.memref_squeeze %dma_wait3A_395 : memref<1x!tpu.dma_semaphore, #tpu.memory_space<semaphore_mem>> -> memref<!tpu.dma_semaphore, #tpu.memory_space<semaphore_mem>>
    %dma_wait3A_397 = arith.constant 0 : i32
    %dma_wait3A_398 = tpu.memref_slice %arg12[%mul3A_386, %dma_wait3A_397] : memref<10240x128xf32, #tpu.memory_space<vmem_shared>> -> memref<40x128xf32, #tpu.memory_space<vmem_shared>>
    %dma_wait3A_399 = arith.constant 0 : i32
    %dma_wait3A_400 = arith.constant 0 : i32
    %dma_wait3A_401 = tpu.memref_slice %arg9[%dma_wait3A_387, %dma_wait3A_399, %dma_wait3A_400] : memref<7x40x128xf32, #tpu.memory_space<vmem>> -> memref<1x40x128xf32, #tpu.memory_space<vmem>>
    %dma_wait3A_402 = tpu.memref_squeeze %dma_wait3A_401 : memref<1x40x128xf32, #tpu.memory_space<vmem>> -> memref<40x128xf32, #tpu.memory_space<vmem>>
    tpu.wait_dma2 semaphore(%dma_wait3A_396 : memref<!tpu.dma_semaphore, #tpu.memory_space<semaphore_mem>>) src(%dma_wait3A_402 : memref<40x128xf32, #tpu.memory_space<vmem>>) dst(%dma_wait3A_398 : memref<40x128xf32, #tpu.memory_space<vmem_shared>>)
    %mul3A_403 = arith.constant 640 : i32
    %mul3A_404 = arith.muli %arg1, %mul3A_403 : i32
    %dma_wait3A_405 = arith.constant 0 : i32
    %dma_wait3A_406 = arith.constant 0 : i32
    %dma_wait3A_407 = arith.constant 0 : i32
    %dma_wait3A_408 = arith.constant 0 : i32
    %dma_wait3A_409 = tpu.memref_slice %arg9[%dma_wait3A_405, %dma_wait3A_407, %dma_wait3A_408] : memref<7x40x128xf32, #tpu.memory_space<vmem>> -> memref<1x40x128xf32, #tpu.memory_space<vmem>>
    %dma_wait3A_410 = tpu.memref_squeeze %dma_wait3A_409 : memref<1x40x128xf32, #tpu.memory_space<vmem>> -> memref<40x128xf32, #tpu.memory_space<vmem>>
    %dma_wait3A_411 = arith.constant 0 : i32
    %dma_wait3A_412 = tpu.memref_slice %arg12[%mul3A_404, %dma_wait3A_411] : memref<10240x128xf32, #tpu.memory_space<vmem_shared>> -> memref<40x128xf32, #tpu.memory_space<vmem_shared>>
    %dma_wait3A_413 = tpu.memref_slice %arg14[%dma_wait3A_406] : memref<4x!tpu.dma_semaphore, #tpu.memory_space<semaphore_mem>> -> memref<1x!tpu.dma_semaphore, #tpu.memory_space<semaphore_mem>>
    %dma_wait3A_414 = tpu.memref_squeeze %dma_wait3A_413 : memref<1x!tpu.dma_semaphore, #tpu.memory_space<semaphore_mem>> -> memref<!tpu.dma_semaphore, #tpu.memory_space<semaphore_mem>>
    %dma_wait3A_415 = arith.constant 0 : i32
    %dma_wait3A_416 = tpu.memref_slice %arg12[%mul3A_404, %dma_wait3A_415] : memref<10240x128xf32, #tpu.memory_space<vmem_shared>> -> memref<40x128xf32, #tpu.memory_space<vmem_shared>>
    %dma_wait3A_417 = arith.constant 0 : i32
    %dma_wait3A_418 = arith.constant 0 : i32
    %dma_wait3A_419 = tpu.memref_slice %arg9[%dma_wait3A_405, %dma_wait3A_417, %dma_wait3A_418] : memref<7x40x128xf32, #tpu.memory_space<vmem>> -> memref<1x40x128xf32, #tpu.memory_space<vmem>>
    %dma_wait3A_420 = tpu.memref_squeeze %dma_wait3A_419 : memref<1x40x128xf32, #tpu.memory_space<vmem>> -> memref<40x128xf32, #tpu.memory_space<vmem>>
    tpu.wait_dma2 semaphore(%dma_wait3A_414 : memref<!tpu.dma_semaphore, #tpu.memory_space<semaphore_mem>>) src(%dma_wait3A_420 : memref<40x128xf32, #tpu.memory_space<vmem>>) dst(%dma_wait3A_416 : memref<40x128xf32, #tpu.memory_space<vmem_shared>>)
    %mul3A_421 = arith.constant 640 : i32
    %mul3A_422 = arith.muli %arg1, %mul3A_421 : i32
    %dma_wait3A_423 = arith.constant 0 : i32
    %dma_wait3A_424 = arith.constant 0 : i32
    %dma_wait3A_425 = arith.constant 0 : i32
    %dma_wait3A_426 = arith.constant 0 : i32
    %dma_wait3A_427 = tpu.memref_slice %arg9[%dma_wait3A_423, %dma_wait3A_425, %dma_wait3A_426] : memref<7x40x128xf32, #tpu.memory_space<vmem>> -> memref<1x40x128xf32, #tpu.memory_space<vmem>>
    %dma_wait3A_428 = tpu.memref_squeeze %dma_wait3A_427 : memref<1x40x128xf32, #tpu.memory_space<vmem>> -> memref<40x128xf32, #tpu.memory_space<vmem>>
    %dma_wait3A_429 = arith.constant 0 : i32
    %dma_wait3A_430 = tpu.memref_slice %arg12[%mul3A_422, %dma_wait3A_429] : memref<10240x128xf32, #tpu.memory_space<vmem_shared>> -> memref<40x128xf32, #tpu.memory_space<vmem_shared>>
    %dma_wait3A_431 = tpu.memref_slice %arg14[%dma_wait3A_424] : memref<4x!tpu.dma_semaphore, #tpu.memory_space<semaphore_mem>> -> memref<1x!tpu.dma_semaphore, #tpu.memory_space<semaphore_mem>>
    %dma_wait3A_432 = tpu.memref_squeeze %dma_wait3A_431 : memref<1x!tpu.dma_semaphore, #tpu.memory_space<semaphore_mem>> -> memref<!tpu.dma_semaphore, #tpu.memory_space<semaphore_mem>>
    %dma_wait3A_433 = arith.constant 0 : i32
    %dma_wait3A_434 = tpu.memref_slice %arg12[%mul3A_422, %dma_wait3A_433] : memref<10240x128xf32, #tpu.memory_space<vmem_shared>> -> memref<40x128xf32, #tpu.memory_space<vmem_shared>>
    %dma_wait3A_435 = arith.constant 0 : i32
    %dma_wait3A_436 = arith.constant 0 : i32
    %dma_wait3A_437 = tpu.memref_slice %arg9[%dma_wait3A_423, %dma_wait3A_435, %dma_wait3A_436] : memref<7x40x128xf32, #tpu.memory_space<vmem>> -> memref<1x40x128xf32, #tpu.memory_space<vmem>>
    %dma_wait3A_438 = tpu.memref_squeeze %dma_wait3A_437 : memref<1x40x128xf32, #tpu.memory_space<vmem>> -> memref<40x128xf32, #tpu.memory_space<vmem>>
    tpu.wait_dma2 semaphore(%dma_wait3A_432 : memref<!tpu.dma_semaphore, #tpu.memory_space<semaphore_mem>>) src(%dma_wait3A_438 : memref<40x128xf32, #tpu.memory_space<vmem>>) dst(%dma_wait3A_434 : memref<40x128xf32, #tpu.memory_space<vmem_shared>>)
    %mul3A_439 = arith.constant 640 : i32
    %mul3A_440 = arith.muli %arg1, %mul3A_439 : i32
    %dma_wait3A_441 = arith.constant 0 : i32
    %dma_wait3A_442 = arith.constant 0 : i32
    %dma_wait3A_443 = arith.constant 0 : i32
    %dma_wait3A_444 = arith.constant 0 : i32
    %dma_wait3A_445 = tpu.memref_slice %arg9[%dma_wait3A_441, %dma_wait3A_443, %dma_wait3A_444] : memref<7x40x128xf32, #tpu.memory_space<vmem>> -> memref<1x40x128xf32, #tpu.memory_space<vmem>>
    %dma_wait3A_446 = tpu.memref_squeeze %dma_wait3A_445 : memref<1x40x128xf32, #tpu.memory_space<vmem>> -> memref<40x128xf32, #tpu.memory_space<vmem>>
    %dma_wait3A_447 = arith.constant 0 : i32
    %dma_wait3A_448 = tpu.memref_slice %arg12[%mul3A_440, %dma_wait3A_447] : memref<10240x128xf32, #tpu.memory_space<vmem_shared>> -> memref<40x128xf32, #tpu.memory_space<vmem_shared>>
    %dma_wait3A_449 = tpu.memref_slice %arg14[%dma_wait3A_442] : memref<4x!tpu.dma_semaphore, #tpu.memory_space<semaphore_mem>> -> memref<1x!tpu.dma_semaphore, #tpu.memory_space<semaphore_mem>>
    %dma_wait3A_450 = tpu.memref_squeeze %dma_wait3A_449 : memref<1x!tpu.dma_semaphore, #tpu.memory_space<semaphore_mem>> -> memref<!tpu.dma_semaphore, #tpu.memory_space<semaphore_mem>>
    %dma_wait3A_451 = arith.constant 0 : i32
    %dma_wait3A_452 = tpu.memref_slice %arg12[%mul3A_440, %dma_wait3A_451] : memref<10240x128xf32, #tpu.memory_space<vmem_shared>> -> memref<40x128xf32, #tpu.memory_space<vmem_shared>>
    %dma_wait3A_453 = arith.constant 0 : i32
    %dma_wait3A_454 = arith.constant 0 : i32
    %dma_wait3A_455 = tpu.memref_slice %arg9[%dma_wait3A_441, %dma_wait3A_453, %dma_wait3A_454] : memref<7x40x128xf32, #tpu.memory_space<vmem>> -> memref<1x40x128xf32, #tpu.memory_space<vmem>>
    %dma_wait3A_456 = tpu.memref_squeeze %dma_wait3A_455 : memref<1x40x128xf32, #tpu.memory_space<vmem>> -> memref<40x128xf32, #tpu.memory_space<vmem>>
    tpu.wait_dma2 semaphore(%dma_wait3A_450 : memref<!tpu.dma_semaphore, #tpu.memory_space<semaphore_mem>>) src(%dma_wait3A_456 : memref<40x128xf32, #tpu.memory_space<vmem>>) dst(%dma_wait3A_452 : memref<40x128xf32, #tpu.memory_space<vmem_shared>>)
    %mul3A_457 = arith.constant 640 : i32
    %mul3A_458 = arith.muli %arg1, %mul3A_457 : i32
    %dma_wait3A_459 = arith.constant 0 : i32
    %dma_wait3A_460 = arith.constant 0 : i32
    %dma_wait3A_461 = arith.constant 0 : i32
    %dma_wait3A_462 = arith.constant 0 : i32
    %dma_wait3A_463 = tpu.memref_slice %arg9[%dma_wait3A_459, %dma_wait3A_461, %dma_wait3A_462] : memref<7x40x128xf32, #tpu.memory_space<vmem>> -> memref<1x40x128xf32, #tpu.memory_space<vmem>>
    %dma_wait3A_464 = tpu.memref_squeeze %dma_wait3A_463 : memref<1x40x128xf32, #tpu.memory_space<vmem>> -> memref<40x128xf32, #tpu.memory_space<vmem>>
    %dma_wait3A_465 = arith.constant 0 : i32
    %dma_wait3A_466 = tpu.memref_slice %arg12[%mul3A_458, %dma_wait3A_465] : memref<10240x128xf32, #tpu.memory_space<vmem_shared>> -> memref<40x128xf32, #tpu.memory_space<vmem_shared>>
    %dma_wait3A_467 = tpu.memref_slice %arg14[%dma_wait3A_460] : memref<4x!tpu.dma_semaphore, #tpu.memory_space<semaphore_mem>> -> memref<1x!tpu.dma_semaphore, #tpu.memory_space<semaphore_mem>>
    %dma_wait3A_468 = tpu.memref_squeeze %dma_wait3A_467 : memref<1x!tpu.dma_semaphore, #tpu.memory_space<semaphore_mem>> -> memref<!tpu.dma_semaphore, #tpu.memory_space<semaphore_mem>>
    %dma_wait3A_469 = arith.constant 0 : i32
    %dma_wait3A_470 = tpu.memref_slice %arg12[%mul3A_458, %dma_wait3A_469] : memref<10240x128xf32, #tpu.memory_space<vmem_shared>> -> memref<40x128xf32, #tpu.memory_space<vmem_shared>>
    %dma_wait3A_471 = arith.constant 0 : i32
    %dma_wait3A_472 = arith.constant 0 : i32
    %dma_wait3A_473 = tpu.memref_slice %arg9[%dma_wait3A_459, %dma_wait3A_471, %dma_wait3A_472] : memref<7x40x128xf32, #tpu.memory_space<vmem>> -> memref<1x40x128xf32, #tpu.memory_space<vmem>>
    %dma_wait3A_474 = tpu.memref_squeeze %dma_wait3A_473 : memref<1x40x128xf32, #tpu.memory_space<vmem>> -> memref<40x128xf32, #tpu.memory_space<vmem>>
    tpu.wait_dma2 semaphore(%dma_wait3A_468 : memref<!tpu.dma_semaphore, #tpu.memory_space<semaphore_mem>>) src(%dma_wait3A_474 : memref<40x128xf32, #tpu.memory_space<vmem>>) dst(%dma_wait3A_470 : memref<40x128xf32, #tpu.memory_space<vmem_shared>>)
    %mul3A_475 = arith.constant 640 : i32
    %mul3A_476 = arith.muli %arg1, %mul3A_475 : i32
    %dma_wait3A_477 = arith.constant 0 : i32
    %dma_wait3A_478 = arith.constant 0 : i32
    %dma_wait3A_479 = arith.constant 0 : i32
    %dma_wait3A_480 = arith.constant 0 : i32
    %dma_wait3A_481 = tpu.memref_slice %arg9[%dma_wait3A_477, %dma_wait3A_479, %dma_wait3A_480] : memref<7x40x128xf32, #tpu.memory_space<vmem>> -> memref<1x40x128xf32, #tpu.memory_space<vmem>>
    %dma_wait3A_482 = tpu.memref_squeeze %dma_wait3A_481 : memref<1x40x128xf32, #tpu.memory_space<vmem>> -> memref<40x128xf32, #tpu.memory_space<vmem>>
    %dma_wait3A_483 = arith.constant 0 : i32
    %dma_wait3A_484 = tpu.memref_slice %arg12[%mul3A_476, %dma_wait3A_483] : memref<10240x128xf32, #tpu.memory_space<vmem_shared>> -> memref<40x128xf32, #tpu.memory_space<vmem_shared>>
    %dma_wait3A_485 = tpu.memref_slice %arg14[%dma_wait3A_478] : memref<4x!tpu.dma_semaphore, #tpu.memory_space<semaphore_mem>> -> memref<1x!tpu.dma_semaphore, #tpu.memory_space<semaphore_mem>>
    %dma_wait3A_486 = tpu.memref_squeeze %dma_wait3A_485 : memref<1x!tpu.dma_semaphore, #tpu.memory_space<semaphore_mem>> -> memref<!tpu.dma_semaphore, #tpu.memory_space<semaphore_mem>>
    %dma_wait3A_487 = arith.constant 0 : i32
    %dma_wait3A_488 = tpu.memref_slice %arg12[%mul3A_476, %dma_wait3A_487] : memref<10240x128xf32, #tpu.memory_space<vmem_shared>> -> memref<40x128xf32, #tpu.memory_space<vmem_shared>>
    %dma_wait3A_489 = arith.constant 0 : i32
    %dma_wait3A_490 = arith.constant 0 : i32
    %dma_wait3A_491 = tpu.memref_slice %arg9[%dma_wait3A_477, %dma_wait3A_489, %dma_wait3A_490] : memref<7x40x128xf32, #tpu.memory_space<vmem>> -> memref<1x40x128xf32, #tpu.memory_space<vmem>>
    %dma_wait3A_492 = tpu.memref_squeeze %dma_wait3A_491 : memref<1x40x128xf32, #tpu.memory_space<vmem>> -> memref<40x128xf32, #tpu.memory_space<vmem>>
    tpu.wait_dma2 semaphore(%dma_wait3A_486 : memref<!tpu.dma_semaphore, #tpu.memory_space<semaphore_mem>>) src(%dma_wait3A_492 : memref<40x128xf32, #tpu.memory_space<vmem>>) dst(%dma_wait3A_488 : memref<40x128xf32, #tpu.memory_space<vmem_shared>>)
    %mul3A_493 = arith.constant 640 : i32
    %mul3A_494 = arith.muli %arg1, %mul3A_493 : i32
    %dma_wait3A_495 = arith.constant 0 : i32
    %dma_wait3A_496 = arith.constant 0 : i32
    %dma_wait3A_497 = arith.constant 0 : i32
    %dma_wait3A_498 = arith.constant 0 : i32
    %dma_wait3A_499 = tpu.memref_slice %arg9[%dma_wait3A_495, %dma_wait3A_497, %dma_wait3A_498] : memref<7x40x128xf32, #tpu.memory_space<vmem>> -> memref<1x40x128xf32, #tpu.memory_space<vmem>>
    %dma_wait3A_500 = tpu.memref_squeeze %dma_wait3A_499 : memref<1x40x128xf32, #tpu.memory_space<vmem>> -> memref<40x128xf32, #tpu.memory_space<vmem>>
    %dma_wait3A_501 = arith.constant 0 : i32
    %dma_wait3A_502 = tpu.memref_slice %arg12[%mul3A_494, %dma_wait3A_501] : memref<10240x128xf32, #tpu.memory_space<vmem_shared>> -> memref<40x128xf32, #tpu.memory_space<vmem_shared>>
    %dma_wait3A_503 = tpu.memref_slice %arg14[%dma_wait3A_496] : memref<4x!tpu.dma_semaphore, #tpu.memory_space<semaphore_mem>> -> memref<1x!tpu.dma_semaphore, #tpu.memory_space<semaphore_mem>>
    %dma_wait3A_504 = tpu.memref_squeeze %dma_wait3A_503 : memref<1x!tpu.dma_semaphore, #tpu.memory_space<semaphore_mem>> -> memref<!tpu.dma_semaphore, #tpu.memory_space<semaphore_mem>>
    %dma_wait3A_505 = arith.constant 0 : i32
    %dma_wait3A_506 = tpu.memref_slice %arg12[%mul3A_494, %dma_wait3A_505] : memref<10240x128xf32, #tpu.memory_space<vmem_shared>> -> memref<40x128xf32, #tpu.memory_space<vmem_shared>>
    %dma_wait3A_507 = arith.constant 0 : i32
    %dma_wait3A_508 = arith.constant 0 : i32
    %dma_wait3A_509 = tpu.memref_slice %arg9[%dma_wait3A_495, %dma_wait3A_507, %dma_wait3A_508] : memref<7x40x128xf32, #tpu.memory_space<vmem>> -> memref<1x40x128xf32, #tpu.memory_space<vmem>>
    %dma_wait3A_510 = tpu.memref_squeeze %dma_wait3A_509 : memref<1x40x128xf32, #tpu.memory_space<vmem>> -> memref<40x128xf32, #tpu.memory_space<vmem>>
    tpu.wait_dma2 semaphore(%dma_wait3A_504 : memref<!tpu.dma_semaphore, #tpu.memory_space<semaphore_mem>>) src(%dma_wait3A_510 : memref<40x128xf32, #tpu.memory_space<vmem>>) dst(%dma_wait3A_506 : memref<40x128xf32, #tpu.memory_space<vmem_shared>>)
    %mul3A_511 = arith.constant 640 : i32
    %mul3A_512 = arith.muli %arg1, %mul3A_511 : i32
    %dma_wait3A_513 = arith.constant 0 : i32
    %dma_wait3A_514 = arith.constant 0 : i32
    %dma_wait3A_515 = arith.constant 0 : i32
    %dma_wait3A_516 = arith.constant 0 : i32
    %dma_wait3A_517 = tpu.memref_slice %arg9[%dma_wait3A_513, %dma_wait3A_515, %dma_wait3A_516] : memref<7x40x128xf32, #tpu.memory_space<vmem>> -> memref<1x40x128xf32, #tpu.memory_space<vmem>>
    %dma_wait3A_518 = tpu.memref_squeeze %dma_wait3A_517 : memref<1x40x128xf32, #tpu.memory_space<vmem>> -> memref<40x128xf32, #tpu.memory_space<vmem>>
    %dma_wait3A_519 = arith.constant 0 : i32
    %dma_wait3A_520 = tpu.memref_slice %arg12[%mul3A_512, %dma_wait3A_519] : memref<10240x128xf32, #tpu.memory_space<vmem_shared>> -> memref<40x128xf32, #tpu.memory_space<vmem_shared>>
    %dma_wait3A_521 = tpu.memref_slice %arg14[%dma_wait3A_514] : memref<4x!tpu.dma_semaphore, #tpu.memory_space<semaphore_mem>> -> memref<1x!tpu.dma_semaphore, #tpu.memory_space<semaphore_mem>>
    %dma_wait3A_522 = tpu.memref_squeeze %dma_wait3A_521 : memref<1x!tpu.dma_semaphore, #tpu.memory_space<semaphore_mem>> -> memref<!tpu.dma_semaphore, #tpu.memory_space<semaphore_mem>>
    %dma_wait3A_523 = arith.constant 0 : i32
    %dma_wait3A_524 = tpu.memref_slice %arg12[%mul3A_512, %dma_wait3A_523] : memref<10240x128xf32, #tpu.memory_space<vmem_shared>> -> memref<40x128xf32, #tpu.memory_space<vmem_shared>>
    %dma_wait3A_525 = arith.constant 0 : i32
    %dma_wait3A_526 = arith.constant 0 : i32
    %dma_wait3A_527 = tpu.memref_slice %arg9[%dma_wait3A_513, %dma_wait3A_525, %dma_wait3A_526] : memref<7x40x128xf32, #tpu.memory_space<vmem>> -> memref<1x40x128xf32, #tpu.memory_space<vmem>>
    %dma_wait3A_528 = tpu.memref_squeeze %dma_wait3A_527 : memref<1x40x128xf32, #tpu.memory_space<vmem>> -> memref<40x128xf32, #tpu.memory_space<vmem>>
    tpu.wait_dma2 semaphore(%dma_wait3A_522 : memref<!tpu.dma_semaphore, #tpu.memory_space<semaphore_mem>>) src(%dma_wait3A_528 : memref<40x128xf32, #tpu.memory_space<vmem>>) dst(%dma_wait3A_524 : memref<40x128xf32, #tpu.memory_space<vmem_shared>>)
    %mul3A_529 = arith.constant 640 : i32
    %mul3A_530 = arith.muli %arg1, %mul3A_529 : i32
    %dma_wait3A_531 = arith.constant 0 : i32
    %dma_wait3A_532 = arith.constant 0 : i32
    %dma_wait3A_533 = arith.constant 0 : i32
    %dma_wait3A_534 = arith.constant 0 : i32
    %dma_wait3A_535 = tpu.memref_slice %arg9[%dma_wait3A_531, %dma_wait3A_533, %dma_wait3A_534] : memref<7x40x128xf32, #tpu.memory_space<vmem>> -> memref<1x40x128xf32, #tpu.memory_space<vmem>>
    %dma_wait3A_536 = tpu.memref_squeeze %dma_wait3A_535 : memref<1x40x128xf32, #tpu.memory_space<vmem>> -> memref<40x128xf32, #tpu.memory_space<vmem>>
    %dma_wait3A_537 = arith.constant 0 : i32
    %dma_wait3A_538 = tpu.memref_slice %arg12[%mul3A_530, %dma_wait3A_537] : memref<10240x128xf32, #tpu.memory_space<vmem_shared>> -> memref<40x128xf32, #tpu.memory_space<vmem_shared>>
    %dma_wait3A_539 = tpu.memref_slice %arg14[%dma_wait3A_532] : memref<4x!tpu.dma_semaphore, #tpu.memory_space<semaphore_mem>> -> memref<1x!tpu.dma_semaphore, #tpu.memory_space<semaphore_mem>>
    %dma_wait3A_540 = tpu.memref_squeeze %dma_wait3A_539 : memref<1x!tpu.dma_semaphore, #tpu.memory_space<semaphore_mem>> -> memref<!tpu.dma_semaphore, #tpu.memory_space<semaphore_mem>>
    %dma_wait3A_541 = arith.constant 0 : i32
    %dma_wait3A_542 = tpu.memref_slice %arg12[%mul3A_530, %dma_wait3A_541] : memref<10240x128xf32, #tpu.memory_space<vmem_shared>> -> memref<40x128xf32, #tpu.memory_space<vmem_shared>>
    %dma_wait3A_543 = arith.constant 0 : i32
    %dma_wait3A_544 = arith.constant 0 : i32
    %dma_wait3A_545 = tpu.memref_slice %arg9[%dma_wait3A_531, %dma_wait3A_543, %dma_wait3A_544] : memref<7x40x128xf32, #tpu.memory_space<vmem>> -> memref<1x40x128xf32, #tpu.memory_space<vmem>>
    %dma_wait3A_546 = tpu.memref_squeeze %dma_wait3A_545 : memref<1x40x128xf32, #tpu.memory_space<vmem>> -> memref<40x128xf32, #tpu.memory_space<vmem>>
    tpu.wait_dma2 semaphore(%dma_wait3A_540 : memref<!tpu.dma_semaphore, #tpu.memory_space<semaphore_mem>>) src(%dma_wait3A_546 : memref<40x128xf32, #tpu.memory_space<vmem>>) dst(%dma_wait3A_542 : memref<40x128xf32, #tpu.memory_space<vmem_shared>>)
    %mul3A_547 = arith.constant 640 : i32
    %mul3A_548 = arith.muli %arg1, %mul3A_547 : i32
    %dma_wait3A_549 = arith.constant 0 : i32
    %dma_wait3A_550 = arith.constant 0 : i32
    %dma_wait3A_551 = arith.constant 0 : i32
    %dma_wait3A_552 = arith.constant 0 : i32
    %dma_wait3A_553 = tpu.memref_slice %arg9[%dma_wait3A_549, %dma_wait3A_551, %dma_wait3A_552] : memref<7x40x128xf32, #tpu.memory_space<vmem>> -> memref<1x40x128xf32, #tpu.memory_space<vmem>>
    %dma_wait3A_554 = tpu.memref_squeeze %dma_wait3A_553 : memref<1x40x128xf32, #tpu.memory_space<vmem>> -> memref<40x128xf32, #tpu.memory_space<vmem>>
    %dma_wait3A_555 = arith.constant 0 : i32
    %dma_wait3A_556 = tpu.memref_slice %arg12[%mul3A_548, %dma_wait3A_555] : memref<10240x128xf32, #tpu.memory_space<vmem_shared>> -> memref<40x128xf32, #tpu.memory_space<vmem_shared>>
    %dma_wait3A_557 = tpu.memref_slice %arg14[%dma_wait3A_550] : memref<4x!tpu.dma_semaphore, #tpu.memory_space<semaphore_mem>> -> memref<1x!tpu.dma_semaphore, #tpu.memory_space<semaphore_mem>>
    %dma_wait3A_558 = tpu.memref_squeeze %dma_wait3A_557 : memref<1x!tpu.dma_semaphore, #tpu.memory_space<semaphore_mem>> -> memref<!tpu.dma_semaphore, #tpu.memory_space<semaphore_mem>>
    %dma_wait3A_559 = arith.constant 0 : i32
    %dma_wait3A_560 = tpu.memref_slice %arg12[%mul3A_548, %dma_wait3A_559] : memref<10240x128xf32, #tpu.memory_space<vmem_shared>> -> memref<40x128xf32, #tpu.memory_space<vmem_shared>>
    %dma_wait3A_561 = arith.constant 0 : i32
    %dma_wait3A_562 = arith.constant 0 : i32
    %dma_wait3A_563 = tpu.memref_slice %arg9[%dma_wait3A_549, %dma_wait3A_561, %dma_wait3A_562] : memref<7x40x128xf32, #tpu.memory_space<vmem>> -> memref<1x40x128xf32, #tpu.memory_space<vmem>>
    %dma_wait3A_564 = tpu.memref_squeeze %dma_wait3A_563 : memref<1x40x128xf32, #tpu.memory_space<vmem>> -> memref<40x128xf32, #tpu.memory_space<vmem>>
    tpu.wait_dma2 semaphore(%dma_wait3A_558 : memref<!tpu.dma_semaphore, #tpu.memory_space<semaphore_mem>>) src(%dma_wait3A_564 : memref<40x128xf32, #tpu.memory_space<vmem>>) dst(%dma_wait3A_560 : memref<40x128xf32, #tpu.memory_space<vmem_shared>>)
    %mul3A_565 = arith.constant 640 : i32
    %mul3A_566 = arith.muli %arg1, %mul3A_565 : i32
    %dma_wait3A_567 = arith.constant 0 : i32
    %dma_wait3A_568 = arith.constant 0 : i32
    %dma_wait3A_569 = arith.constant 0 : i32
    %dma_wait3A_570 = arith.constant 0 : i32
    %dma_wait3A_571 = tpu.memref_slice %arg9[%dma_wait3A_567, %dma_wait3A_569, %dma_wait3A_570] : memref<7x40x128xf32, #tpu.memory_space<vmem>> -> memref<1x40x128xf32, #tpu.memory_space<vmem>>
    %dma_wait3A_572 = tpu.memref_squeeze %dma_wait3A_571 : memref<1x40x128xf32, #tpu.memory_space<vmem>> -> memref<40x128xf32, #tpu.memory_space<vmem>>
    %dma_wait3A_573 = arith.constant 0 : i32
    %dma_wait3A_574 = tpu.memref_slice %arg12[%mul3A_566, %dma_wait3A_573] : memref<10240x128xf32, #tpu.memory_space<vmem_shared>> -> memref<40x128xf32, #tpu.memory_space<vmem_shared>>
    %dma_wait3A_575 = tpu.memref_slice %arg14[%dma_wait3A_568] : memref<4x!tpu.dma_semaphore, #tpu.memory_space<semaphore_mem>> -> memref<1x!tpu.dma_semaphore, #tpu.memory_space<semaphore_mem>>
    %dma_wait3A_576 = tpu.memref_squeeze %dma_wait3A_575 : memref<1x!tpu.dma_semaphore, #tpu.memory_space<semaphore_mem>> -> memref<!tpu.dma_semaphore, #tpu.memory_space<semaphore_mem>>
    %dma_wait3A_577 = arith.constant 0 : i32
    %dma_wait3A_578 = tpu.memref_slice %arg12[%mul3A_566, %dma_wait3A_577] : memref<10240x128xf32, #tpu.memory_space<vmem_shared>> -> memref<40x128xf32, #tpu.memory_space<vmem_shared>>
    %dma_wait3A_579 = arith.constant 0 : i32
    %dma_wait3A_580 = arith.constant 0 : i32
    %dma_wait3A_581 = tpu.memref_slice %arg9[%dma_wait3A_567, %dma_wait3A_579, %dma_wait3A_580] : memref<7x40x128xf32, #tpu.memory_space<vmem>> -> memref<1x40x128xf32, #tpu.memory_space<vmem>>
    %dma_wait3A_582 = tpu.memref_squeeze %dma_wait3A_581 : memref<1x40x128xf32, #tpu.memory_space<vmem>> -> memref<40x128xf32, #tpu.memory_space<vmem>>
    tpu.wait_dma2 semaphore(%dma_wait3A_576 : memref<!tpu.dma_semaphore, #tpu.memory_space<semaphore_mem>>) src(%dma_wait3A_582 : memref<40x128xf32, #tpu.memory_space<vmem>>) dst(%dma_wait3A_578 : memref<40x128xf32, #tpu.memory_space<vmem_shared>>)
    %mul3A_583 = arith.constant 640 : i32
    %mul3A_584 = arith.muli %arg1, %mul3A_583 : i32
    %dma_wait3A_585 = arith.constant 0 : i32
    %dma_wait3A_586 = arith.constant 0 : i32
    %dma_wait3A_587 = arith.constant 0 : i32
    %dma_wait3A_588 = arith.constant 0 : i32
    %dma_wait3A_589 = tpu.memref_slice %arg9[%dma_wait3A_585, %dma_wait3A_587, %dma_wait3A_588] : memref<7x40x128xf32, #tpu.memory_space<vmem>> -> memref<1x40x128xf32, #tpu.memory_space<vmem>>
    %dma_wait3A_590 = tpu.memref_squeeze %dma_wait3A_589 : memref<1x40x128xf32, #tpu.memory_space<vmem>> -> memref<40x128xf32, #tpu.memory_space<vmem>>
    %dma_wait3A_591 = arith.constant 0 : i32
    %dma_wait3A_592 = tpu.memref_slice %arg12[%mul3A_584, %dma_wait3A_591] : memref<10240x128xf32, #tpu.memory_space<vmem_shared>> -> memref<40x128xf32, #tpu.memory_space<vmem_shared>>
    %dma_wait3A_593 = tpu.memref_slice %arg14[%dma_wait3A_586] : memref<4x!tpu.dma_semaphore, #tpu.memory_space<semaphore_mem>> -> memref<1x!tpu.dma_semaphore, #tpu.memory_space<semaphore_mem>>
    %dma_wait3A_594 = tpu.memref_squeeze %dma_wait3A_593 : memref<1x!tpu.dma_semaphore, #tpu.memory_space<semaphore_mem>> -> memref<!tpu.dma_semaphore, #tpu.memory_space<semaphore_mem>>
    %dma_wait3A_595 = arith.constant 0 : i32
    %dma_wait3A_596 = tpu.memref_slice %arg12[%mul3A_584, %dma_wait3A_595] : memref<10240x128xf32, #tpu.memory_space<vmem_shared>> -> memref<40x128xf32, #tpu.memory_space<vmem_shared>>
    %dma_wait3A_597 = arith.constant 0 : i32
    %dma_wait3A_598 = arith.constant 0 : i32
    %dma_wait3A_599 = tpu.memref_slice %arg9[%dma_wait3A_585, %dma_wait3A_597, %dma_wait3A_598] : memref<7x40x128xf32, #tpu.memory_space<vmem>> -> memref<1x40x128xf32, #tpu.memory_space<vmem>>
    %dma_wait3A_600 = tpu.memref_squeeze %dma_wait3A_599 : memref<1x40x128xf32, #tpu.memory_space<vmem>> -> memref<40x128xf32, #tpu.memory_space<vmem>>
    tpu.wait_dma2 semaphore(%dma_wait3A_594 : memref<!tpu.dma_semaphore, #tpu.memory_space<semaphore_mem>>) src(%dma_wait3A_600 : memref<40x128xf32, #tpu.memory_space<vmem>>) dst(%dma_wait3A_596 : memref<40x128xf32, #tpu.memory_space<vmem_shared>>)
    %mul3A_601 = arith.constant 640 : i32
    %mul3A_602 = arith.muli %arg1, %mul3A_601 : i32
    %dma_wait3A_603 = arith.constant 0 : i32
    %dma_wait3A_604 = arith.constant 0 : i32
    %dma_wait3A_605 = arith.constant 0 : i32
    %dma_wait3A_606 = arith.constant 0 : i32
    %dma_wait3A_607 = tpu.memref_slice %arg9[%dma_wait3A_603, %dma_wait3A_605, %dma_wait3A_606] : memref<7x40x128xf32, #tpu.memory_space<vmem>> -> memref<1x40x128xf32, #tpu.memory_space<vmem>>
    %dma_wait3A_608 = tpu.memref_squeeze %dma_wait3A_607 : memref<1x40x128xf32, #tpu.memory_space<vmem>> -> memref<40x128xf32, #tpu.memory_space<vmem>>
    %dma_wait3A_609 = arith.constant 0 : i32
    %dma_wait3A_610 = tpu.memref_slice %arg12[%mul3A_602, %dma_wait3A_609] : memref<10240x128xf32, #tpu.memory_space<vmem_shared>> -> memref<40x128xf32, #tpu.memory_space<vmem_shared>>
    %dma_wait3A_611 = tpu.memref_slice %arg14[%dma_wait3A_604] : memref<4x!tpu.dma_semaphore, #tpu.memory_space<semaphore_mem>> -> memref<1x!tpu.dma_semaphore, #tpu.memory_space<semaphore_mem>>
    %dma_wait3A_612 = tpu.memref_squeeze %dma_wait3A_611 : memref<1x!tpu.dma_semaphore, #tpu.memory_space<semaphore_mem>> -> memref<!tpu.dma_semaphore, #tpu.memory_space<semaphore_mem>>
    %dma_wait3A_613 = arith.constant 0 : i32
    %dma_wait3A_614 = tpu.memref_slice %arg12[%mul3A_602, %dma_wait3A_613] : memref<10240x128xf32, #tpu.memory_space<vmem_shared>> -> memref<40x128xf32, #tpu.memory_space<vmem_shared>>
    %dma_wait3A_615 = arith.constant 0 : i32
    %dma_wait3A_616 = arith.constant 0 : i32
    %dma_wait3A_617 = tpu.memref_slice %arg9[%dma_wait3A_603, %dma_wait3A_615, %dma_wait3A_616] : memref<7x40x128xf32, #tpu.memory_space<vmem>> -> memref<1x40x128xf32, #tpu.memory_space<vmem>>
    %dma_wait3A_618 = tpu.memref_squeeze %dma_wait3A_617 : memref<1x40x128xf32, #tpu.memory_space<vmem>> -> memref<40x128xf32, #tpu.memory_space<vmem>>
    tpu.wait_dma2 semaphore(%dma_wait3A_612 : memref<!tpu.dma_semaphore, #tpu.memory_space<semaphore_mem>>) src(%dma_wait3A_618 : memref<40x128xf32, #tpu.memory_space<vmem>>) dst(%dma_wait3A_614 : memref<40x128xf32, #tpu.memory_space<vmem_shared>>)
    %mul3A_619 = arith.constant 640 : i32
    %mul3A_620 = arith.muli %arg1, %mul3A_619 : i32
    %dma_wait3A_621 = arith.constant 0 : i32
    %dma_wait3A_622 = arith.constant 0 : i32
    %dma_wait3A_623 = arith.constant 0 : i32
    %dma_wait3A_624 = arith.constant 0 : i32
    %dma_wait3A_625 = tpu.memref_slice %arg9[%dma_wait3A_621, %dma_wait3A_623, %dma_wait3A_624] : memref<7x40x128xf32, #tpu.memory_space<vmem>> -> memref<1x40x128xf32, #tpu.memory_space<vmem>>
    %dma_wait3A_626 = tpu.memref_squeeze %dma_wait3A_625 : memref<1x40x128xf32, #tpu.memory_space<vmem>> -> memref<40x128xf32, #tpu.memory_space<vmem>>
    %dma_wait3A_627 = arith.constant 0 : i32
    %dma_wait3A_628 = tpu.memref_slice %arg12[%mul3A_620, %dma_wait3A_627] : memref<10240x128xf32, #tpu.memory_space<vmem_shared>> -> memref<40x128xf32, #tpu.memory_space<vmem_shared>>
    %dma_wait3A_629 = tpu.memref_slice %arg14[%dma_wait3A_622] : memref<4x!tpu.dma_semaphore, #tpu.memory_space<semaphore_mem>> -> memref<1x!tpu.dma_semaphore, #tpu.memory_space<semaphore_mem>>
    %dma_wait3A_630 = tpu.memref_squeeze %dma_wait3A_629 : memref<1x!tpu.dma_semaphore, #tpu.memory_space<semaphore_mem>> -> memref<!tpu.dma_semaphore, #tpu.memory_space<semaphore_mem>>
    %dma_wait3A_631 = arith.constant 0 : i32
    %dma_wait3A_632 = tpu.memref_slice %arg12[%mul3A_620, %dma_wait3A_631] : memref<10240x128xf32, #tpu.memory_space<vmem_shared>> -> memref<40x128xf32, #tpu.memory_space<vmem_shared>>
    %dma_wait3A_633 = arith.constant 0 : i32
    %dma_wait3A_634 = arith.constant 0 : i32
    %dma_wait3A_635 = tpu.memref_slice %arg9[%dma_wait3A_621, %dma_wait3A_633, %dma_wait3A_634] : memref<7x40x128xf32, #tpu.memory_space<vmem>> -> memref<1x40x128xf32, #tpu.memory_space<vmem>>
    %dma_wait3A_636 = tpu.memref_squeeze %dma_wait3A_635 : memref<1x40x128xf32, #tpu.memory_space<vmem>> -> memref<40x128xf32, #tpu.memory_space<vmem>>
    tpu.wait_dma2 semaphore(%dma_wait3A_630 : memref<!tpu.dma_semaphore, #tpu.memory_space<semaphore_mem>>) src(%dma_wait3A_636 : memref<40x128xf32, #tpu.memory_space<vmem>>) dst(%dma_wait3A_632 : memref<40x128xf32, #tpu.memory_space<vmem_shared>>)
    %mul3A_637 = arith.constant 640 : i32
    %mul3A_638 = arith.muli %arg1, %mul3A_637 : i32
    %dma_wait3A_639 = arith.constant 0 : i32
    %dma_wait3A_640 = tpu.memref_slice %arg13[%mul3A_638] : memref<10240xf32, #tpu.memory_space<vmem_shared>> -> memref<640xf32, #tpu.memory_space<vmem_shared>>
    %dma_wait3A_641 = tpu.memref_slice %arg14[%dma_wait3A_639] : memref<4x!tpu.dma_semaphore, #tpu.memory_space<semaphore_mem>> -> memref<1x!tpu.dma_semaphore, #tpu.memory_space<semaphore_mem>>
    %dma_wait3A_642 = tpu.memref_squeeze %dma_wait3A_641 : memref<1x!tpu.dma_semaphore, #tpu.memory_space<semaphore_mem>> -> memref<!tpu.dma_semaphore, #tpu.memory_space<semaphore_mem>>
    %dma_wait3A_643 = tpu.memref_slice %arg13[%mul3A_638] : memref<10240xf32, #tpu.memory_space<vmem_shared>> -> memref<640xf32, #tpu.memory_space<vmem_shared>>
    tpu.wait_dma2 semaphore(%dma_wait3A_642 : memref<!tpu.dma_semaphore, #tpu.memory_space<semaphore_mem>>) src(%arg11 : memref<640xf32, #tpu.memory_space<vmem>>) dst(%dma_wait3A_643 : memref<640xf32, #tpu.memory_space<vmem_shared>>)
    %barrier3A = arith.constant 0 : index
    tpu.barrier barrier_id(%barrier3A)
    %run_scoped3A = arith.constant 0 : i32
    "tpu.region"() ({
      %run_scoped3A_861 = tpu.sem_alloc : memref<!tpu.dma_semaphore, #tpu.memory_space<semaphore_mem>>
      %dma_start3A_862 = arith.constant 0 : i32
      %dma_start3A_863 = arith.constant 0 : i32
      %dma_start3A_864 = tpu.memref_slice %arg7[%run_scoped3A, %dma_start3A_862, %dma_start3A_863] : memref<2x25x40xi32, #tpu.memory_space<vmem>> -> memref<1x25x40xi32, #tpu.memory_space<vmem>>
      %dma_start3A_865 = tpu.memref_squeeze %dma_start3A_864 : memref<1x25x40xi32, #tpu.memory_space<vmem>> -> memref<25x40xi32, #tpu.memory_space<vmem>>
      %dma_start3A_866 = arith.constant 0 : i32
      %dma_start3A_867 = arith.constant 0 : i32
      %dma_start3A_868 = tpu.memref_slice %arg2[%add3A, %dma_start3A_866, %dma_start3A_867] : memref<32x250x40xi32, #tpu.memory_space<hbm>> -> memref<1x25x40xi32, #tpu.memory_space<hbm>>
      %dma_start3A_869 = tpu.memref_squeeze %dma_start3A_868 : memref<1x25x40xi32, #tpu.memory_space<hbm>> -> memref<25x40xi32, #tpu.memory_space<hbm>>
      %dma_start3A_870 = arith.constant 0 : i32
      %dma_start3A_871 = arith.constant 0 : i32
      %dma_start3A_872 = tpu.memref_slice %arg7[%run_scoped3A, %dma_start3A_870, %dma_start3A_871] : memref<2x25x40xi32, #tpu.memory_space<vmem>> -> memref<1x25x40xi32, #tpu.memory_space<vmem>>
      %dma_start3A_873 = tpu.memref_squeeze %dma_start3A_872 : memref<1x25x40xi32, #tpu.memory_space<vmem>> -> memref<25x40xi32, #tpu.memory_space<vmem>>
      %dma_start3A_874 = arith.constant 0 : i32
      %dma_start3A_875 = arith.constant 0 : i32
      %dma_start3A_876 = tpu.memref_slice %arg2[%add3A, %dma_start3A_874, %dma_start3A_875] : memref<32x250x40xi32, #tpu.memory_space<hbm>> -> memref<1x25x40xi32, #tpu.memory_space<hbm>>
      %dma_start3A_877 = tpu.memref_squeeze %dma_start3A_876 : memref<1x25x40xi32, #tpu.memory_space<hbm>> -> memref<25x40xi32, #tpu.memory_space<hbm>>
      tpu.enqueue_dma source(%dma_start3A_877 : memref<25x40xi32, #tpu.memory_space<hbm>>) target(%dma_start3A_873 : memref<25x40xi32, #tpu.memory_space<vmem>>) target_semaphore(%run_scoped3A_861 : memref<!tpu.dma_semaphore, #tpu.memory_space<semaphore_mem>>)
      %dma_wait3A_878 = arith.constant 0 : i32
      %dma_wait3A_879 = arith.constant 0 : i32
      %dma_wait3A_880 = tpu.memref_slice %arg7[%run_scoped3A, %dma_wait3A_878, %dma_wait3A_879] : memref<2x25x40xi32, #tpu.memory_space<vmem>> -> memref<1x25x40xi32, #tpu.memory_space<vmem>>
      %dma_wait3A_881 = tpu.memref_squeeze %dma_wait3A_880 : memref<1x25x40xi32, #tpu.memory_space<vmem>> -> memref<25x40xi32, #tpu.memory_space<vmem>>
      %dma_wait3A_882 = arith.constant 0 : i32
      %dma_wait3A_883 = arith.constant 0 : i32
      %dma_wait3A_884 = tpu.memref_slice %arg2[%add3A, %dma_wait3A_882, %dma_wait3A_883] : memref<32x250x40xi32, #tpu.memory_space<hbm>> -> memref<1x25x40xi32, #tpu.memory_space<hbm>>
      %dma_wait3A_885 = tpu.memref_squeeze %dma_wait3A_884 : memref<1x25x40xi32, #tpu.memory_space<hbm>> -> memref<25x40xi32, #tpu.memory_space<hbm>>
      %dma_wait3A_886 = arith.constant 0 : i32
      %dma_wait3A_887 = arith.constant 0 : i32
      %dma_wait3A_888 = tpu.memref_slice %arg7[%run_scoped3A, %dma_wait3A_886, %dma_wait3A_887] : memref<2x25x40xi32, #tpu.memory_space<vmem>> -> memref<1x25x40xi32, #tpu.memory_space<vmem>>
      %dma_wait3A_889 = tpu.memref_squeeze %dma_wait3A_888 : memref<1x25x40xi32, #tpu.memory_space<vmem>> -> memref<25x40xi32, #tpu.memory_space<vmem>>
      %dma_wait3A_890 = arith.constant 0 : i32
      %dma_wait3A_891 = arith.constant 0 : i32
      %dma_wait3A_892 = tpu.memref_slice %arg2[%add3A, %dma_wait3A_890, %dma_wait3A_891] : memref<32x250x40xi32, #tpu.memory_space<hbm>> -> memref<1x25x40xi32, #tpu.memory_space<hbm>>
      %dma_wait3A_893 = tpu.memref_squeeze %dma_wait3A_892 : memref<1x25x40xi32, #tpu.memory_space<hbm>> -> memref<25x40xi32, #tpu.memory_space<hbm>>
      tpu.wait_dma2 semaphore(%run_scoped3A_861 : memref<!tpu.dma_semaphore, #tpu.memory_space<semaphore_mem>>) src(%dma_wait3A_893 : memref<25x40xi32, #tpu.memory_space<hbm>>) dst(%dma_wait3A_889 : memref<25x40xi32, #tpu.memory_space<vmem>>)
      tpu.yield
    }) : () -> ()
    %run_scoped3A_644 = arith.constant 0 : i32
    "tpu.region"() ({
      %run_scoped3A_861 = tpu.sem_alloc : memref<!tpu.dma_semaphore, #tpu.memory_space<semaphore_mem>>
      %dma_start3A_862 = arith.constant 0 : i32
      %dma_start3A_863 = arith.constant 0 : i32
      %dma_start3A_864 = tpu.memref_slice %arg8[%run_scoped3A_644, %dma_start3A_862, %dma_start3A_863] : memref<2x25x40xi32, #tpu.memory_space<vmem>> -> memref<1x25x40xi32, #tpu.memory_space<vmem>>
      %dma_start3A_865 = tpu.memref_squeeze %dma_start3A_864 : memref<1x25x40xi32, #tpu.memory_space<vmem>> -> memref<25x40xi32, #tpu.memory_space<vmem>>
      %dma_start3A_866 = arith.constant 0 : i32
      %dma_start3A_867 = arith.constant 0 : i32
      %dma_start3A_868 = tpu.memref_slice %arg3[%add3A, %dma_start3A_866, %dma_start3A_867] : memref<32x250x40xi32, #tpu.memory_space<hbm>> -> memref<1x25x40xi32, #tpu.memory_space<hbm>>
      %dma_start3A_869 = tpu.memref_squeeze %dma_start3A_868 : memref<1x25x40xi32, #tpu.memory_space<hbm>> -> memref<25x40xi32, #tpu.memory_space<hbm>>
      %dma_start3A_870 = arith.constant 0 : i32
      %dma_start3A_871 = arith.constant 0 : i32
      %dma_start3A_872 = tpu.memref_slice %arg8[%run_scoped3A_644, %dma_start3A_870, %dma_start3A_871] : memref<2x25x40xi32, #tpu.memory_space<vmem>> -> memref<1x25x40xi32, #tpu.memory_space<vmem>>
      %dma_start3A_873 = tpu.memref_squeeze %dma_start3A_872 : memref<1x25x40xi32, #tpu.memory_space<vmem>> -> memref<25x40xi32, #tpu.memory_space<vmem>>
      %dma_start3A_874 = arith.constant 0 : i32
      %dma_start3A_875 = arith.constant 0 : i32
      %dma_start3A_876 = tpu.memref_slice %arg3[%add3A, %dma_start3A_874, %dma_start3A_875] : memref<32x250x40xi32, #tpu.memory_space<hbm>> -> memref<1x25x40xi32, #tpu.memory_space<hbm>>
      %dma_start3A_877 = tpu.memref_squeeze %dma_start3A_876 : memref<1x25x40xi32, #tpu.memory_space<hbm>> -> memref<25x40xi32, #tpu.memory_space<hbm>>
      tpu.enqueue_dma source(%dma_start3A_877 : memref<25x40xi32, #tpu.memory_space<hbm>>) target(%dma_start3A_873 : memref<25x40xi32, #tpu.memory_space<vmem>>) target_semaphore(%run_scoped3A_861 : memref<!tpu.dma_semaphore, #tpu.memory_space<semaphore_mem>>)
      %dma_wait3A_878 = arith.constant 0 : i32
      %dma_wait3A_879 = arith.constant 0 : i32
      %dma_wait3A_880 = tpu.memref_slice %arg8[%run_scoped3A_644, %dma_wait3A_878, %dma_wait3A_879] : memref<2x25x40xi32, #tpu.memory_space<vmem>> -> memref<1x25x40xi32, #tpu.memory_space<vmem>>
      %dma_wait3A_881 = tpu.memref_squeeze %dma_wait3A_880 : memref<1x25x40xi32, #tpu.memory_space<vmem>> -> memref<25x40xi32, #tpu.memory_space<vmem>>
      %dma_wait3A_882 = arith.constant 0 : i32
      %dma_wait3A_883 = arith.constant 0 : i32
      %dma_wait3A_884 = tpu.memref_slice %arg3[%add3A, %dma_wait3A_882, %dma_wait3A_883] : memref<32x250x40xi32, #tpu.memory_space<hbm>> -> memref<1x25x40xi32, #tpu.memory_space<hbm>>
      %dma_wait3A_885 = tpu.memref_squeeze %dma_wait3A_884 : memref<1x25x40xi32, #tpu.memory_space<hbm>> -> memref<25x40xi32, #tpu.memory_space<hbm>>
      %dma_wait3A_886 = arith.constant 0 : i32
      %dma_wait3A_887 = arith.constant 0 : i32
      %dma_wait3A_888 = tpu.memref_slice %arg8[%run_scoped3A_644, %dma_wait3A_886, %dma_wait3A_887] : memref<2x25x40xi32, #tpu.memory_space<vmem>> -> memref<1x25x40xi32, #tpu.memory_space<vmem>>
      %dma_wait3A_889 = tpu.memref_squeeze %dma_wait3A_888 : memref<1x25x40xi32, #tpu.memory_space<vmem>> -> memref<25x40xi32, #tpu.memory_space<vmem>>
      %dma_wait3A_890 = arith.constant 0 : i32
      %dma_wait3A_891 = arith.constant 0 : i32
      %dma_wait3A_892 = tpu.memref_slice %arg3[%add3A, %dma_wait3A_890, %dma_wait3A_891] : memref<32x250x40xi32, #tpu.memory_space<hbm>> -> memref<1x25x40xi32, #tpu.memory_space<hbm>>
      %dma_wait3A_893 = tpu.memref_squeeze %dma_wait3A_892 : memref<1x25x40xi32, #tpu.memory_space<hbm>> -> memref<25x40xi32, #tpu.memory_space<hbm>>
      tpu.wait_dma2 semaphore(%run_scoped3A_861 : memref<!tpu.dma_semaphore, #tpu.memory_space<semaphore_mem>>) src(%dma_wait3A_893 : memref<25x40xi32, #tpu.memory_space<hbm>>) dst(%dma_wait3A_889 : memref<25x40xi32, #tpu.memory_space<vmem>>)
      tpu.yield
    }) : () -> ()
    %div3A = arith.constant 0 : i32
    %div3A_645 = arith.constant 25 : i32
    %div3A_646 = arith.divsi %div3A, %div3A_645 : i32
    %rem3A = arith.constant 2 : i32
    %rem3A_647 = arith.remsi %div3A_646, %rem3A : i32
    %rem3A_648 = arith.constant 0 : i32
    %rem3A_649 = arith.constant 25 : i32
    %rem3A_650 = arith.remsi %rem3A_648, %rem3A_649 : i32
    %rem3A_651 = arith.constant 0 : i32
    %rem3A_652 = arith.constant 7 : i32
    %rem3A_653 = arith.remsi %rem3A_651, %rem3A_652 : i32
    %rem3A_654 = arith.constant 0 : i32
    %rem3A_655 = arith.constant 4 : i32
    %rem3A_656 = arith.remsi %rem3A_654, %rem3A_655 : i32
    %dma_start3A_657 = arith.constant 0 : i32
    %dma_start3A_658 = arith.constant 0 : i32
    %dma_start3A_659 = tpu.memref_slice %arg9[%rem3A_653, %dma_start3A_657, %dma_start3A_658] : memref<7x40x128xf32, #tpu.memory_space<vmem>> -> memref<1x40x128xf32, #tpu.memory_space<vmem>>
    %dma_start3A_660 = tpu.memref_squeeze %dma_start3A_659 : memref<1x40x128xf32, #tpu.memory_space<vmem>> -> memref<40x128xf32, #tpu.memory_space<vmem>>
    %dma_start3A_661 = arith.constant 0 : i32
    %dma_start3A_662 = tpu.memref_slice %arg7[%rem3A_647, %rem3A_650, %dma_start3A_661] : memref<2x25x40xi32, #tpu.memory_space<vmem>> -> memref<1x1x40xi32, #tpu.memory_space<vmem>>
    %dma_start3A_663 = tpu.memref_squeeze %dma_start3A_662 : memref<1x1x40xi32, #tpu.memory_space<vmem>> -> memref<40xi32, #tpu.memory_space<vmem>>
    %dma_start3A_664 = arith.constant 0 : i32
    %dma_start3A_665 = arith.constant 0 : i32
    %dma_start3A_666 = tpu.memref_slice %arg4[%dma_start3A_664, %dma_start3A_665] : memref<10000x128xf32, #tpu.memory_space<hbm>> -> memref<10000x128xf32, #tpu.memory_space<hbm>>
    %dma_start3A_667 = tpu.memref_slice %arg14[%rem3A_656] : memref<4x!tpu.dma_semaphore, #tpu.memory_space<semaphore_mem>> -> memref<1x!tpu.dma_semaphore, #tpu.memory_space<semaphore_mem>>
    %dma_start3A_668 = tpu.memref_squeeze %dma_start3A_667 : memref<1x!tpu.dma_semaphore, #tpu.memory_space<semaphore_mem>> -> memref<!tpu.dma_semaphore, #tpu.memory_space<semaphore_mem>>
    tpu.enqueue_indirect_dma source(%dma_start3A_666 : memref<10000x128xf32, #tpu.memory_space<hbm>>) target(%dma_start3A_660 : memref<40x128xf32, #tpu.memory_space<vmem>>) offsets(%dma_start3A_663 : memref<40xi32, #tpu.memory_space<vmem>>) semaphore(%dma_start3A_668 : memref<!tpu.dma_semaphore, #tpu.memory_space<semaphore_mem>>)
    %div3A_669 = arith.constant 1 : i32
    %div3A_670 = arith.constant 25 : i32
    %div3A_671 = arith.divsi %div3A_669, %div3A_670 : i32
    %rem3A_672 = arith.constant 2 : i32
    %rem3A_673 = arith.remsi %div3A_671, %rem3A_672 : i32
    %rem3A_674 = arith.constant 1 : i32
    %rem3A_675 = arith.constant 25 : i32
    %rem3A_676 = arith.remsi %rem3A_674, %rem3A_675 : i32
    %rem3A_677 = arith.constant 1 : i32
    %rem3A_678 = arith.constant 7 : i32
    %rem3A_679 = arith.remsi %rem3A_677, %rem3A_678 : i32
    %rem3A_680 = arith.constant 1 : i32
    %rem3A_681 = arith.constant 4 : i32
    %rem3A_682 = arith.remsi %rem3A_680, %rem3A_681 : i32
    %dma_start3A_683 = arith.constant 0 : i32
    %dma_start3A_684 = arith.constant 0 : i32
    %dma_start3A_685 = tpu.memref_slice %arg9[%rem3A_679, %dma_start3A_683, %dma_start3A_684] : memref<7x40x128xf32, #tpu.memory_space<vmem>> -> memref<1x40x128xf32, #tpu.memory_space<vmem>>
    %dma_start3A_686 = tpu.memref_squeeze %dma_start3A_685 : memref<1x40x128xf32, #tpu.memory_space<vmem>> -> memref<40x128xf32, #tpu.memory_space<vmem>>
    %dma_start3A_687 = arith.constant 0 : i32
    %dma_start3A_688 = tpu.memref_slice %arg7[%rem3A_673, %rem3A_676, %dma_start3A_687] : memref<2x25x40xi32, #tpu.memory_space<vmem>> -> memref<1x1x40xi32, #tpu.memory_space<vmem>>
    %dma_start3A_689 = tpu.memref_squeeze %dma_start3A_688 : memref<1x1x40xi32, #tpu.memory_space<vmem>> -> memref<40xi32, #tpu.memory_space<vmem>>
    %dma_start3A_690 = arith.constant 0 : i32
    %dma_start3A_691 = arith.constant 0 : i32
    %dma_start3A_692 = tpu.memref_slice %arg4[%dma_start3A_690, %dma_start3A_691] : memref<10000x128xf32, #tpu.memory_space<hbm>> -> memref<10000x128xf32, #tpu.memory_space<hbm>>
    %dma_start3A_693 = tpu.memref_slice %arg14[%rem3A_682] : memref<4x!tpu.dma_semaphore, #tpu.memory_space<semaphore_mem>> -> memref<1x!tpu.dma_semaphore, #tpu.memory_space<semaphore_mem>>
    %dma_start3A_694 = tpu.memref_squeeze %dma_start3A_693 : memref<1x!tpu.dma_semaphore, #tpu.memory_space<semaphore_mem>> -> memref<!tpu.dma_semaphore, #tpu.memory_space<semaphore_mem>>
    tpu.enqueue_indirect_dma source(%dma_start3A_692 : memref<10000x128xf32, #tpu.memory_space<hbm>>) target(%dma_start3A_686 : memref<40x128xf32, #tpu.memory_space<vmem>>) offsets(%dma_start3A_689 : memref<40xi32, #tpu.memory_space<vmem>>) semaphore(%dma_start3A_694 : memref<!tpu.dma_semaphore, #tpu.memory_space<semaphore_mem>>)
    %div3A_695 = arith.constant 2 : i32
    %div3A_696 = arith.constant 25 : i32
    %div3A_697 = arith.divsi %div3A_695, %div3A_696 : i32
    %rem3A_698 = arith.constant 2 : i32
    %rem3A_699 = arith.remsi %div3A_697, %rem3A_698 : i32
    %rem3A_700 = arith.constant 2 : i32
    %rem3A_701 = arith.constant 25 : i32
    %rem3A_702 = arith.remsi %rem3A_700, %rem3A_701 : i32
    %rem3A_703 = arith.constant 2 : i32
    %rem3A_704 = arith.constant 7 : i32
    %rem3A_705 = arith.remsi %rem3A_703, %rem3A_704 : i32
    %rem3A_706 = arith.constant 2 : i32
    %rem3A_707 = arith.constant 4 : i32
    %rem3A_708 = arith.remsi %rem3A_706, %rem3A_707 : i32
    %dma_start3A_709 = arith.constant 0 : i32
    %dma_start3A_710 = arith.constant 0 : i32
    %dma_start3A_711 = tpu.memref_slice %arg9[%rem3A_705, %dma_start3A_709, %dma_start3A_710] : memref<7x40x128xf32, #tpu.memory_space<vmem>> -> memref<1x40x128xf32, #tpu.memory_space<vmem>>
    %dma_start3A_712 = tpu.memref_squeeze %dma_start3A_711 : memref<1x40x128xf32, #tpu.memory_space<vmem>> -> memref<40x128xf32, #tpu.memory_space<vmem>>
    %dma_start3A_713 = arith.constant 0 : i32
    %dma_start3A_714 = tpu.memref_slice %arg7[%rem3A_699, %rem3A_702, %dma_start3A_713] : memref<2x25x40xi32, #tpu.memory_space<vmem>> -> memref<1x1x40xi32, #tpu.memory_space<vmem>>
    %dma_start3A_715 = tpu.memref_squeeze %dma_start3A_714 : memref<1x1x40xi32, #tpu.memory_space<vmem>> -> memref<40xi32, #tpu.memory_space<vmem>>
    %dma_start3A_716 = arith.constant 0 : i32
    %dma_start3A_717 = arith.constant 0 : i32
    %dma_start3A_718 = tpu.memref_slice %arg4[%dma_start3A_716, %dma_start3A_717] : memref<10000x128xf32, #tpu.memory_space<hbm>> -> memref<10000x128xf32, #tpu.memory_space<hbm>>
    %dma_start3A_719 = tpu.memref_slice %arg14[%rem3A_708] : memref<4x!tpu.dma_semaphore, #tpu.memory_space<semaphore_mem>> -> memref<1x!tpu.dma_semaphore, #tpu.memory_space<semaphore_mem>>
    %dma_start3A_720 = tpu.memref_squeeze %dma_start3A_719 : memref<1x!tpu.dma_semaphore, #tpu.memory_space<semaphore_mem>> -> memref<!tpu.dma_semaphore, #tpu.memory_space<semaphore_mem>>
    tpu.enqueue_indirect_dma source(%dma_start3A_718 : memref<10000x128xf32, #tpu.memory_space<hbm>>) target(%dma_start3A_712 : memref<40x128xf32, #tpu.memory_space<vmem>>) offsets(%dma_start3A_715 : memref<40xi32, #tpu.memory_space<vmem>>) semaphore(%dma_start3A_720 : memref<!tpu.dma_semaphore, #tpu.memory_space<semaphore_mem>>)
    %scan3A_721 = arith.constant 0 : i32
    %scan3A_722 = arith.constant 250 : i32
    %scan3A_723 = arith.addi %scan3A_721, %scan3A_722 : i32
    %scan3A_724 = arith.constant 1 : i32
    scf.for %scan3A_861 = %scan3A_721 to %scan3A_723 step %scan3A_724  : i32 {
      %mul3A_862 = arith.constant 1 : i32
      %mul3A_863 = arith.muli %scan3A_861, %mul3A_862 : i32
      %add3A_864 = arith.constant 0 : i32
      %add3A_865 = arith.addi %add3A_864, %mul3A_863 : i32
      %add3A_866 = arith.constant 3 : i32
      %add3A_867 = arith.addi %add3A_865, %add3A_866 : i32
      %ge3A = arith.constant 4 : i32
      %ge3A_868 = arith.cmpi sge, %add3A_865, %ge3A : i32
      %convert_element_type3A_869 = arith.extui %ge3A_868 : i1 to i32
      %cond3A_870 = arith.constant 0 : i32
      %cond3A_871 = arith.cmpi ne, %convert_element_type3A_869, %cond3A_870 : i32
      scf.if %cond3A_871 {
        %sub3A = arith.constant 4 : i32
        %sub3A_932 = arith.subi %add3A_865, %sub3A : i32
        %rem3A_933 = arith.constant 4 : i32
        %rem3A_934 = arith.remsi %sub3A_932, %rem3A_933 : i32
        %dma_wait3A_935 = arith.constant 0 : i32
        %dma_wait3A_936 = arith.constant 0 : i32
        %dma_wait3A_937 = arith.constant 0 : i32
        %dma_wait3A_938 = arith.constant 0 : i32
        %dma_wait3A_939 = arith.constant 0 : i32
        %dma_wait3A_940 = tpu.memref_slice %arg9[%dma_wait3A_935, %dma_wait3A_938, %dma_wait3A_939] : memref<7x40x128xf32, #tpu.memory_space<vmem>> -> memref<1x40x128xf32, #tpu.memory_space<vmem>>
        %dma_wait3A_941 = tpu.memref_squeeze %dma_wait3A_940 : memref<1x40x128xf32, #tpu.memory_space<vmem>> -> memref<40x128xf32, #tpu.memory_space<vmem>>
        %dma_wait3A_942 = arith.constant 0 : i32
        %dma_wait3A_943 = tpu.memref_slice %arg8[%dma_wait3A_936, %dma_wait3A_937, %dma_wait3A_942] : memref<2x25x40xi32, #tpu.memory_space<vmem>> -> memref<1x1x40xi32, #tpu.memory_space<vmem>>
        %dma_wait3A_944 = tpu.memref_squeeze %dma_wait3A_943 : memref<1x1x40xi32, #tpu.memory_space<vmem>> -> memref<40xi32, #tpu.memory_space<vmem>>
        %dma_wait3A_945 = arith.constant 0 : i32
        %dma_wait3A_946 = arith.constant 0 : i32
        %dma_wait3A_947 = tpu.memref_slice %arg12[%dma_wait3A_945, %dma_wait3A_946] : memref<10240x128xf32, #tpu.memory_space<vmem_shared>> -> memref<10240x128xf32, #tpu.memory_space<vmem_shared>>
        %dma_wait3A_948 = tpu.memref_slice %arg15[%rem3A_934] : memref<4x!tpu.dma_semaphore, #tpu.memory_space<semaphore_mem>> -> memref<1x!tpu.dma_semaphore, #tpu.memory_space<semaphore_mem>>
        %dma_wait3A_949 = tpu.memref_squeeze %dma_wait3A_948 : memref<1x!tpu.dma_semaphore, #tpu.memory_space<semaphore_mem>> -> memref<!tpu.dma_semaphore, #tpu.memory_space<semaphore_mem>>
        tpu.wait_indirect_dma semaphore(%dma_wait3A_949 : memref<!tpu.dma_semaphore, #tpu.memory_space<semaphore_mem>>) src(%dma_wait3A_941 : memref<40x128xf32, #tpu.memory_space<vmem>>) dst(%dma_wait3A_947 : memref<10240x128xf32, #tpu.memory_space<vmem_shared>>)
        %sub3A_950 = arith.constant 4 : i32
        %sub3A_951 = arith.subi %add3A_865, %sub3A_950 : i32
        %rem3A_952 = arith.constant 4 : i32
        %rem3A_953 = arith.remsi %sub3A_951, %rem3A_952 : i32
        %dma_wait3A_954 = arith.constant 0 : i32
        %dma_wait3A_955 = arith.constant 0 : i32
        %dma_wait3A_956 = arith.constant 0 : i32
        %dma_wait3A_957 = tpu.memref_slice %arg10[%dma_wait3A_956] : memref<48xf32, #tpu.memory_space<vmem>> -> memref<40xf32, #tpu.memory_space<vmem>>
        %dma_wait3A_958 = arith.constant 0 : i32
        %dma_wait3A_959 = tpu.memref_slice %arg8[%dma_wait3A_954, %dma_wait3A_955, %dma_wait3A_958] : memref<2x25x40xi32, #tpu.memory_space<vmem>> -> memref<1x1x40xi32, #tpu.memory_space<vmem>>
        %dma_wait3A_960 = tpu.memref_squeeze %dma_wait3A_959 : memref<1x1x40xi32, #tpu.memory_space<vmem>> -> memref<40xi32, #tpu.memory_space<vmem>>
        %dma_wait3A_961 = arith.constant 0 : i32
        %dma_wait3A_962 = tpu.memref_slice %arg13[%dma_wait3A_961] : memref<10240xf32, #tpu.memory_space<vmem_shared>> -> memref<10240xf32, #tpu.memory_space<vmem_shared>>
        %dma_wait3A_963 = tpu.memref_slice %arg16[%rem3A_953] : memref<4x!tpu.dma_semaphore, #tpu.memory_space<semaphore_mem>> -> memref<1x!tpu.dma_semaphore, #tpu.memory_space<semaphore_mem>>
        %dma_wait3A_964 = tpu.memref_squeeze %dma_wait3A_963 : memref<1x!tpu.dma_semaphore, #tpu.memory_space<semaphore_mem>> -> memref<!tpu.dma_semaphore, #tpu.memory_space<semaphore_mem>>
        tpu.wait_indirect_dma semaphore(%dma_wait3A_964 : memref<!tpu.dma_semaphore, #tpu.memory_space<semaphore_mem>>) src(%dma_wait3A_957 : memref<40xf32, #tpu.memory_space<vmem>>) dst(%dma_wait3A_962 : memref<10240xf32, #tpu.memory_space<vmem_shared>>)
      } else {
      }
      %lt3A = arith.constant 250 : i32
      %lt3A_872 = arith.cmpi slt, %add3A_867, %lt3A : i32
      %convert_element_type3A_873 = arith.extui %lt3A_872 : i1 to i32
      %cond3A_874 = arith.constant 0 : i32
      %cond3A_875 = arith.cmpi ne, %convert_element_type3A_873, %cond3A_874 : i32
      scf.if %cond3A_875 {
        %rem3A_932 = arith.constant 25 : i32
        %rem3A_933 = arith.remsi %add3A_867, %rem3A_932 : i32
        %eq3A_934 = arith.constant 0 : i32
        %eq3A_935 = arith.cmpi eq, %rem3A_933, %eq3A_934 : i32
        %convert_element_type3A_936 = arith.extui %eq3A_935 : i1 to i32
        %cond3A_937 = arith.constant 0 : i32
        %cond3A_938 = arith.cmpi ne, %convert_element_type3A_936, %cond3A_937 : i32
        scf.if %cond3A_938 {
          %div3A_961 = arith.constant 25 : i32
          %div3A_962 = arith.divsi %add3A_867, %div3A_961 : i32
          %rem3A_963 = arith.constant 2 : i32
          %rem3A_964 = arith.remsi %div3A_962, %rem3A_963 : i32
          %mul3A_965 = arith.constant 25 : i32
          %mul3A_966 = arith.muli %div3A_962, %mul3A_965 : i32
          "tpu.region"() ({
            %run_scoped3A_969 = tpu.sem_alloc : memref<!tpu.dma_semaphore, #tpu.memory_space<semaphore_mem>>
            %dma_start3A_970 = arith.constant 0 : i32
            %dma_start3A_971 = arith.constant 0 : i32
            %dma_start3A_972 = tpu.memref_slice %arg7[%rem3A_964, %dma_start3A_970, %dma_start3A_971] : memref<2x25x40xi32, #tpu.memory_space<vmem>> -> memref<1x25x40xi32, #tpu.memory_space<vmem>>
            %dma_start3A_973 = tpu.memref_squeeze %dma_start3A_972 : memref<1x25x40xi32, #tpu.memory_space<vmem>> -> memref<25x40xi32, #tpu.memory_space<vmem>>
            %dma_start3A_974 = arith.constant 0 : i32
            %dma_start3A_975 = tpu.memref_slice %arg2[%add3A, %mul3A_966, %dma_start3A_974] : memref<32x250x40xi32, #tpu.memory_space<hbm>> -> memref<1x25x40xi32, #tpu.memory_space<hbm>>
            %dma_start3A_976 = tpu.memref_squeeze %dma_start3A_975 : memref<1x25x40xi32, #tpu.memory_space<hbm>> -> memref<25x40xi32, #tpu.memory_space<hbm>>
            %dma_start3A_977 = arith.constant 0 : i32
            %dma_start3A_978 = arith.constant 0 : i32
            %dma_start3A_979 = tpu.memref_slice %arg7[%rem3A_964, %dma_start3A_977, %dma_start3A_978] : memref<2x25x40xi32, #tpu.memory_space<vmem>> -> memref<1x25x40xi32, #tpu.memory_space<vmem>>
            %dma_start3A_980 = tpu.memref_squeeze %dma_start3A_979 : memref<1x25x40xi32, #tpu.memory_space<vmem>> -> memref<25x40xi32, #tpu.memory_space<vmem>>
            %dma_start3A_981 = arith.constant 0 : i32
            %dma_start3A_982 = tpu.memref_slice %arg2[%add3A, %mul3A_966, %dma_start3A_981] : memref<32x250x40xi32, #tpu.memory_space<hbm>> -> memref<1x25x40xi32, #tpu.memory_space<hbm>>
            %dma_start3A_983 = tpu.memref_squeeze %dma_start3A_982 : memref<1x25x40xi32, #tpu.memory_space<hbm>> -> memref<25x40xi32, #tpu.memory_space<hbm>>
            tpu.enqueue_dma source(%dma_start3A_983 : memref<25x40xi32, #tpu.memory_space<hbm>>) target(%dma_start3A_980 : memref<25x40xi32, #tpu.memory_space<vmem>>) target_semaphore(%run_scoped3A_969 : memref<!tpu.dma_semaphore, #tpu.memory_space<semaphore_mem>>)
            %dma_wait3A_984 = arith.constant 0 : i32
            %dma_wait3A_985 = arith.constant 0 : i32
            %dma_wait3A_986 = tpu.memref_slice %arg7[%rem3A_964, %dma_wait3A_984, %dma_wait3A_985] : memref<2x25x40xi32, #tpu.memory_space<vmem>> -> memref<1x25x40xi32, #tpu.memory_space<vmem>>
            %dma_wait3A_987 = tpu.memref_squeeze %dma_wait3A_986 : memref<1x25x40xi32, #tpu.memory_space<vmem>> -> memref<25x40xi32, #tpu.memory_space<vmem>>
            %dma_wait3A_988 = arith.constant 0 : i32
            %dma_wait3A_989 = tpu.memref_slice %arg2[%add3A, %mul3A_966, %dma_wait3A_988] : memref<32x250x40xi32, #tpu.memory_space<hbm>> -> memref<1x25x40xi32, #tpu.memory_space<hbm>>
            %dma_wait3A_990 = tpu.memref_squeeze %dma_wait3A_989 : memref<1x25x40xi32, #tpu.memory_space<hbm>> -> memref<25x40xi32, #tpu.memory_space<hbm>>
            %dma_wait3A_991 = arith.constant 0 : i32
            %dma_wait3A_992 = arith.constant 0 : i32
            %dma_wait3A_993 = tpu.memref_slice %arg7[%rem3A_964, %dma_wait3A_991, %dma_wait3A_992] : memref<2x25x40xi32, #tpu.memory_space<vmem>> -> memref<1x25x40xi32, #tpu.memory_space<vmem>>
            %dma_wait3A_994 = tpu.memref_squeeze %dma_wait3A_993 : memref<1x25x40xi32, #tpu.memory_space<vmem>> -> memref<25x40xi32, #tpu.memory_space<vmem>>
            %dma_wait3A_995 = arith.constant 0 : i32
            %dma_wait3A_996 = tpu.memref_slice %arg2[%add3A, %mul3A_966, %dma_wait3A_995] : memref<32x250x40xi32, #tpu.memory_space<hbm>> -> memref<1x25x40xi32, #tpu.memory_space<hbm>>
            %dma_wait3A_997 = tpu.memref_squeeze %dma_wait3A_996 : memref<1x25x40xi32, #tpu.memory_space<hbm>> -> memref<25x40xi32, #tpu.memory_space<hbm>>
            tpu.wait_dma2 semaphore(%run_scoped3A_969 : memref<!tpu.dma_semaphore, #tpu.memory_space<semaphore_mem>>) src(%dma_wait3A_997 : memref<25x40xi32, #tpu.memory_space<hbm>>) dst(%dma_wait3A_994 : memref<25x40xi32, #tpu.memory_space<vmem>>)
            tpu.yield
          }) : () -> ()
          %mul3A_967 = arith.constant 25 : i32
          %mul3A_968 = arith.muli %div3A_962, %mul3A_967 : i32
          "tpu.region"() ({
            %run_scoped3A_969 = tpu.sem_alloc : memref<!tpu.dma_semaphore, #tpu.memory_space<semaphore_mem>>
            %dma_start3A_970 = arith.constant 0 : i32
            %dma_start3A_971 = arith.constant 0 : i32
            %dma_start3A_972 = tpu.memref_slice %arg8[%rem3A_964, %dma_start3A_970, %dma_start3A_971] : memref<2x25x40xi32, #tpu.memory_space<vmem>> -> memref<1x25x40xi32, #tpu.memory_space<vmem>>
            %dma_start3A_973 = tpu.memref_squeeze %dma_start3A_972 : memref<1x25x40xi32, #tpu.memory_space<vmem>> -> memref<25x40xi32, #tpu.memory_space<vmem>>
            %dma_start3A_974 = arith.constant 0 : i32
            %dma_start3A_975 = tpu.memref_slice %arg3[%add3A, %mul3A_968, %dma_start3A_974] : memref<32x250x40xi32, #tpu.memory_space<hbm>> -> memref<1x25x40xi32, #tpu.memory_space<hbm>>
            %dma_start3A_976 = tpu.memref_squeeze %dma_start3A_975 : memref<1x25x40xi32, #tpu.memory_space<hbm>> -> memref<25x40xi32, #tpu.memory_space<hbm>>
            %dma_start3A_977 = arith.constant 0 : i32
            %dma_start3A_978 = arith.constant 0 : i32
            %dma_start3A_979 = tpu.memref_slice %arg8[%rem3A_964, %dma_start3A_977, %dma_start3A_978] : memref<2x25x40xi32, #tpu.memory_space<vmem>> -> memref<1x25x40xi32, #tpu.memory_space<vmem>>
            %dma_start3A_980 = tpu.memref_squeeze %dma_start3A_979 : memref<1x25x40xi32, #tpu.memory_space<vmem>> -> memref<25x40xi32, #tpu.memory_space<vmem>>
            %dma_start3A_981 = arith.constant 0 : i32
            %dma_start3A_982 = tpu.memref_slice %arg3[%add3A, %mul3A_968, %dma_start3A_981] : memref<32x250x40xi32, #tpu.memory_space<hbm>> -> memref<1x25x40xi32, #tpu.memory_space<hbm>>
            %dma_start3A_983 = tpu.memref_squeeze %dma_start3A_982 : memref<1x25x40xi32, #tpu.memory_space<hbm>> -> memref<25x40xi32, #tpu.memory_space<hbm>>
            tpu.enqueue_dma source(%dma_start3A_983 : memref<25x40xi32, #tpu.memory_space<hbm>>) target(%dma_start3A_980 : memref<25x40xi32, #tpu.memory_space<vmem>>) target_semaphore(%run_scoped3A_969 : memref<!tpu.dma_semaphore, #tpu.memory_space<semaphore_mem>>)
            %dma_wait3A_984 = arith.constant 0 : i32
            %dma_wait3A_985 = arith.constant 0 : i32
            %dma_wait3A_986 = tpu.memref_slice %arg8[%rem3A_964, %dma_wait3A_984, %dma_wait3A_985] : memref<2x25x40xi32, #tpu.memory_space<vmem>> -> memref<1x25x40xi32, #tpu.memory_space<vmem>>
            %dma_wait3A_987 = tpu.memref_squeeze %dma_wait3A_986 : memref<1x25x40xi32, #tpu.memory_space<vmem>> -> memref<25x40xi32, #tpu.memory_space<vmem>>
            %dma_wait3A_988 = arith.constant 0 : i32
            %dma_wait3A_989 = tpu.memref_slice %arg3[%add3A, %mul3A_968, %dma_wait3A_988] : memref<32x250x40xi32, #tpu.memory_space<hbm>> -> memref<1x25x40xi32, #tpu.memory_space<hbm>>
            %dma_wait3A_990 = tpu.memref_squeeze %dma_wait3A_989 : memref<1x25x40xi32, #tpu.memory_space<hbm>> -> memref<25x40xi32, #tpu.memory_space<hbm>>
            %dma_wait3A_991 = arith.constant 0 : i32
            %dma_wait3A_992 = arith.constant 0 : i32
            %dma_wait3A_993 = tpu.memref_slice %arg8[%rem3A_964, %dma_wait3A_991, %dma_wait3A_992] : memref<2x25x40xi32, #tpu.memory_space<vmem>> -> memref<1x25x40xi32, #tpu.memory_space<vmem>>
            %dma_wait3A_994 = tpu.memref_squeeze %dma_wait3A_993 : memref<1x25x40xi32, #tpu.memory_space<vmem>> -> memref<25x40xi32, #tpu.memory_space<vmem>>
            %dma_wait3A_995 = arith.constant 0 : i32
            %dma_wait3A_996 = tpu.memref_slice %arg3[%add3A, %mul3A_968, %dma_wait3A_995] : memref<32x250x40xi32, #tpu.memory_space<hbm>> -> memref<1x25x40xi32, #tpu.memory_space<hbm>>
            %dma_wait3A_997 = tpu.memref_squeeze %dma_wait3A_996 : memref<1x25x40xi32, #tpu.memory_space<hbm>> -> memref<25x40xi32, #tpu.memory_space<hbm>>
            tpu.wait_dma2 semaphore(%run_scoped3A_969 : memref<!tpu.dma_semaphore, #tpu.memory_space<semaphore_mem>>) src(%dma_wait3A_997 : memref<25x40xi32, #tpu.memory_space<hbm>>) dst(%dma_wait3A_994 : memref<25x40xi32, #tpu.memory_space<vmem>>)
            tpu.yield
          }) : () -> ()
        } else {
        }
        %div3A_939 = arith.constant 25 : i32
        %div3A_940 = arith.divsi %add3A_867, %div3A_939 : i32
        %rem3A_941 = arith.constant 2 : i32
        %rem3A_942 = arith.remsi %div3A_940, %rem3A_941 : i32
        %rem3A_943 = arith.constant 25 : i32
        %rem3A_944 = arith.remsi %add3A_867, %rem3A_943 : i32
        %rem3A_945 = arith.constant 7 : i32
        %rem3A_946 = arith.remsi %add3A_867, %rem3A_945 : i32
        %rem3A_947 = arith.constant 4 : i32
        %rem3A_948 = arith.remsi %add3A_867, %rem3A_947 : i32
        %dma_start3A_949 = arith.constant 0 : i32
        %dma_start3A_950 = arith.constant 0 : i32
        %dma_start3A_951 = tpu.memref_slice %arg9[%rem3A_946, %dma_start3A_949, %dma_start3A_950] : memref<7x40x128xf32, #tpu.memory_space<vmem>> -> memref<1x40x128xf32, #tpu.memory_space<vmem>>
        %dma_start3A_952 = tpu.memref_squeeze %dma_start3A_951 : memref<1x40x128xf32, #tpu.memory_space<vmem>> -> memref<40x128xf32, #tpu.memory_space<vmem>>
        %dma_start3A_953 = arith.constant 0 : i32
        %dma_start3A_954 = tpu.memref_slice %arg7[%rem3A_942, %rem3A_944, %dma_start3A_953] : memref<2x25x40xi32, #tpu.memory_space<vmem>> -> memref<1x1x40xi32, #tpu.memory_space<vmem>>
        %dma_start3A_955 = tpu.memref_squeeze %dma_start3A_954 : memref<1x1x40xi32, #tpu.memory_space<vmem>> -> memref<40xi32, #tpu.memory_space<vmem>>
        %dma_start3A_956 = arith.constant 0 : i32
        %dma_start3A_957 = arith.constant 0 : i32
        %dma_start3A_958 = tpu.memref_slice %arg4[%dma_start3A_956, %dma_start3A_957] : memref<10000x128xf32, #tpu.memory_space<hbm>> -> memref<10000x128xf32, #tpu.memory_space<hbm>>
        %dma_start3A_959 = tpu.memref_slice %arg14[%rem3A_948] : memref<4x!tpu.dma_semaphore, #tpu.memory_space<semaphore_mem>> -> memref<1x!tpu.dma_semaphore, #tpu.memory_space<semaphore_mem>>
        %dma_start3A_960 = tpu.memref_squeeze %dma_start3A_959 : memref<1x!tpu.dma_semaphore, #tpu.memory_space<semaphore_mem>> -> memref<!tpu.dma_semaphore, #tpu.memory_space<semaphore_mem>>
        tpu.enqueue_indirect_dma source(%dma_start3A_958 : memref<10000x128xf32, #tpu.memory_space<hbm>>) target(%dma_start3A_952 : memref<40x128xf32, #tpu.memory_space<vmem>>) offsets(%dma_start3A_955 : memref<40xi32, #tpu.memory_space<vmem>>) semaphore(%dma_start3A_960 : memref<!tpu.dma_semaphore, #tpu.memory_space<semaphore_mem>>)
      } else {
      }
      %rem3A_876 = arith.constant 4 : i32
      %rem3A_877 = arith.remsi %add3A_865, %rem3A_876 : i32
      %dma_wait3A_878 = arith.constant 0 : i32
      %dma_wait3A_879 = arith.constant 0 : i32
      %dma_wait3A_880 = arith.constant 0 : i32
      %dma_wait3A_881 = arith.constant 0 : i32
      %dma_wait3A_882 = arith.constant 0 : i32
      %dma_wait3A_883 = tpu.memref_slice %arg9[%dma_wait3A_880, %dma_wait3A_881, %dma_wait3A_882] : memref<7x40x128xf32, #tpu.memory_space<vmem>> -> memref<1x40x128xf32, #tpu.memory_space<vmem>>
      %dma_wait3A_884 = tpu.memref_squeeze %dma_wait3A_883 : memref<1x40x128xf32, #tpu.memory_space<vmem>> -> memref<40x128xf32, #tpu.memory_space<vmem>>
      %dma_wait3A_885 = arith.constant 0 : i32
      %dma_wait3A_886 = tpu.memref_slice %arg7[%dma_wait3A_878, %dma_wait3A_879, %dma_wait3A_885] : memref<2x25x40xi32, #tpu.memory_space<vmem>> -> memref<1x1x40xi32, #tpu.memory_space<vmem>>
      %dma_wait3A_887 = tpu.memref_squeeze %dma_wait3A_886 : memref<1x1x40xi32, #tpu.memory_space<vmem>> -> memref<40xi32, #tpu.memory_space<vmem>>
      %dma_wait3A_888 = arith.constant 0 : i32
      %dma_wait3A_889 = arith.constant 0 : i32
      %dma_wait3A_890 = tpu.memref_slice %arg4[%dma_wait3A_888, %dma_wait3A_889] : memref<10000x128xf32, #tpu.memory_space<hbm>> -> memref<10000x128xf32, #tpu.memory_space<hbm>>
      %dma_wait3A_891 = tpu.memref_slice %arg14[%rem3A_877] : memref<4x!tpu.dma_semaphore, #tpu.memory_space<semaphore_mem>> -> memref<1x!tpu.dma_semaphore, #tpu.memory_space<semaphore_mem>>
      %dma_wait3A_892 = tpu.memref_squeeze %dma_wait3A_891 : memref<1x!tpu.dma_semaphore, #tpu.memory_space<semaphore_mem>> -> memref<!tpu.dma_semaphore, #tpu.memory_space<semaphore_mem>>
      tpu.wait_indirect_dma semaphore(%dma_wait3A_892 : memref<!tpu.dma_semaphore, #tpu.memory_space<semaphore_mem>>) src(%dma_wait3A_890 : memref<10000x128xf32, #tpu.memory_space<hbm>>) dst(%dma_wait3A_884 : memref<40x128xf32, #tpu.memory_space<vmem>>)
      %div3A_893 = arith.constant 25 : i32
      %div3A_894 = arith.divsi %add3A_865, %div3A_893 : i32
      %rem3A_895 = arith.constant 2 : i32
      %rem3A_896 = arith.remsi %div3A_894, %rem3A_895 : i32
      %rem3A_897 = arith.constant 7 : i32
      %rem3A_898 = arith.remsi %add3A_865, %rem3A_897 : i32
      %rem3A_899 = arith.constant 25 : i32
      %rem3A_900 = arith.remsi %add3A_865, %rem3A_899 : i32
      %rem3A_901 = arith.constant 4 : i32
      %rem3A_902 = arith.remsi %add3A_865, %rem3A_901 : i32
      %dma_start3A_903 = arith.constant 0 : i32
      %dma_start3A_904 = arith.constant 0 : i32
      %dma_start3A_905 = tpu.memref_slice %arg9[%rem3A_898, %dma_start3A_903, %dma_start3A_904] : memref<7x40x128xf32, #tpu.memory_space<vmem>> -> memref<1x40x128xf32, #tpu.memory_space<vmem>>
      %dma_start3A_906 = tpu.memref_squeeze %dma_start3A_905 : memref<1x40x128xf32, #tpu.memory_space<vmem>> -> memref<40x128xf32, #tpu.memory_space<vmem>>
      %dma_start3A_907 = arith.constant 0 : i32
      %dma_start3A_908 = tpu.memref_slice %arg8[%rem3A_896, %rem3A_900, %dma_start3A_907] : memref<2x25x40xi32, #tpu.memory_space<vmem>> -> memref<1x1x40xi32, #tpu.memory_space<vmem>>
      %dma_start3A_909 = tpu.memref_squeeze %dma_start3A_908 : memref<1x1x40xi32, #tpu.memory_space<vmem>> -> memref<40xi32, #tpu.memory_space<vmem>>
      %dma_start3A_910 = arith.constant 0 : i32
      %dma_start3A_911 = arith.constant 0 : i32
      %dma_start3A_912 = tpu.memref_slice %arg12[%dma_start3A_910, %dma_start3A_911] : memref<10240x128xf32, #tpu.memory_space<vmem_shared>> -> memref<10240x128xf32, #tpu.memory_space<vmem_shared>>
      %dma_start3A_913 = tpu.memref_slice %arg15[%rem3A_902] : memref<4x!tpu.dma_semaphore, #tpu.memory_space<semaphore_mem>> -> memref<1x!tpu.dma_semaphore, #tpu.memory_space<semaphore_mem>>
      %dma_start3A_914 = tpu.memref_squeeze %dma_start3A_913 : memref<1x!tpu.dma_semaphore, #tpu.memory_space<semaphore_mem>> -> memref<!tpu.dma_semaphore, #tpu.memory_space<semaphore_mem>>
      tpu.enqueue_indirect_dma source(%dma_start3A_906 : memref<40x128xf32, #tpu.memory_space<vmem>>) target(%dma_start3A_912 : memref<10240x128xf32, #tpu.memory_space<vmem_shared>>) offsets(%dma_start3A_909 : memref<40xi32, #tpu.memory_space<vmem>>) semaphore(%dma_start3A_914 : memref<!tpu.dma_semaphore, #tpu.memory_space<semaphore_mem>>) {add = true}
      %div3A_915 = arith.constant 25 : i32
      %div3A_916 = arith.divsi %add3A_865, %div3A_915 : i32
      %rem3A_917 = arith.constant 2 : i32
      %rem3A_918 = arith.remsi %div3A_916, %rem3A_917 : i32
      %rem3A_919 = arith.constant 25 : i32
      %rem3A_920 = arith.remsi %add3A_865, %rem3A_919 : i32
      %rem3A_921 = arith.constant 4 : i32
      %rem3A_922 = arith.remsi %add3A_865, %rem3A_921 : i32
      %dma_start3A_923 = arith.constant 0 : i32
      %dma_start3A_924 = tpu.memref_slice %arg10[%dma_start3A_923] : memref<48xf32, #tpu.memory_space<vmem>> -> memref<40xf32, #tpu.memory_space<vmem>>
      %dma_start3A_925 = arith.constant 0 : i32
      %dma_start3A_926 = tpu.memref_slice %arg8[%rem3A_918, %rem3A_920, %dma_start3A_925] : memref<2x25x40xi32, #tpu.memory_space<vmem>> -> memref<1x1x40xi32, #tpu.memory_space<vmem>>
      %dma_start3A_927 = tpu.memref_squeeze %dma_start3A_926 : memref<1x1x40xi32, #tpu.memory_space<vmem>> -> memref<40xi32, #tpu.memory_space<vmem>>
      %dma_start3A_928 = arith.constant 0 : i32
      %dma_start3A_929 = tpu.memref_slice %arg13[%dma_start3A_928] : memref<10240xf32, #tpu.memory_space<vmem_shared>> -> memref<10240xf32, #tpu.memory_space<vmem_shared>>
      %dma_start3A_930 = tpu.memref_slice %arg16[%rem3A_922] : memref<4x!tpu.dma_semaphore, #tpu.memory_space<semaphore_mem>> -> memref<1x!tpu.dma_semaphore, #tpu.memory_space<semaphore_mem>>
      %dma_start3A_931 = tpu.memref_squeeze %dma_start3A_930 : memref<1x!tpu.dma_semaphore, #tpu.memory_space<semaphore_mem>> -> memref<!tpu.dma_semaphore, #tpu.memory_space<semaphore_mem>>
      tpu.enqueue_indirect_dma source(%dma_start3A_924 : memref<40xf32, #tpu.memory_space<vmem>>) target(%dma_start3A_929 : memref<10240xf32, #tpu.memory_space<vmem_shared>>) offsets(%dma_start3A_927 : memref<40xi32, #tpu.memory_space<vmem>>) semaphore(%dma_start3A_931 : memref<!tpu.dma_semaphore, #tpu.memory_space<semaphore_mem>>) {add = true}
    }
    %scan3A_725 = arith.constant 250 : i32
    %rem3A_726 = arith.constant 246 : i32
    %rem3A_727 = arith.constant 4 : i32
    %rem3A_728 = arith.remsi %rem3A_726, %rem3A_727 : i32
    %dma_wait3A_729 = arith.constant 0 : i32
    %dma_wait3A_730 = arith.constant 0 : i32
    %dma_wait3A_731 = arith.constant 0 : i32
    %dma_wait3A_732 = arith.constant 0 : i32
    %dma_wait3A_733 = arith.constant 0 : i32
    %dma_wait3A_734 = tpu.memref_slice %arg9[%dma_wait3A_729, %dma_wait3A_732, %dma_wait3A_733] : memref<7x40x128xf32, #tpu.memory_space<vmem>> -> memref<1x40x128xf32, #tpu.memory_space<vmem>>
    %dma_wait3A_735 = tpu.memref_squeeze %dma_wait3A_734 : memref<1x40x128xf32, #tpu.memory_space<vmem>> -> memref<40x128xf32, #tpu.memory_space<vmem>>
    %dma_wait3A_736 = arith.constant 0 : i32
    %dma_wait3A_737 = tpu.memref_slice %arg8[%dma_wait3A_730, %dma_wait3A_731, %dma_wait3A_736] : memref<2x25x40xi32, #tpu.memory_space<vmem>> -> memref<1x1x40xi32, #tpu.memory_space<vmem>>
    %dma_wait3A_738 = tpu.memref_squeeze %dma_wait3A_737 : memref<1x1x40xi32, #tpu.memory_space<vmem>> -> memref<40xi32, #tpu.memory_space<vmem>>
    %dma_wait3A_739 = arith.constant 0 : i32
    %dma_wait3A_740 = arith.constant 0 : i32
    %dma_wait3A_741 = tpu.memref_slice %arg12[%dma_wait3A_739, %dma_wait3A_740] : memref<10240x128xf32, #tpu.memory_space<vmem_shared>> -> memref<10240x128xf32, #tpu.memory_space<vmem_shared>>
    %dma_wait3A_742 = tpu.memref_slice %arg15[%rem3A_728] : memref<4x!tpu.dma_semaphore, #tpu.memory_space<semaphore_mem>> -> memref<1x!tpu.dma_semaphore, #tpu.memory_space<semaphore_mem>>
    %dma_wait3A_743 = tpu.memref_squeeze %dma_wait3A_742 : memref<1x!tpu.dma_semaphore, #tpu.memory_space<semaphore_mem>> -> memref<!tpu.dma_semaphore, #tpu.memory_space<semaphore_mem>>
    tpu.wait_indirect_dma semaphore(%dma_wait3A_743 : memref<!tpu.dma_semaphore, #tpu.memory_space<semaphore_mem>>) src(%dma_wait3A_735 : memref<40x128xf32, #tpu.memory_space<vmem>>) dst(%dma_wait3A_741 : memref<10240x128xf32, #tpu.memory_space<vmem_shared>>)
    %rem3A_744 = arith.constant 246 : i32
    %rem3A_745 = arith.constant 4 : i32
    %rem3A_746 = arith.remsi %rem3A_744, %rem3A_745 : i32
    %dma_wait3A_747 = arith.constant 0 : i32
    %dma_wait3A_748 = arith.constant 0 : i32
    %dma_wait3A_749 = arith.constant 0 : i32
    %dma_wait3A_750 = tpu.memref_slice %arg10[%dma_wait3A_749] : memref<48xf32, #tpu.memory_space<vmem>> -> memref<40xf32, #tpu.memory_space<vmem>>
    %dma_wait3A_751 = arith.constant 0 : i32
    %dma_wait3A_752 = tpu.memref_slice %arg8[%dma_wait3A_747, %dma_wait3A_748, %dma_wait3A_751] : memref<2x25x40xi32, #tpu.memory_space<vmem>> -> memref<1x1x40xi32, #tpu.memory_space<vmem>>
    %dma_wait3A_753 = tpu.memref_squeeze %dma_wait3A_752 : memref<1x1x40xi32, #tpu.memory_space<vmem>> -> memref<40xi32, #tpu.memory_space<vmem>>
    %dma_wait3A_754 = arith.constant 0 : i32
    %dma_wait3A_755 = tpu.memref_slice %arg13[%dma_wait3A_754] : memref<10240xf32, #tpu.memory_space<vmem_shared>> -> memref<10240xf32, #tpu.memory_space<vmem_shared>>
    %dma_wait3A_756 = tpu.memref_slice %arg16[%rem3A_746] : memref<4x!tpu.dma_semaphore, #tpu.memory_space<semaphore_mem>> -> memref<1x!tpu.dma_semaphore, #tpu.memory_space<semaphore_mem>>
    %dma_wait3A_757 = tpu.memref_squeeze %dma_wait3A_756 : memref<1x!tpu.dma_semaphore, #tpu.memory_space<semaphore_mem>> -> memref<!tpu.dma_semaphore, #tpu.memory_space<semaphore_mem>>
    tpu.wait_indirect_dma semaphore(%dma_wait3A_757 : memref<!tpu.dma_semaphore, #tpu.memory_space<semaphore_mem>>) src(%dma_wait3A_750 : memref<40xf32, #tpu.memory_space<vmem>>) dst(%dma_wait3A_755 : memref<10240xf32, #tpu.memory_space<vmem_shared>>)
    %rem3A_758 = arith.constant 247 : i32
    %rem3A_759 = arith.constant 4 : i32
    %rem3A_760 = arith.remsi %rem3A_758, %rem3A_759 : i32
    %dma_wait3A_761 = arith.constant 0 : i32
    %dma_wait3A_762 = arith.constant 0 : i32
    %dma_wait3A_763 = arith.constant 0 : i32
    %dma_wait3A_764 = arith.constant 0 : i32
    %dma_wait3A_765 = arith.constant 0 : i32
    %dma_wait3A_766 = tpu.memref_slice %arg9[%dma_wait3A_761, %dma_wait3A_764, %dma_wait3A_765] : memref<7x40x128xf32, #tpu.memory_space<vmem>> -> memref<1x40x128xf32, #tpu.memory_space<vmem>>
    %dma_wait3A_767 = tpu.memref_squeeze %dma_wait3A_766 : memref<1x40x128xf32, #tpu.memory_space<vmem>> -> memref<40x128xf32, #tpu.memory_space<vmem>>
    %dma_wait3A_768 = arith.constant 0 : i32
    %dma_wait3A_769 = tpu.memref_slice %arg8[%dma_wait3A_762, %dma_wait3A_763, %dma_wait3A_768] : memref<2x25x40xi32, #tpu.memory_space<vmem>> -> memref<1x1x40xi32, #tpu.memory_space<vmem>>
    %dma_wait3A_770 = tpu.memref_squeeze %dma_wait3A_769 : memref<1x1x40xi32, #tpu.memory_space<vmem>> -> memref<40xi32, #tpu.memory_space<vmem>>
    %dma_wait3A_771 = arith.constant 0 : i32
    %dma_wait3A_772 = arith.constant 0 : i32
    %dma_wait3A_773 = tpu.memref_slice %arg12[%dma_wait3A_771, %dma_wait3A_772] : memref<10240x128xf32, #tpu.memory_space<vmem_shared>> -> memref<10240x128xf32, #tpu.memory_space<vmem_shared>>
    %dma_wait3A_774 = tpu.memref_slice %arg15[%rem3A_760] : memref<4x!tpu.dma_semaphore, #tpu.memory_space<semaphore_mem>> -> memref<1x!tpu.dma_semaphore, #tpu.memory_space<semaphore_mem>>
    %dma_wait3A_775 = tpu.memref_squeeze %dma_wait3A_774 : memref<1x!tpu.dma_semaphore, #tpu.memory_space<semaphore_mem>> -> memref<!tpu.dma_semaphore, #tpu.memory_space<semaphore_mem>>
    tpu.wait_indirect_dma semaphore(%dma_wait3A_775 : memref<!tpu.dma_semaphore, #tpu.memory_space<semaphore_mem>>) src(%dma_wait3A_767 : memref<40x128xf32, #tpu.memory_space<vmem>>) dst(%dma_wait3A_773 : memref<10240x128xf32, #tpu.memory_space<vmem_shared>>)
    %rem3A_776 = arith.constant 247 : i32
    %rem3A_777 = arith.constant 4 : i32
    %rem3A_778 = arith.remsi %rem3A_776, %rem3A_777 : i32
    %dma_wait3A_779 = arith.constant 0 : i32
    %dma_wait3A_780 = arith.constant 0 : i32
    %dma_wait3A_781 = arith.constant 0 : i32
    %dma_wait3A_782 = tpu.memref_slice %arg10[%dma_wait3A_781] : memref<48xf32, #tpu.memory_space<vmem>> -> memref<40xf32, #tpu.memory_space<vmem>>
    %dma_wait3A_783 = arith.constant 0 : i32
    %dma_wait3A_784 = tpu.memref_slice %arg8[%dma_wait3A_779, %dma_wait3A_780, %dma_wait3A_783] : memref<2x25x40xi32, #tpu.memory_space<vmem>> -> memref<1x1x40xi32, #tpu.memory_space<vmem>>
    %dma_wait3A_785 = tpu.memref_squeeze %dma_wait3A_784 : memref<1x1x40xi32, #tpu.memory_space<vmem>> -> memref<40xi32, #tpu.memory_space<vmem>>
    %dma_wait3A_786 = arith.constant 0 : i32
    %dma_wait3A_787 = tpu.memref_slice %arg13[%dma_wait3A_786] : memref<10240xf32, #tpu.memory_space<vmem_shared>> -> memref<10240xf32, #tpu.memory_space<vmem_shared>>
    %dma_wait3A_788 = tpu.memref_slice %arg16[%rem3A_778] : memref<4x!tpu.dma_semaphore, #tpu.memory_space<semaphore_mem>> -> memref<1x!tpu.dma_semaphore, #tpu.memory_space<semaphore_mem>>
    %dma_wait3A_789 = tpu.memref_squeeze %dma_wait3A_788 : memref<1x!tpu.dma_semaphore, #tpu.memory_space<semaphore_mem>> -> memref<!tpu.dma_semaphore, #tpu.memory_space<semaphore_mem>>
    tpu.wait_indirect_dma semaphore(%dma_wait3A_789 : memref<!tpu.dma_semaphore, #tpu.memory_space<semaphore_mem>>) src(%dma_wait3A_782 : memref<40xf32, #tpu.memory_space<vmem>>) dst(%dma_wait3A_787 : memref<10240xf32, #tpu.memory_space<vmem_shared>>)
    %rem3A_790 = arith.constant 248 : i32
    %rem3A_791 = arith.constant 4 : i32
    %rem3A_792 = arith.remsi %rem3A_790, %rem3A_791 : i32
    %dma_wait3A_793 = arith.constant 0 : i32
    %dma_wait3A_794 = arith.constant 0 : i32
    %dma_wait3A_795 = arith.constant 0 : i32
    %dma_wait3A_796 = arith.constant 0 : i32
    %dma_wait3A_797 = arith.constant 0 : i32
    %dma_wait3A_798 = tpu.memref_slice %arg9[%dma_wait3A_793, %dma_wait3A_796, %dma_wait3A_797] : memref<7x40x128xf32, #tpu.memory_space<vmem>> -> memref<1x40x128xf32, #tpu.memory_space<vmem>>
    %dma_wait3A_799 = tpu.memref_squeeze %dma_wait3A_798 : memref<1x40x128xf32, #tpu.memory_space<vmem>> -> memref<40x128xf32, #tpu.memory_space<vmem>>
    %dma_wait3A_800 = arith.constant 0 : i32
    %dma_wait3A_801 = tpu.memref_slice %arg8[%dma_wait3A_794, %dma_wait3A_795, %dma_wait3A_800] : memref<2x25x40xi32, #tpu.memory_space<vmem>> -> memref<1x1x40xi32, #tpu.memory_space<vmem>>
    %dma_wait3A_802 = tpu.memref_squeeze %dma_wait3A_801 : memref<1x1x40xi32, #tpu.memory_space<vmem>> -> memref<40xi32, #tpu.memory_space<vmem>>
    %dma_wait3A_803 = arith.constant 0 : i32
    %dma_wait3A_804 = arith.constant 0 : i32
    %dma_wait3A_805 = tpu.memref_slice %arg12[%dma_wait3A_803, %dma_wait3A_804] : memref<10240x128xf32, #tpu.memory_space<vmem_shared>> -> memref<10240x128xf32, #tpu.memory_space<vmem_shared>>
    %dma_wait3A_806 = tpu.memref_slice %arg15[%rem3A_792] : memref<4x!tpu.dma_semaphore, #tpu.memory_space<semaphore_mem>> -> memref<1x!tpu.dma_semaphore, #tpu.memory_space<semaphore_mem>>
    %dma_wait3A_807 = tpu.memref_squeeze %dma_wait3A_806 : memref<1x!tpu.dma_semaphore, #tpu.memory_space<semaphore_mem>> -> memref<!tpu.dma_semaphore, #tpu.memory_space<semaphore_mem>>
    tpu.wait_indirect_dma semaphore(%dma_wait3A_807 : memref<!tpu.dma_semaphore, #tpu.memory_space<semaphore_mem>>) src(%dma_wait3A_799 : memref<40x128xf32, #tpu.memory_space<vmem>>) dst(%dma_wait3A_805 : memref<10240x128xf32, #tpu.memory_space<vmem_shared>>)
    %rem3A_808 = arith.constant 248 : i32
    %rem3A_809 = arith.constant 4 : i32
    %rem3A_810 = arith.remsi %rem3A_808, %rem3A_809 : i32
    %dma_wait3A_811 = arith.constant 0 : i32
    %dma_wait3A_812 = arith.constant 0 : i32
    %dma_wait3A_813 = arith.constant 0 : i32
    %dma_wait3A_814 = tpu.memref_slice %arg10[%dma_wait3A_813] : memref<48xf32, #tpu.memory_space<vmem>> -> memref<40xf32, #tpu.memory_space<vmem>>
    %dma_wait3A_815 = arith.constant 0 : i32
    %dma_wait3A_816 = tpu.memref_slice %arg8[%dma_wait3A_811, %dma_wait3A_812, %dma_wait3A_815] : memref<2x25x40xi32, #tpu.memory_space<vmem>> -> memref<1x1x40xi32, #tpu.memory_space<vmem>>
    %dma_wait3A_817 = tpu.memref_squeeze %dma_wait3A_816 : memref<1x1x40xi32, #tpu.memory_space<vmem>> -> memref<40xi32, #tpu.memory_space<vmem>>
    %dma_wait3A_818 = arith.constant 0 : i32
    %dma_wait3A_819 = tpu.memref_slice %arg13[%dma_wait3A_818] : memref<10240xf32, #tpu.memory_space<vmem_shared>> -> memref<10240xf32, #tpu.memory_space<vmem_shared>>
    %dma_wait3A_820 = tpu.memref_slice %arg16[%rem3A_810] : memref<4x!tpu.dma_semaphore, #tpu.memory_space<semaphore_mem>> -> memref<1x!tpu.dma_semaphore, #tpu.memory_space<semaphore_mem>>
    %dma_wait3A_821 = tpu.memref_squeeze %dma_wait3A_820 : memref<1x!tpu.dma_semaphore, #tpu.memory_space<semaphore_mem>> -> memref<!tpu.dma_semaphore, #tpu.memory_space<semaphore_mem>>
    tpu.wait_indirect_dma semaphore(%dma_wait3A_821 : memref<!tpu.dma_semaphore, #tpu.memory_space<semaphore_mem>>) src(%dma_wait3A_814 : memref<40xf32, #tpu.memory_space<vmem>>) dst(%dma_wait3A_819 : memref<10240xf32, #tpu.memory_space<vmem_shared>>)
    %rem3A_822 = arith.constant 249 : i32
    %rem3A_823 = arith.constant 4 : i32
    %rem3A_824 = arith.remsi %rem3A_822, %rem3A_823 : i32
    %dma_wait3A_825 = arith.constant 0 : i32
    %dma_wait3A_826 = arith.constant 0 : i32
    %dma_wait3A_827 = arith.constant 0 : i32
    %dma_wait3A_828 = arith.constant 0 : i32
    %dma_wait3A_829 = arith.constant 0 : i32
    %dma_wait3A_830 = tpu.memref_slice %arg9[%dma_wait3A_825, %dma_wait3A_828, %dma_wait3A_829] : memref<7x40x128xf32, #tpu.memory_space<vmem>> -> memref<1x40x128xf32, #tpu.memory_space<vmem>>
    %dma_wait3A_831 = tpu.memref_squeeze %dma_wait3A_830 : memref<1x40x128xf32, #tpu.memory_space<vmem>> -> memref<40x128xf32, #tpu.memory_space<vmem>>
    %dma_wait3A_832 = arith.constant 0 : i32
    %dma_wait3A_833 = tpu.memref_slice %arg8[%dma_wait3A_826, %dma_wait3A_827, %dma_wait3A_832] : memref<2x25x40xi32, #tpu.memory_space<vmem>> -> memref<1x1x40xi32, #tpu.memory_space<vmem>>
    %dma_wait3A_834 = tpu.memref_squeeze %dma_wait3A_833 : memref<1x1x40xi32, #tpu.memory_space<vmem>> -> memref<40xi32, #tpu.memory_space<vmem>>
    %dma_wait3A_835 = arith.constant 0 : i32
    %dma_wait3A_836 = arith.constant 0 : i32
    %dma_wait3A_837 = tpu.memref_slice %arg12[%dma_wait3A_835, %dma_wait3A_836] : memref<10240x128xf32, #tpu.memory_space<vmem_shared>> -> memref<10240x128xf32, #tpu.memory_space<vmem_shared>>
    %dma_wait3A_838 = tpu.memref_slice %arg15[%rem3A_824] : memref<4x!tpu.dma_semaphore, #tpu.memory_space<semaphore_mem>> -> memref<1x!tpu.dma_semaphore, #tpu.memory_space<semaphore_mem>>
    %dma_wait3A_839 = tpu.memref_squeeze %dma_wait3A_838 : memref<1x!tpu.dma_semaphore, #tpu.memory_space<semaphore_mem>> -> memref<!tpu.dma_semaphore, #tpu.memory_space<semaphore_mem>>
    tpu.wait_indirect_dma semaphore(%dma_wait3A_839 : memref<!tpu.dma_semaphore, #tpu.memory_space<semaphore_mem>>) src(%dma_wait3A_831 : memref<40x128xf32, #tpu.memory_space<vmem>>) dst(%dma_wait3A_837 : memref<10240x128xf32, #tpu.memory_space<vmem_shared>>)
    %rem3A_840 = arith.constant 249 : i32
    %rem3A_841 = arith.constant 4 : i32
    %rem3A_842 = arith.remsi %rem3A_840, %rem3A_841 : i32
    %dma_wait3A_843 = arith.constant 0 : i32
    %dma_wait3A_844 = arith.constant 0 : i32
    %dma_wait3A_845 = arith.constant 0 : i32
    %dma_wait3A_846 = tpu.memref_slice %arg10[%dma_wait3A_845] : memref<48xf32, #tpu.memory_space<vmem>> -> memref<40xf32, #tpu.memory_space<vmem>>
    %dma_wait3A_847 = arith.constant 0 : i32
    %dma_wait3A_848 = tpu.memref_slice %arg8[%dma_wait3A_843, %dma_wait3A_844, %dma_wait3A_847] : memref<2x25x40xi32, #tpu.memory_space<vmem>> -> memref<1x1x40xi32, #tpu.memory_space<vmem>>
    %dma_wait3A_849 = tpu.memref_squeeze %dma_wait3A_848 : memref<1x1x40xi32, #tpu.memory_space<vmem>> -> memref<40xi32, #tpu.memory_space<vmem>>
    %dma_wait3A_850 = arith.constant 0 : i32
    %dma_wait3A_851 = tpu.memref_slice %arg13[%dma_wait3A_850] : memref<10240xf32, #tpu.memory_space<vmem_shared>> -> memref<10240xf32, #tpu.memory_space<vmem_shared>>
    %dma_wait3A_852 = tpu.memref_slice %arg16[%rem3A_842] : memref<4x!tpu.dma_semaphore, #tpu.memory_space<semaphore_mem>> -> memref<1x!tpu.dma_semaphore, #tpu.memory_space<semaphore_mem>>
    %dma_wait3A_853 = tpu.memref_squeeze %dma_wait3A_852 : memref<1x!tpu.dma_semaphore, #tpu.memory_space<semaphore_mem>> -> memref<!tpu.dma_semaphore, #tpu.memory_space<semaphore_mem>>
    tpu.wait_indirect_dma semaphore(%dma_wait3A_853 : memref<!tpu.dma_semaphore, #tpu.memory_space<semaphore_mem>>) src(%dma_wait3A_846 : memref<40xf32, #tpu.memory_space<vmem>>) dst(%dma_wait3A_851 : memref<10240xf32, #tpu.memory_space<vmem_shared>>)
    %barrier3A_854 = arith.constant 0 : index
    tpu.barrier barrier_id(%barrier3A_854)
    %eq3A = arith.constant 0 : i32
    %eq3A_855 = arith.cmpi eq, %arg1, %eq3A : i32
    %convert_element_type3A = arith.extui %eq3A_855 : i1 to i32
    %cond3A = arith.constant 0 : i32
    %cond3A_856 = arith.cmpi ne, %convert_element_type3A, %cond3A : i32
    scf.if %cond3A_856 {
      %run_scoped3A_861 = arith.constant 0 : i32
      "tpu.region"() ({
        %run_scoped3A_871 = tpu.sem_alloc : memref<!tpu.dma_semaphore, #tpu.memory_space<semaphore_mem>>
        %dma_start3A_872 = arith.constant 0 : i32
        %dma_start3A_873 = tpu.memref_slice %arg6[%run_scoped3A_861, %arg0, %dma_start3A_872] : memref<10x2x1000xf32, #tpu.memory_space<hbm>> -> memref<1x1x1000xf32, #tpu.memory_space<hbm>>
        %dma_start3A_874 = tpu.memref_squeeze %dma_start3A_873 : memref<1x1x1000xf32, #tpu.memory_space<hbm>> -> memref<1000xf32, #tpu.memory_space<hbm>>
        %dma_start3A_875 = arith.constant 0 : i32
        %dma_start3A_876 = tpu.memref_slice %arg13[%dma_start3A_875] : memref<10240xf32, #tpu.memory_space<vmem_shared>> -> memref<1000xf32, #tpu.memory_space<vmem_shared>>
        tpu.enqueue_dma source(%dma_start3A_876 : memref<1000xf32, #tpu.memory_space<vmem_shared>>) target(%dma_start3A_874 : memref<1000xf32, #tpu.memory_space<hbm>>) target_semaphore(%run_scoped3A_871 : memref<!tpu.dma_semaphore, #tpu.memory_space<semaphore_mem>>)
        %dma_wait3A_877 = arith.constant 0 : i32
        %dma_wait3A_878 = tpu.memref_slice %arg6[%run_scoped3A_861, %arg0, %dma_wait3A_877] : memref<10x2x1000xf32, #tpu.memory_space<hbm>> -> memref<1x1x1000xf32, #tpu.memory_space<hbm>>
        %dma_wait3A_879 = tpu.memref_squeeze %dma_wait3A_878 : memref<1x1x1000xf32, #tpu.memory_space<hbm>> -> memref<1000xf32, #tpu.memory_space<hbm>>
        %dma_wait3A_880 = arith.constant 0 : i32
        %dma_wait3A_881 = tpu.memref_slice %arg13[%dma_wait3A_880] : memref<10240xf32, #tpu.memory_space<vmem_shared>> -> memref<1000xf32, #tpu.memory_space<vmem_shared>>
        tpu.wait_dma2 semaphore(%run_scoped3A_871 : memref<!tpu.dma_semaphore, #tpu.memory_space<semaphore_mem>>) src(%dma_wait3A_881 : memref<1000xf32, #tpu.memory_space<vmem_shared>>) dst(%dma_wait3A_879 : memref<1000xf32, #tpu.memory_space<hbm>>)
        tpu.yield
      }) : () -> ()
      %run_scoped3A_862 = arith.constant 1 : i32
      "tpu.region"() ({
        %run_scoped3A_871 = tpu.sem_alloc : memref<!tpu.dma_semaphore, #tpu.memory_space<semaphore_mem>>
        %dma_start3A_872 = arith.constant 0 : i32
        %dma_start3A_873 = tpu.memref_slice %arg6[%run_scoped3A_862, %arg0, %dma_start3A_872] : memref<10x2x1000xf32, #tpu.memory_space<hbm>> -> memref<1x1x1000xf32, #tpu.memory_space<hbm>>
        %dma_start3A_874 = tpu.memref_squeeze %dma_start3A_873 : memref<1x1x1000xf32, #tpu.memory_space<hbm>> -> memref<1000xf32, #tpu.memory_space<hbm>>
        %dma_start3A_875 = arith.constant 1000 : i32
        %dma_start3A_876 = tpu.memref_slice %arg13[%dma_start3A_875] : memref<10240xf32, #tpu.memory_space<vmem_shared>> -> memref<1000xf32, #tpu.memory_space<vmem_shared>>
        tpu.enqueue_dma source(%dma_start3A_876 : memref<1000xf32, #tpu.memory_space<vmem_shared>>) target(%dma_start3A_874 : memref<1000xf32, #tpu.memory_space<hbm>>) target_semaphore(%run_scoped3A_871 : memref<!tpu.dma_semaphore, #tpu.memory_space<semaphore_mem>>)
        %dma_wait3A_877 = arith.constant 0 : i32
        %dma_wait3A_878 = tpu.memref_slice %arg6[%run_scoped3A_862, %arg0, %dma_wait3A_877] : memref<10x2x1000xf32, #tpu.memory_space<hbm>> -> memref<1x1x1000xf32, #tpu.memory_space<hbm>>
        %dma_wait3A_879 = tpu.memref_squeeze %dma_wait3A_878 : memref<1x1x1000xf32, #tpu.memory_space<hbm>> -> memref<1000xf32, #tpu.memory_space<hbm>>
        %dma_wait3A_880 = arith.constant 1000 : i32
        %dma_wait3A_881 = tpu.memref_slice %arg13[%dma_wait3A_880] : memref<10240xf32, #tpu.memory_space<vmem_shared>> -> memref<1000xf32, #tpu.memory_space<vmem_shared>>
        tpu.wait_dma2 semaphore(%run_scoped3A_871 : memref<!tpu.dma_semaphore, #tpu.memory_space<semaphore_mem>>) src(%dma_wait3A_881 : memref<1000xf32, #tpu.memory_space<vmem_shared>>) dst(%dma_wait3A_879 : memref<1000xf32, #tpu.memory_space<hbm>>)
        tpu.yield
      }) : () -> ()
      %run_scoped3A_863 = arith.constant 2 : i32
      "tpu.region"() ({
        %run_scoped3A_871 = tpu.sem_alloc : memref<!tpu.dma_semaphore, #tpu.memory_space<semaphore_mem>>
        %dma_start3A_872 = arith.constant 0 : i32
        %dma_start3A_873 = tpu.memref_slice %arg6[%run_scoped3A_863, %arg0, %dma_start3A_872] : memref<10x2x1000xf32, #tpu.memory_space<hbm>> -> memref<1x1x1000xf32, #tpu.memory_space<hbm>>
        %dma_start3A_874 = tpu.memref_squeeze %dma_start3A_873 : memref<1x1x1000xf32, #tpu.memory_space<hbm>> -> memref<1000xf32, #tpu.memory_space<hbm>>
        %dma_start3A_875 = arith.constant 2000 : i32
        %dma_start3A_876 = tpu.memref_slice %arg13[%dma_start3A_875] : memref<10240xf32, #tpu.memory_space<vmem_shared>> -> memref<1000xf32, #tpu.memory_space<vmem_shared>>
        tpu.enqueue_dma source(%dma_start3A_876 : memref<1000xf32, #tpu.memory_space<vmem_shared>>) target(%dma_start3A_874 : memref<1000xf32, #tpu.memory_space<hbm>>) target_semaphore(%run_scoped3A_871 : memref<!tpu.dma_semaphore, #tpu.memory_space<semaphore_mem>>)
        %dma_wait3A_877 = arith.constant 0 : i32
        %dma_wait3A_878 = tpu.memref_slice %arg6[%run_scoped3A_863, %arg0, %dma_wait3A_877] : memref<10x2x1000xf32, #tpu.memory_space<hbm>> -> memref<1x1x1000xf32, #tpu.memory_space<hbm>>
        %dma_wait3A_879 = tpu.memref_squeeze %dma_wait3A_878 : memref<1x1x1000xf32, #tpu.memory_space<hbm>> -> memref<1000xf32, #tpu.memory_space<hbm>>
        %dma_wait3A_880 = arith.constant 2000 : i32
        %dma_wait3A_881 = tpu.memref_slice %arg13[%dma_wait3A_880] : memref<10240xf32, #tpu.memory_space<vmem_shared>> -> memref<1000xf32, #tpu.memory_space<vmem_shared>>
        tpu.wait_dma2 semaphore(%run_scoped3A_871 : memref<!tpu.dma_semaphore, #tpu.memory_space<semaphore_mem>>) src(%dma_wait3A_881 : memref<1000xf32, #tpu.memory_space<vmem_shared>>) dst(%dma_wait3A_879 : memref<1000xf32, #tpu.memory_space<hbm>>)
        tpu.yield
      }) : () -> ()
      %run_scoped3A_864 = arith.constant 3 : i32
      "tpu.region"() ({
        %run_scoped3A_871 = tpu.sem_alloc : memref<!tpu.dma_semaphore, #tpu.memory_space<semaphore_mem>>
        %dma_start3A_872 = arith.constant 0 : i32
        %dma_start3A_873 = tpu.memref_slice %arg6[%run_scoped3A_864, %arg0, %dma_start3A_872] : memref<10x2x1000xf32, #tpu.memory_space<hbm>> -> memref<1x1x1000xf32, #tpu.memory_space<hbm>>
        %dma_start3A_874 = tpu.memref_squeeze %dma_start3A_873 : memref<1x1x1000xf32, #tpu.memory_space<hbm>> -> memref<1000xf32, #tpu.memory_space<hbm>>
        %dma_start3A_875 = arith.constant 3000 : i32
        %dma_start3A_876 = tpu.memref_slice %arg13[%dma_start3A_875] : memref<10240xf32, #tpu.memory_space<vmem_shared>> -> memref<1000xf32, #tpu.memory_space<vmem_shared>>
        tpu.enqueue_dma source(%dma_start3A_876 : memref<1000xf32, #tpu.memory_space<vmem_shared>>) target(%dma_start3A_874 : memref<1000xf32, #tpu.memory_space<hbm>>) target_semaphore(%run_scoped3A_871 : memref<!tpu.dma_semaphore, #tpu.memory_space<semaphore_mem>>)
        %dma_wait3A_877 = arith.constant 0 : i32
        %dma_wait3A_878 = tpu.memref_slice %arg6[%run_scoped3A_864, %arg0, %dma_wait3A_877] : memref<10x2x1000xf32, #tpu.memory_space<hbm>> -> memref<1x1x1000xf32, #tpu.memory_space<hbm>>
        %dma_wait3A_879 = tpu.memref_squeeze %dma_wait3A_878 : memref<1x1x1000xf32, #tpu.memory_space<hbm>> -> memref<1000xf32, #tpu.memory_space<hbm>>
        %dma_wait3A_880 = arith.constant 3000 : i32
        %dma_wait3A_881 = tpu.memref_slice %arg13[%dma_wait3A_880] : memref<10240xf32, #tpu.memory_space<vmem_shared>> -> memref<1000xf32, #tpu.memory_space<vmem_shared>>
        tpu.wait_dma2 semaphore(%run_scoped3A_871 : memref<!tpu.dma_semaphore, #tpu.memory_space<semaphore_mem>>) src(%dma_wait3A_881 : memref<1000xf32, #tpu.memory_space<vmem_shared>>) dst(%dma_wait3A_879 : memref<1000xf32, #tpu.memory_space<hbm>>)
        tpu.yield
      }) : () -> ()
      %run_scoped3A_865 = arith.constant 4 : i32
      "tpu.region"() ({
        %run_scoped3A_871 = tpu.sem_alloc : memref<!tpu.dma_semaphore, #tpu.memory_space<semaphore_mem>>
        %dma_start3A_872 = arith.constant 0 : i32
        %dma_start3A_873 = tpu.memref_slice %arg6[%run_scoped3A_865, %arg0, %dma_start3A_872] : memref<10x2x1000xf32, #tpu.memory_space<hbm>> -> memref<1x1x1000xf32, #tpu.memory_space<hbm>>
        %dma_start3A_874 = tpu.memref_squeeze %dma_start3A_873 : memref<1x1x1000xf32, #tpu.memory_space<hbm>> -> memref<1000xf32, #tpu.memory_space<hbm>>
        %dma_start3A_875 = arith.constant 4000 : i32
        %dma_start3A_876 = tpu.memref_slice %arg13[%dma_start3A_875] : memref<10240xf32, #tpu.memory_space<vmem_shared>> -> memref<1000xf32, #tpu.memory_space<vmem_shared>>
        tpu.enqueue_dma source(%dma_start3A_876 : memref<1000xf32, #tpu.memory_space<vmem_shared>>) target(%dma_start3A_874 : memref<1000xf32, #tpu.memory_space<hbm>>) target_semaphore(%run_scoped3A_871 : memref<!tpu.dma_semaphore, #tpu.memory_space<semaphore_mem>>)
        %dma_wait3A_877 = arith.constant 0 : i32
        %dma_wait3A_878 = tpu.memref_slice %arg6[%run_scoped3A_865, %arg0, %dma_wait3A_877] : memref<10x2x1000xf32, #tpu.memory_space<hbm>> -> memref<1x1x1000xf32, #tpu.memory_space<hbm>>
        %dma_wait3A_879 = tpu.memref_squeeze %dma_wait3A_878 : memref<1x1x1000xf32, #tpu.memory_space<hbm>> -> memref<1000xf32, #tpu.memory_space<hbm>>
        %dma_wait3A_880 = arith.constant 4000 : i32
        %dma_wait3A_881 = tpu.memref_slice %arg13[%dma_wait3A_880] : memref<10240xf32, #tpu.memory_space<vmem_shared>> -> memref<1000xf32, #tpu.memory_space<vmem_shared>>
        tpu.wait_dma2 semaphore(%run_scoped3A_871 : memref<!tpu.dma_semaphore, #tpu.memory_space<semaphore_mem>>) src(%dma_wait3A_881 : memref<1000xf32, #tpu.memory_space<vmem_shared>>) dst(%dma_wait3A_879 : memref<1000xf32, #tpu.memory_space<hbm>>)
        tpu.yield
      }) : () -> ()
      %run_scoped3A_866 = arith.constant 5 : i32
      "tpu.region"() ({
        %run_scoped3A_871 = tpu.sem_alloc : memref<!tpu.dma_semaphore, #tpu.memory_space<semaphore_mem>>
        %dma_start3A_872 = arith.constant 0 : i32
        %dma_start3A_873 = tpu.memref_slice %arg6[%run_scoped3A_866, %arg0, %dma_start3A_872] : memref<10x2x1000xf32, #tpu.memory_space<hbm>> -> memref<1x1x1000xf32, #tpu.memory_space<hbm>>
        %dma_start3A_874 = tpu.memref_squeeze %dma_start3A_873 : memref<1x1x1000xf32, #tpu.memory_space<hbm>> -> memref<1000xf32, #tpu.memory_space<hbm>>
        %dma_start3A_875 = arith.constant 5000 : i32
        %dma_start3A_876 = tpu.memref_slice %arg13[%dma_start3A_875] : memref<10240xf32, #tpu.memory_space<vmem_shared>> -> memref<1000xf32, #tpu.memory_space<vmem_shared>>
        tpu.enqueue_dma source(%dma_start3A_876 : memref<1000xf32, #tpu.memory_space<vmem_shared>>) target(%dma_start3A_874 : memref<1000xf32, #tpu.memory_space<hbm>>) target_semaphore(%run_scoped3A_871 : memref<!tpu.dma_semaphore, #tpu.memory_space<semaphore_mem>>)
        %dma_wait3A_877 = arith.constant 0 : i32
        %dma_wait3A_878 = tpu.memref_slice %arg6[%run_scoped3A_866, %arg0, %dma_wait3A_877] : memref<10x2x1000xf32, #tpu.memory_space<hbm>> -> memref<1x1x1000xf32, #tpu.memory_space<hbm>>
        %dma_wait3A_879 = tpu.memref_squeeze %dma_wait3A_878 : memref<1x1x1000xf32, #tpu.memory_space<hbm>> -> memref<1000xf32, #tpu.memory_space<hbm>>
        %dma_wait3A_880 = arith.constant 5000 : i32
        %dma_wait3A_881 = tpu.memref_slice %arg13[%dma_wait3A_880] : memref<10240xf32, #tpu.memory_space<vmem_shared>> -> memref<1000xf32, #tpu.memory_space<vmem_shared>>
        tpu.wait_dma2 semaphore(%run_scoped3A_871 : memref<!tpu.dma_semaphore, #tpu.memory_space<semaphore_mem>>) src(%dma_wait3A_881 : memref<1000xf32, #tpu.memory_space<vmem_shared>>) dst(%dma_wait3A_879 : memref<1000xf32, #tpu.memory_space<hbm>>)
        tpu.yield
      }) : () -> ()
      %run_scoped3A_867 = arith.constant 6 : i32
      "tpu.region"() ({
        %run_scoped3A_871 = tpu.sem_alloc : memref<!tpu.dma_semaphore, #tpu.memory_space<semaphore_mem>>
        %dma_start3A_872 = arith.constant 0 : i32
        %dma_start3A_873 = tpu.memref_slice %arg6[%run_scoped3A_867, %arg0, %dma_start3A_872] : memref<10x2x1000xf32, #tpu.memory_space<hbm>> -> memref<1x1x1000xf32, #tpu.memory_space<hbm>>
        %dma_start3A_874 = tpu.memref_squeeze %dma_start3A_873 : memref<1x1x1000xf32, #tpu.memory_space<hbm>> -> memref<1000xf32, #tpu.memory_space<hbm>>
        %dma_start3A_875 = arith.constant 6000 : i32
        %dma_start3A_876 = tpu.memref_slice %arg13[%dma_start3A_875] : memref<10240xf32, #tpu.memory_space<vmem_shared>> -> memref<1000xf32, #tpu.memory_space<vmem_shared>>
        tpu.enqueue_dma source(%dma_start3A_876 : memref<1000xf32, #tpu.memory_space<vmem_shared>>) target(%dma_start3A_874 : memref<1000xf32, #tpu.memory_space<hbm>>) target_semaphore(%run_scoped3A_871 : memref<!tpu.dma_semaphore, #tpu.memory_space<semaphore_mem>>)
        %dma_wait3A_877 = arith.constant 0 : i32
        %dma_wait3A_878 = tpu.memref_slice %arg6[%run_scoped3A_867, %arg0, %dma_wait3A_877] : memref<10x2x1000xf32, #tpu.memory_space<hbm>> -> memref<1x1x1000xf32, #tpu.memory_space<hbm>>
        %dma_wait3A_879 = tpu.memref_squeeze %dma_wait3A_878 : memref<1x1x1000xf32, #tpu.memory_space<hbm>> -> memref<1000xf32, #tpu.memory_space<hbm>>
        %dma_wait3A_880 = arith.constant 6000 : i32
        %dma_wait3A_881 = tpu.memref_slice %arg13[%dma_wait3A_880] : memref<10240xf32, #tpu.memory_space<vmem_shared>> -> memref<1000xf32, #tpu.memory_space<vmem_shared>>
        tpu.wait_dma2 semaphore(%run_scoped3A_871 : memref<!tpu.dma_semaphore, #tpu.memory_space<semaphore_mem>>) src(%dma_wait3A_881 : memref<1000xf32, #tpu.memory_space<vmem_shared>>) dst(%dma_wait3A_879 : memref<1000xf32, #tpu.memory_space<hbm>>)
        tpu.yield
      }) : () -> ()
      %run_scoped3A_868 = arith.constant 7 : i32
      "tpu.region"() ({
        %run_scoped3A_871 = tpu.sem_alloc : memref<!tpu.dma_semaphore, #tpu.memory_space<semaphore_mem>>
        %dma_start3A_872 = arith.constant 0 : i32
        %dma_start3A_873 = tpu.memref_slice %arg6[%run_scoped3A_868, %arg0, %dma_start3A_872] : memref<10x2x1000xf32, #tpu.memory_space<hbm>> -> memref<1x1x1000xf32, #tpu.memory_space<hbm>>
        %dma_start3A_874 = tpu.memref_squeeze %dma_start3A_873 : memref<1x1x1000xf32, #tpu.memory_space<hbm>> -> memref<1000xf32, #tpu.memory_space<hbm>>
        %dma_start3A_875 = arith.constant 7000 : i32
        %dma_start3A_876 = tpu.memref_slice %arg13[%dma_start3A_875] : memref<10240xf32, #tpu.memory_space<vmem_shared>> -> memref<1000xf32, #tpu.memory_space<vmem_shared>>
        tpu.enqueue_dma source(%dma_start3A_876 : memref<1000xf32, #tpu.memory_space<vmem_shared>>) target(%dma_start3A_874 : memref<1000xf32, #tpu.memory_space<hbm>>) target_semaphore(%run_scoped3A_871 : memref<!tpu.dma_semaphore, #tpu.memory_space<semaphore_mem>>)
        %dma_wait3A_877 = arith.constant 0 : i32
        %dma_wait3A_878 = tpu.memref_slice %arg6[%run_scoped3A_868, %arg0, %dma_wait3A_877] : memref<10x2x1000xf32, #tpu.memory_space<hbm>> -> memref<1x1x1000xf32, #tpu.memory_space<hbm>>
        %dma_wait3A_879 = tpu.memref_squeeze %dma_wait3A_878 : memref<1x1x1000xf32, #tpu.memory_space<hbm>> -> memref<1000xf32, #tpu.memory_space<hbm>>
        %dma_wait3A_880 = arith.constant 7000 : i32
        %dma_wait3A_881 = tpu.memref_slice %arg13[%dma_wait3A_880] : memref<10240xf32, #tpu.memory_space<vmem_shared>> -> memref<1000xf32, #tpu.memory_space<vmem_shared>>
        tpu.wait_dma2 semaphore(%run_scoped3A_871 : memref<!tpu.dma_semaphore, #tpu.memory_space<semaphore_mem>>) src(%dma_wait3A_881 : memref<1000xf32, #tpu.memory_space<vmem_shared>>) dst(%dma_wait3A_879 : memref<1000xf32, #tpu.memory_space<hbm>>)
        tpu.yield
      }) : () -> ()
      %run_scoped3A_869 = arith.constant 8 : i32
      "tpu.region"() ({
        %run_scoped3A_871 = tpu.sem_alloc : memref<!tpu.dma_semaphore, #tpu.memory_space<semaphore_mem>>
        %dma_start3A_872 = arith.constant 0 : i32
        %dma_start3A_873 = tpu.memref_slice %arg6[%run_scoped3A_869, %arg0, %dma_start3A_872] : memref<10x2x1000xf32, #tpu.memory_space<hbm>> -> memref<1x1x1000xf32, #tpu.memory_space<hbm>>
        %dma_start3A_874 = tpu.memref_squeeze %dma_start3A_873 : memref<1x1x1000xf32, #tpu.memory_space<hbm>> -> memref<1000xf32, #tpu.memory_space<hbm>>
        %dma_start3A_875 = arith.constant 8000 : i32
        %dma_start3A_876 = tpu.memref_slice %arg13[%dma_start3A_875] : memref<10240xf32, #tpu.memory_space<vmem_shared>> -> memref<1000xf32, #tpu.memory_space<vmem_shared>>
        tpu.enqueue_dma source(%dma_start3A_876 : memref<1000xf32, #tpu.memory_space<vmem_shared>>) target(%dma_start3A_874 : memref<1000xf32, #tpu.memory_space<hbm>>) target_semaphore(%run_scoped3A_871 : memref<!tpu.dma_semaphore, #tpu.memory_space<semaphore_mem>>)
        %dma_wait3A_877 = arith.constant 0 : i32
        %dma_wait3A_878 = tpu.memref_slice %arg6[%run_scoped3A_869, %arg0, %dma_wait3A_877] : memref<10x2x1000xf32, #tpu.memory_space<hbm>> -> memref<1x1x1000xf32, #tpu.memory_space<hbm>>
        %dma_wait3A_879 = tpu.memref_squeeze %dma_wait3A_878 : memref<1x1x1000xf32, #tpu.memory_space<hbm>> -> memref<1000xf32, #tpu.memory_space<hbm>>
        %dma_wait3A_880 = arith.constant 8000 : i32
        %dma_wait3A_881 = tpu.memref_slice %arg13[%dma_wait3A_880] : memref<10240xf32, #tpu.memory_space<vmem_shared>> -> memref<1000xf32, #tpu.memory_space<vmem_shared>>
        tpu.wait_dma2 semaphore(%run_scoped3A_871 : memref<!tpu.dma_semaphore, #tpu.memory_space<semaphore_mem>>) src(%dma_wait3A_881 : memref<1000xf32, #tpu.memory_space<vmem_shared>>) dst(%dma_wait3A_879 : memref<1000xf32, #tpu.memory_space<hbm>>)
        tpu.yield
      }) : () -> ()
      %run_scoped3A_870 = arith.constant 9 : i32
      "tpu.region"() ({
        %run_scoped3A_871 = tpu.sem_alloc : memref<!tpu.dma_semaphore, #tpu.memory_space<semaphore_mem>>
        %dma_start3A_872 = arith.constant 0 : i32
        %dma_start3A_873 = tpu.memref_slice %arg6[%run_scoped3A_870, %arg0, %dma_start3A_872] : memref<10x2x1000xf32, #tpu.memory_space<hbm>> -> memref<1x1x1000xf32, #tpu.memory_space<hbm>>
        %dma_start3A_874 = tpu.memref_squeeze %dma_start3A_873 : memref<1x1x1000xf32, #tpu.memory_space<hbm>> -> memref<1000xf32, #tpu.memory_space<hbm>>
        %dma_start3A_875 = arith.constant 9000 : i32
        %dma_start3A_876 = tpu.memref_slice %arg13[%dma_start3A_875] : memref<10240xf32, #tpu.memory_space<vmem_shared>> -> memref<1000xf32, #tpu.memory_space<vmem_shared>>
        tpu.enqueue_dma source(%dma_start3A_876 : memref<1000xf32, #tpu.memory_space<vmem_shared>>) target(%dma_start3A_874 : memref<1000xf32, #tpu.memory_space<hbm>>) target_semaphore(%run_scoped3A_871 : memref<!tpu.dma_semaphore, #tpu.memory_space<semaphore_mem>>)
        %dma_wait3A_877 = arith.constant 0 : i32
        %dma_wait3A_878 = tpu.memref_slice %arg6[%run_scoped3A_870, %arg0, %dma_wait3A_877] : memref<10x2x1000xf32, #tpu.memory_space<hbm>> -> memref<1x1x1000xf32, #tpu.memory_space<hbm>>
        %dma_wait3A_879 = tpu.memref_squeeze %dma_wait3A_878 : memref<1x1x1000xf32, #tpu.memory_space<hbm>> -> memref<1000xf32, #tpu.memory_space<hbm>>
        %dma_wait3A_880 = arith.constant 9000 : i32
        %dma_wait3A_881 = tpu.memref_slice %arg13[%dma_wait3A_880] : memref<10240xf32, #tpu.memory_space<vmem_shared>> -> memref<1000xf32, #tpu.memory_space<vmem_shared>>
        tpu.wait_dma2 semaphore(%run_scoped3A_871 : memref<!tpu.dma_semaphore, #tpu.memory_space<semaphore_mem>>) src(%dma_wait3A_881 : memref<1000xf32, #tpu.memory_space<vmem_shared>>) dst(%dma_wait3A_879 : memref<1000xf32, #tpu.memory_space<hbm>>)
        tpu.yield
      }) : () -> ()
    } else {
    }
    %mul3A_857 = arith.constant 640 : i32
    %mul3A_858 = arith.muli %arg1, %mul3A_857 : i32
    %mul3A_859 = arith.constant 640 : i32
    %mul3A_860 = arith.muli %arg1, %mul3A_859 : i32
    "tpu.region"() ({
      %run_scoped3A_861 = tpu.sem_alloc : memref<!tpu.dma_semaphore, #tpu.memory_space<semaphore_mem>>
      %dma_start3A_862 = arith.constant 0 : i32
      %dma_start3A_863 = tpu.memref_slice %arg5[%arg0, %mul3A_860, %dma_start3A_862] : memref<2x10240x128xf32, #tpu.memory_space<hbm>> -> memref<1x640x128xf32, #tpu.memory_space<hbm>>
      %dma_start3A_864 = tpu.memref_squeeze %dma_start3A_863 : memref<1x640x128xf32, #tpu.memory_space<hbm>> -> memref<640x128xf32, #tpu.memory_space<hbm>>
      %dma_start3A_865 = arith.constant 0 : i32
      %dma_start3A_866 = tpu.memref_slice %arg12[%mul3A_858, %dma_start3A_865] : memref<10240x128xf32, #tpu.memory_space<vmem_shared>> -> memref<640x128xf32, #tpu.memory_space<vmem_shared>>
      tpu.enqueue_dma source(%dma_start3A_866 : memref<640x128xf32, #tpu.memory_space<vmem_shared>>) target(%dma_start3A_864 : memref<640x128xf32, #tpu.memory_space<hbm>>) target_semaphore(%run_scoped3A_861 : memref<!tpu.dma_semaphore, #tpu.memory_space<semaphore_mem>>)
      %dma_wait3A_867 = arith.constant 0 : i32
      %dma_wait3A_868 = tpu.memref_slice %arg5[%arg0, %mul3A_860, %dma_wait3A_867] : memref<2x10240x128xf32, #tpu.memory_space<hbm>> -> memref<1x640x128xf32, #tpu.memory_space<hbm>>
      %dma_wait3A_869 = tpu.memref_squeeze %dma_wait3A_868 : memref<1x640x128xf32, #tpu.memory_space<hbm>> -> memref<640x128xf32, #tpu.memory_space<hbm>>
      %dma_wait3A_870 = arith.constant 0 : i32
      %dma_wait3A_871 = tpu.memref_slice %arg12[%mul3A_858, %dma_wait3A_870] : memref<10240x128xf32, #tpu.memory_space<vmem_shared>> -> memref<640x128xf32, #tpu.memory_space<vmem_shared>>
      tpu.wait_dma2 semaphore(%run_scoped3A_861 : memref<!tpu.dma_semaphore, #tpu.memory_space<semaphore_mem>>) src(%dma_wait3A_871 : memref<640x128xf32, #tpu.memory_space<vmem_shared>>) dst(%dma_wait3A_869 : memref<640x128xf32, #tpu.memory_space<hbm>>)
      tpu.yield
    }) : () -> ()
    return
  }
}

module attributes {stable_mosaic.version = 14 : i64} {
  func.func @_ln1_body(%arg0: i32, %arg1: memref<1000x128xf32, #tpu.memory_space<vmem>>, %arg2: memref<1x128xf32, #tpu.memory_space<vmem>>, %arg3: memref<1x128xf32, #tpu.memory_space<vmem>>, %arg4: memref<1000x128xf32, #tpu.memory_space<vmem>>) attributes {dimension_semantics = [#tpu.dimension_semantics<arbitrary>], iteration_bounds = array<i64: 10>, scalar_prefetch = 0 : i64, scratch_operands = 0 : i64, tpu.core_type = #tpu.core_type<tc>, window_params = [{transform_indices = @transform_0, window_bounds = array<i64: 1000, 128>}, {pipeline_mode = #tpu.pipeline_mode<synchronous>, transform_indices = @transform_1, window_bounds = array<i64: 1, 128>}, {pipeline_mode = #tpu.pipeline_mode<synchronous>, transform_indices = @transform_2, window_bounds = array<i64: 1, 128>}, {transform_indices = @transform_3, window_bounds = array<i64: 1000, 128>}]} {
    %get3A = arith.constant 0 : index
    %get3A_0 = arith.constant 0 : index
    %get3A_1 = vector.load %arg1[%get3A, %get3A_0] : memref<1000x128xf32, #tpu.memory_space<vmem>>, vector<1000x128xf32>
    %get3A_2 = arith.constant 0 : index
    %get3A_3 = arith.constant 0 : index
    %get3A_4 = vector.load %arg2[%get3A_2, %get3A_3] : memref<1x128xf32, #tpu.memory_space<vmem>>, vector<1x128xf32>
    %get3A_5 = arith.constant 0 : index
    %get3A_6 = arith.constant 0 : index
    %get3A_7 = vector.load %arg3[%get3A_5, %get3A_6] : memref<1x128xf32, #tpu.memory_space<vmem>>, vector<1x128xf32>
    %reduce_sum3A = arith.constant dense<0.000000e+00> : vector<1000xf32>
    %reduce_sum3A_8 = vector.multi_reduction <add>, %get3A_1, %reduce_sum3A [1] : vector<1000x128xf32> to vector<1000xf32>
    %broadcast_in_dim3A = vector.shape_cast %reduce_sum3A_8 : vector<1000xf32> to vector<1000x1xf32>
    %div3A = arith.constant 1.280000e+02 : f32
    %div3A_9 = vector.broadcast %div3A : f32 to vector<1000x1xf32>
    %div3A_10 = arith.divf %broadcast_in_dim3A, %div3A_9 : vector<1000x1xf32>
    %sub3A = vector.broadcast %div3A_10 : vector<1000x1xf32> to vector<1000x128xf32>
    %sub3A_11 = arith.subf %get3A_1, %sub3A : vector<1000x128xf32>
    %integer_pow3A = arith.mulf %sub3A_11, %sub3A_11 : vector<1000x128xf32>
    %reduce_sum3A_12 = arith.constant dense<0.000000e+00> : vector<1000xf32>
    %reduce_sum3A_13 = vector.multi_reduction <add>, %integer_pow3A, %reduce_sum3A_12 [1] : vector<1000x128xf32> to vector<1000xf32>
    %broadcast_in_dim3A_14 = vector.shape_cast %reduce_sum3A_13 : vector<1000xf32> to vector<1000x1xf32>
    %div3A_15 = arith.constant 1.280000e+02 : f32
    %div3A_16 = vector.broadcast %div3A_15 : f32 to vector<1000x1xf32>
    %div3A_17 = arith.divf %broadcast_in_dim3A_14, %div3A_16 : vector<1000x1xf32>
    %sub3A_18 = vector.broadcast %div3A_10 : vector<1000x1xf32> to vector<1000x128xf32>
    %sub3A_19 = arith.subf %get3A_1, %sub3A_18 : vector<1000x128xf32>
    %add3A = arith.constant 9.99999974E-6 : f32
    %add3A_20 = vector.broadcast %add3A : f32 to vector<1000x1xf32>
    %add3A_21 = arith.addf %div3A_17, %add3A_20 : vector<1000x1xf32>
    %sqrt3A = math.sqrt %add3A_21 : vector<1000x1xf32>
    %div3A_22 = vector.broadcast %sqrt3A : vector<1000x1xf32> to vector<1000x128xf32>
    %div3A_23 = arith.divf %sub3A_19, %div3A_22 : vector<1000x128xf32>
    %mul3A = vector.broadcast %get3A_4 : vector<1x128xf32> to vector<1000x128xf32>
    %mul3A_24 = arith.mulf %div3A_23, %mul3A : vector<1000x128xf32>
    %add3A_25 = vector.broadcast %get3A_7 : vector<1x128xf32> to vector<1000x128xf32>
    %add3A_26 = arith.addf %mul3A_24, %add3A_25 : vector<1000x128xf32>
    %swap3A = arith.constant 0 : index
    %swap3A_27 = arith.constant 0 : index
    %swap3A_28 = vector.load %arg4[%swap3A, %swap3A_27] : memref<1000x128xf32, #tpu.memory_space<vmem>>, vector<1000x128xf32>
    tpu.vector_store %arg4[%swap3A, %swap3A_27], %add3A_26 {strides = array<i32>} : memref<1000x128xf32, #tpu.memory_space<vmem>>, vector<1000x128xf32>,
    return
  }
  func.func @transform_0(%arg0: i32) -> (i32, i32) {
    %c0_i32 = arith.constant 0 : i32
    %c0_i32_0 = arith.constant 0 : i32
    return %arg0, %c0_i32 : i32, i32
  }
  func.func @transform_1(%arg0: i32) -> (i32, i32) {
    %c0_i32 = arith.constant 0 : i32
    %c0_i32_0 = arith.constant 0 : i32
    %c0_i32_1 = arith.constant 0 : i32
    return %c0_i32, %c0_i32_0 : i32, i32
  }
  func.func @transform_2(%arg0: i32) -> (i32, i32) {
    %c0_i32 = arith.constant 0 : i32
    %c0_i32_0 = arith.constant 0 : i32
    %c0_i32_1 = arith.constant 0 : i32
    return %c0_i32, %c0_i32_0 : i32, i32
  }
  func.func @transform_3(%arg0: i32) -> (i32, i32) {
    %c0_i32 = arith.constant 0 : i32
    %c0_i32_0 = arith.constant 0 : i32
    return %arg0, %c0_i32 : i32, i32
  }
}

module attributes {stable_mosaic.version = 14 : i64} {
  func.func @_post_body(%arg0: i32, %arg1: memref<1000x128xf32, #tpu.memory_space<vmem>>, %arg2: memref<2x1000x128xf32, #tpu.memory_space<vmem>>, %arg3: memref<1x2x1000xf32, #tpu.memory_space<vmem>>, %arg4: memref<128x128xf32, #tpu.memory_space<vmem>>, %arg5: memref<128x128xf32, #tpu.memory_space<vmem>>, %arg6: memref<1x128xf32, #tpu.memory_space<vmem>>, %arg7: memref<128x128xf32, #tpu.memory_space<vmem>>, %arg8: memref<1x128xf32, #tpu.memory_space<vmem>>, %arg9: memref<1x128xf32, #tpu.memory_space<vmem>>, %arg10: memref<1x128xf32, #tpu.memory_space<vmem>>, %arg11: memref<1000x128xf32, #tpu.memory_space<vmem>>) attributes {dimension_semantics = [#tpu.dimension_semantics<arbitrary>], iteration_bounds = array<i64: 10>, scalar_prefetch = 0 : i64, scratch_operands = 0 : i64, tpu.core_type = #tpu.core_type<tc>, window_params = [{transform_indices = @transform_0, window_bounds = array<i64: 1000, 128>}, {transform_indices = @transform_1, window_bounds = array<i64: 2, 1000, 128>}, {transform_indices = @transform_2, window_bounds = array<i64: 1, 2, 1000>}, {pipeline_mode = #tpu.pipeline_mode<synchronous>, transform_indices = @transform_3, window_bounds = array<i64: 128, 128>}, {pipeline_mode = #tpu.pipeline_mode<synchronous>, transform_indices = @transform_4, window_bounds = array<i64: 128, 128>}, {pipeline_mode = #tpu.pipeline_mode<synchronous>, transform_indices = @transform_5, window_bounds = array<i64: 1, 128>}, {pipeline_mode = #tpu.pipeline_mode<synchronous>, transform_indices = @transform_6, window_bounds = array<i64: 128, 128>}, {pipeline_mode = #tpu.pipeline_mode<synchronous>, transform_indices = @transform_7, window_bounds = array<i64: 1, 128>}, {pipeline_mode = #tpu.pipeline_mode<synchronous>, transform_indices = @transform_8, window_bounds = array<i64: 1, 128>}, {pipeline_mode = #tpu.pipeline_mode<synchronous>, transform_indices = @transform_9, window_bounds = array<i64: 1, 128>}, {transform_indices = @transform_10, window_bounds = array<i64: 1000, 128>}]} {
    %get3A = arith.constant 0 : index
    %get3A_0 = arith.constant 0 : index
    %get3A_1 = vector.load %arg1[%get3A, %get3A_0] : memref<1000x128xf32, #tpu.memory_space<vmem>>, vector<1000x128xf32>
    %get3A_2 = arith.constant 0 : index
    %get3A_3 = arith.constant 0 : index
    %get3A_4 = arith.constant 0 : index
    %get3A_5 = vector.load %arg2[%get3A_2, %get3A_3, %get3A_4] : memref<2x1000x128xf32, #tpu.memory_space<vmem>>, vector<1x1000x128xf32>
    %get3A_6 = vector.shape_cast %get3A_5 : vector<1x1000x128xf32> to vector<1000x128xf32>
    %get3A_7 = arith.constant 1 : index
    %get3A_8 = arith.constant 0 : index
    %get3A_9 = arith.constant 0 : index
    %get3A_10 = vector.load %arg2[%get3A_7, %get3A_8, %get3A_9] : memref<2x1000x128xf32, #tpu.memory_space<vmem>>, vector<1x1000x128xf32>
    %get3A_11 = vector.shape_cast %get3A_10 : vector<1x1000x128xf32> to vector<1000x128xf32>
    %add3A = arith.addf %get3A_6, %get3A_11 : vector<1000x128xf32>
    %get3A_12 = arith.constant 0 : index
    %get3A_13 = arith.constant 0 : index
    %get3A_14 = arith.constant 0 : index
    %get3A_15 = vector.load %arg3[%get3A_12, %get3A_13, %get3A_14] : memref<1x2x1000xf32, #tpu.memory_space<vmem>>, vector<1x2x1000xf32>
    %get3A_16 = vector.shape_cast %get3A_15 : vector<1x2x1000xf32> to vector<2x1000xf32>
    %slice3A = vector.extract_strided_slice %get3A_16 {offsets = [0, 0], sizes = [1, 1000], strides = [1, 1]} : vector<2x1000xf32> to vector<1x1000xf32>
    %slice3A_17 = vector.extract_strided_slice %get3A_16 {offsets = [1, 0], sizes = [1, 1000], strides = [1, 1]} : vector<2x1000xf32> to vector<1x1000xf32>
    %add3A_18 = arith.addf %slice3A, %slice3A_17 : vector<1x1000xf32>
    %transpose3A = tpu.transpose %add3A_18, [1, 0] : vector<1x1000xf32> -> vector<1000x1xf32>
    %max3A = arith.constant 1.000000e+00 : f32
    %max3A_19 = vector.broadcast %max3A : f32 to vector<1000x1xf32>
    %max3A_20 = arith.maximumf %transpose3A, %max3A_19 : vector<1000x1xf32>
    %div3A = vector.broadcast %max3A_20 : vector<1000x1xf32> to vector<1000x128xf32>
    %div3A_21 = arith.divf %add3A, %div3A : vector<1000x128xf32>
    %get3A_22 = arith.constant 0 : index
    %get3A_23 = arith.constant 0 : index
    %get3A_24 = vector.load %arg4[%get3A_22, %get3A_23] : memref<128x128xf32, #tpu.memory_space<vmem>>, vector<128x128xf32>
    %dot_general3A = arith.constant dense<0.000000e+00> : vector<1000x128xf32>
    %dot_general3A_25 = tpu.matmul %get3A_1, %get3A_24, %dot_general3A {dimension_numbers = #tpu.dot_dimension_numbers<[1], [0], [0], [1], [0, 0, 1, 1], [], []>, transpose_lhs_hint = false} : vector<1000x128xf32>, vector<128x128xf32>, vector<1000x128xf32> -> vector<1000x128xf32>
    %get3A_26 = arith.constant 0 : index
    %get3A_27 = arith.constant 0 : index
    %get3A_28 = vector.load %arg5[%get3A_26, %get3A_27] : memref<128x128xf32, #tpu.memory_space<vmem>>, vector<128x128xf32>
    %dot_general3A_29 = arith.constant dense<0.000000e+00> : vector<1000x128xf32>
    %dot_general3A_30 = tpu.matmul %div3A_21, %get3A_28, %dot_general3A_29 {dimension_numbers = #tpu.dot_dimension_numbers<[1], [0], [0], [1], [0, 0, 1, 1], [], []>, transpose_lhs_hint = false} : vector<1000x128xf32>, vector<128x128xf32>, vector<1000x128xf32> -> vector<1000x128xf32>
    %add3A_31 = arith.addf %dot_general3A_25, %dot_general3A_30 : vector<1000x128xf32>
    %get3A_32 = arith.constant 0 : index
    %get3A_33 = arith.constant 0 : index
    %get3A_34 = vector.load %arg6[%get3A_32, %get3A_33] : memref<1x128xf32, #tpu.memory_space<vmem>>, vector<1x128xf32>
    %add3A_35 = vector.broadcast %get3A_34 : vector<1x128xf32> to vector<1000x128xf32>
    %add3A_36 = arith.addf %add3A_31, %add3A_35 : vector<1000x128xf32>
    %gt3A = arith.constant 0.000000e+00 : f32
    %gt3A_37 = vector.broadcast %gt3A : f32 to vector<1000x128xf32>
    %gt3A_38 = arith.cmpf ogt, %add3A_36, %gt3A_37 : vector<1000x128xf32>
    %min3A = arith.constant 0.000000e+00 : f32
    %min3A_39 = vector.broadcast %min3A : f32 to vector<1000x128xf32>
    %min3A_40 = arith.minimumf %add3A_36, %min3A_39 : vector<1000x128xf32>
    %exp3A = math.exp %min3A_40 : vector<1000x128xf32>
    %sub3A = arith.constant 1.000000e+00 : f32
    %sub3A_41 = vector.broadcast %sub3A : f32 to vector<1000x128xf32>
    %sub3A_42 = arith.subf %exp3A, %sub3A_41 : vector<1000x128xf32>
    %select_n3A = arith.select %gt3A_38, %add3A_36, %sub3A_42 : vector<1000x128xi1>, vector<1000x128xf32>
    %add3A_43 = arith.addf %select_n3A, %get3A_1 : vector<1000x128xf32>
    %get3A_44 = arith.constant 0 : index
    %get3A_45 = arith.constant 0 : index
    %get3A_46 = vector.load %arg9[%get3A_44, %get3A_45] : memref<1x128xf32, #tpu.memory_space<vmem>>, vector<1x128xf32>
    %get3A_47 = arith.constant 0 : index
    %get3A_48 = arith.constant 0 : index
    %get3A_49 = vector.load %arg10[%get3A_47, %get3A_48] : memref<1x128xf32, #tpu.memory_space<vmem>>, vector<1x128xf32>
    %reduce_sum3A = arith.constant dense<0.000000e+00> : vector<1000xf32>
    %reduce_sum3A_50 = vector.multi_reduction <add>, %add3A_43, %reduce_sum3A [1] : vector<1000x128xf32> to vector<1000xf32>
    %broadcast_in_dim3A = vector.shape_cast %reduce_sum3A_50 : vector<1000xf32> to vector<1000x1xf32>
    %div3A_51 = arith.constant 1.280000e+02 : f32
    %div3A_52 = vector.broadcast %div3A_51 : f32 to vector<1000x1xf32>
    %div3A_53 = arith.divf %broadcast_in_dim3A, %div3A_52 : vector<1000x1xf32>
    %sub3A_54 = vector.broadcast %div3A_53 : vector<1000x1xf32> to vector<1000x128xf32>
    %sub3A_55 = arith.subf %add3A_43, %sub3A_54 : vector<1000x128xf32>
    %integer_pow3A = arith.mulf %sub3A_55, %sub3A_55 : vector<1000x128xf32>
    %reduce_sum3A_56 = arith.constant dense<0.000000e+00> : vector<1000xf32>
    %reduce_sum3A_57 = vector.multi_reduction <add>, %integer_pow3A, %reduce_sum3A_56 [1] : vector<1000x128xf32> to vector<1000xf32>
    %broadcast_in_dim3A_58 = vector.shape_cast %reduce_sum3A_57 : vector<1000xf32> to vector<1000x1xf32>
    %div3A_59 = arith.constant 1.280000e+02 : f32
    %div3A_60 = vector.broadcast %div3A_59 : f32 to vector<1000x1xf32>
    %div3A_61 = arith.divf %broadcast_in_dim3A_58, %div3A_60 : vector<1000x1xf32>
    %sub3A_62 = vector.broadcast %div3A_53 : vector<1000x1xf32> to vector<1000x128xf32>
    %sub3A_63 = arith.subf %add3A_43, %sub3A_62 : vector<1000x128xf32>
    %add3A_64 = arith.constant 9.99999974E-6 : f32
    %add3A_65 = vector.broadcast %add3A_64 : f32 to vector<1000x1xf32>
    %add3A_66 = arith.addf %div3A_61, %add3A_65 : vector<1000x1xf32>
    %sqrt3A = math.sqrt %add3A_66 : vector<1000x1xf32>
    %div3A_67 = vector.broadcast %sqrt3A : vector<1000x1xf32> to vector<1000x128xf32>
    %div3A_68 = arith.divf %sub3A_63, %div3A_67 : vector<1000x128xf32>
    %mul3A = vector.broadcast %get3A_46 : vector<1x128xf32> to vector<1000x128xf32>
    %mul3A_69 = arith.mulf %div3A_68, %mul3A : vector<1000x128xf32>
    %add3A_70 = vector.broadcast %get3A_49 : vector<1x128xf32> to vector<1000x128xf32>
    %add3A_71 = arith.addf %mul3A_69, %add3A_70 : vector<1000x128xf32>
    %get3A_72 = arith.constant 0 : index
    %get3A_73 = arith.constant 0 : index
    %get3A_74 = vector.load %arg7[%get3A_72, %get3A_73] : memref<128x128xf32, #tpu.memory_space<vmem>>, vector<128x128xf32>
    %dot_general3A_75 = arith.constant dense<0.000000e+00> : vector<1000x128xf32>
    %dot_general3A_76 = tpu.matmul %add3A_71, %get3A_74, %dot_general3A_75 {dimension_numbers = #tpu.dot_dimension_numbers<[1], [0], [0], [1], [0, 0, 1, 1], [], []>, transpose_lhs_hint = false} : vector<1000x128xf32>, vector<128x128xf32>, vector<1000x128xf32> -> vector<1000x128xf32>
    %get3A_77 = arith.constant 0 : index
    %get3A_78 = arith.constant 0 : index
    %get3A_79 = vector.load %arg8[%get3A_77, %get3A_78] : memref<1x128xf32, #tpu.memory_space<vmem>>, vector<1x128xf32>
    %add3A_80 = vector.broadcast %get3A_79 : vector<1x128xf32> to vector<1000x128xf32>
    %add3A_81 = arith.addf %dot_general3A_76, %add3A_80 : vector<1000x128xf32>
    %gt3A_82 = arith.constant 0.000000e+00 : f32
    %gt3A_83 = vector.broadcast %gt3A_82 : f32 to vector<1000x128xf32>
    %gt3A_84 = arith.cmpf ogt, %add3A_81, %gt3A_83 : vector<1000x128xf32>
    %min3A_85 = arith.constant 0.000000e+00 : f32
    %min3A_86 = vector.broadcast %min3A_85 : f32 to vector<1000x128xf32>
    %min3A_87 = arith.minimumf %add3A_81, %min3A_86 : vector<1000x128xf32>
    %exp3A_88 = math.exp %min3A_87 : vector<1000x128xf32>
    %sub3A_89 = arith.constant 1.000000e+00 : f32
    %sub3A_90 = vector.broadcast %sub3A_89 : f32 to vector<1000x128xf32>
    %sub3A_91 = arith.subf %exp3A_88, %sub3A_90 : vector<1000x128xf32>
    %select_n3A_92 = arith.select %gt3A_84, %add3A_81, %sub3A_91 : vector<1000x128xi1>, vector<1000x128xf32>
    %add3A_93 = arith.addf %select_n3A_92, %add3A_71 : vector<1000x128xf32>
    %swap3A = arith.constant 0 : index
    %swap3A_94 = arith.constant 0 : index
    %swap3A_95 = vector.load %arg11[%swap3A, %swap3A_94] : memref<1000x128xf32, #tpu.memory_space<vmem>>, vector<1000x128xf32>
    tpu.vector_store %arg11[%swap3A, %swap3A_94], %add3A_93 {strides = array<i32>} : memref<1000x128xf32, #tpu.memory_space<vmem>>, vector<1000x128xf32>,
    return
  }
  func.func @transform_0(%arg0: i32) -> (i32, i32) {
    %c0_i32 = arith.constant 0 : i32
    %c0_i32_0 = arith.constant 0 : i32
    return %arg0, %c0_i32 : i32, i32
  }
  func.func @transform_1(%arg0: i32) -> (i32, i32, i32) {
    %c0_i32 = arith.constant 0 : i32
    %c0_i32_0 = arith.constant 0 : i32
    %c0_i32_1 = arith.constant 0 : i32
    return %c0_i32, %arg0, %c0_i32_0 : i32, i32, i32
  }
  func.func @transform_2(%arg0: i32) -> (i32, i32, i32) {
    %c0_i32 = arith.constant 0 : i32
    %c0_i32_0 = arith.constant 0 : i32
    %c0_i32_1 = arith.constant 0 : i32
    return %arg0, %c0_i32, %c0_i32_0 : i32, i32, i32
  }
  func.func @transform_3(%arg0: i32) -> (i32, i32) {
    %c0_i32 = arith.constant 0 : i32
    %c0_i32_0 = arith.constant 0 : i32
    %c0_i32_1 = arith.constant 0 : i32
    return %c0_i32, %c0_i32_0 : i32, i32
  }
  func.func @transform_4(%arg0: i32) -> (i32, i32) {
    %c0_i32 = arith.constant 0 : i32
    %c0_i32_0 = arith.constant 0 : i32
    %c0_i32_1 = arith.constant 0 : i32
    return %c0_i32, %c0_i32_0 : i32, i32
  }
  func.func @transform_5(%arg0: i32) -> (i32, i32) {
    %c0_i32 = arith.constant 0 : i32
    %c0_i32_0 = arith.constant 0 : i32
    %c0_i32_1 = arith.constant 0 : i32
    return %c0_i32, %c0_i32_0 : i32, i32
  }
  func.func @transform_6(%arg0: i32) -> (i32, i32) {
    %c0_i32 = arith.constant 0 : i32
    %c0_i32_0 = arith.constant 0 : i32
    %c0_i32_1 = arith.constant 0 : i32
    return %c0_i32, %c0_i32_0 : i32, i32
  }
  func.func @transform_7(%arg0: i32) -> (i32, i32) {
    %c0_i32 = arith.constant 0 : i32
    %c0_i32_0 = arith.constant 0 : i32
    %c0_i32_1 = arith.constant 0 : i32
    return %c0_i32, %c0_i32_0 : i32, i32
  }
  func.func @transform_8(%arg0: i32) -> (i32, i32) {
    %c0_i32 = arith.constant 0 : i32
    %c0_i32_0 = arith.constant 0 : i32
    %c0_i32_1 = arith.constant 0 : i32
    return %c0_i32, %c0_i32_0 : i32, i32
  }
  func.func @transform_9(%arg0: i32) -> (i32, i32) {
    %c0_i32 = arith.constant 0 : i32
    %c0_i32_0 = arith.constant 0 : i32
    %c0_i32_1 = arith.constant 0 : i32
    return %c0_i32, %c0_i32_0 : i32, i32
  }
  func.func @transform_10(%arg0: i32) -> (i32, i32) {
    %c0_i32 = arith.constant 0 : i32
    %c0_i32_0 = arith.constant 0 : i32
    return %arg0, %c0_i32 : i32, i32
  }
}

</mosaic_0001>

<sc_bundles>
// kernel: kernel.5.cloned.1.call-start
scs
__scs_entry_jumppad:
0x0: {  	(pc) =	sbr.rel $0x88, $3  }
0x1: {  	(tag) =	ssettag $0x0;
	lr =	simm.s32 $0x1  }
0x2: {  	[smem:$0x3F96] =	sst lr;
	_ =	strace $0xD0000000  }
0x3: {  	_ = 	snop  }
0x4: {  	_ = 	snop  }
0x5: {  	_ = 	snop  }
0x6: {  	_ = 	snop  }
0x7: {  	_ = 	snop  }
__scs_overlays_trampoline_lowered:
0x8: {  	[smem:$0x3FA5] =	sst s0  }
0x9: {  	[smem:$0x3FA6] =	sst s1  }
0xa: {  	[smem:$0x3FA7] =	sst s2  }
0xb: {  	[smem:$0x3FA8] =	sst s3  }
0xc: {  	[smem:$0x3FA9] =	sst s4  }
0xd: {  	[smem:$0x3FAA] =	sst s5  }
0xe: {  	[smem:$0x3FAB] =	sst s6  }
0xf: {  	[smem:$0x3FAC] =	sst s7  }
0x10: {  	[smem:$0x3FAD] =	sst s8  }
0x11: {  	[smem:$0x3FAE] =	sst s9;
	s0 =	simm.s32 @!p0 $0x0  }
0x12: {  	s1 =	sld [smem:$0x3F94];
	s0 =	simm.s32 @p0 $0x1  }
0x13: {  	[smem:$0x3FAF] =	sst s0;
	s0 =	simm.s32 @!p1 $0x0  }
0x14: {  	s2 =	sld [smem:$0x3F93];
	s0 =	simm.s32 @p1 $0x1  }
0x15: {  	[smem:$0x3FB0] =	sst s0;
	s0 =	simm.s32 @!p2 $0x0  }
0x16: {  	s3 =	sld [smem:$0x3FDB];
	s0 =	simm.s32 @p2 $0x1  }
0x17: {  	s4 =	simm.s32 $0x1BF5;
	[smem:$0x3FB2] =	sst s0  }
0x18: {  	s0 =	sld [smem:$0x3F95];
	_ =	swait.ge [sflag:s4], $0x0  }
0x19: {  	s7 =	sld [smem:$0x3F96]  }
0x1a: {  	s8 =	sadd.s32 $0xFFFFE003, lr  }
0x1b: {  	s9 =	sadd.s32 $0xFFFFFEF7, lr;
	s5 =	simm.s32 $0xFFFFFFFF;
	p2 =	slt.u32 s8, $0xFFFFF086  }
0x1c: {  	p1 =	slt.u32 s9, $0xF7A;
	s5 =	simm.s32 @!p2 $0x0  }
0x1d: {  	s5 =	simm.s32 @p1 $0x1;
	p0 =	seq.s32 s7, s2  }
0x1e: {  	s7 =	smul.u32 @!p0 $0xF7A, s2;
	p2 =	seq.s32 @!p0 s5, $0x0  }
0x1f: {  	s9 =	smul.u32 $0xF7A, s1;
	s8 =	simm.s32 @!p0 $0x1BF5;
	p2 =	por !p2, p0  }
0x20: {  	[sflag:s8] =	ssyncset.s32 @!p0 $0xFFFFF086;
	s6 =	sadd.s32 @!p0 s3, s7;
	s7 =	simm.s32 @!p0 $0x108  }
0x21: {  	s3 =	sadd.s32 s3, s9;
	s6 =	sadd.s32 @!p0 $0x88, s6;
	s7 =	simm.s32 @p2 $0x1082  }
0x22: {  	[simem:s7], [sflag:s8] =	dma.local @!p0 [hbm:s6], $0xF7A  }
0x23: {  	s9 =	sor.u32 $0xD0000000, s2;
	s6 =	simm.s32 $0x108;
	_ =	swait.ge @!p0 [sflag:s8], $0x0  }
0x24: {  	s3 =	sadd.s32 $0x88, s3;
	s6 =	simm.s32 @!p1 $0x1082;
	[sflag:s4] =	ssyncset.s32 $0xFFFFF086  }
0x25: {  	[simem:s6], [sflag:s4] =	dma.local [hbm:s3], $0xF7A  }
0x26: {  	[smem:$0x3F96] =	sst s1;
	(tag) =	ssettag s2;
	_ =	strace s9  }
0x27: {  	s1 =	sld [smem:$0x3FA6]  }
0x28: {  	s2 =	sld [smem:$0x3FA7]  }
0x29: {  	s4 =	sld [smem:$0x3FA9]  }
0x2a: {  	p0 =	seq.s32 s5, $0x0;
	s5 =	sld [smem:$0x3FAA]  }
0x2b: {  	s6 =	sld [smem:$0x3FAB]  }
0x2c: {  	s7 =	sld [smem:$0x3FAC]  }
0x2d: {  	s3 =	simm.s32 $0x108;
	s8 =	sld [smem:$0x3FAD]  }
0x2e: {  	s3 =	simm.s32 @!p0 $0x1082;
	s9 =	sld [smem:$0x3FAE]  }
0x2f: {  	lr =	sadd.s32 s0, s3;
	s0 =	sld [smem:$0x3FA5]  }
0x30: {  	s3 =	sld [smem:$0x3FA8]  }
0x31: {  	[smem:$0x3FB1] =	sst s10  }
0x32: {  	s10 =	sld [smem:$0x3FAF];
	_ =	sdelay $0x3  }
0x33: {  	p0 =	seq.s32 s10, $0x1;
	s10 =	sld [smem:$0x3FB1];
	_ =	sdelay $0x3  }
0x34: {  	[smem:$0x3FB1] =	sst s10  }
0x35: {  	s10 =	sld [smem:$0x3FB0];
	_ =	sdelay $0x3  }
0x36: {  	p1 =	seq.s32 s10, $0x1;
	s10 =	sld [smem:$0x3FB1];
	_ =	sdelay $0x3  }
0x37: {  	[smem:$0x3FB1] =	sst s10  }
0x38: {  	s10 =	sld [smem:$0x3FB2]  }
0x39: {  	_ = 	snop;
	(pc) =	sbr.ind lr, $3  }
0x3a: {  	_ = 	snop  }
0x3b: {  	_ = 	snop  }
0x3c: {  	p2 =	seq.s32 s10, $0x1;
	s10 =	sld [smem:$0x3FB1]  }
0x3d: {  	_ =	shalt  }
0x3e: {  	_ =	shalt  }
0x3f: {  	_ =	shalt  }
0x40: {  	_ =	shalt  }
0x41: {  	_ =	shalt  }
0x42: {  	_ =	shalt  }
0x43: {  	_ =	shalt  }
0x44: {  	_ =	shalt  }
0x45: {  	_ =	shalt  }
0x46: {  	_ =	shalt  }
0x47: {  	_ =	shalt  }
0x48: {  	_ =	shalt  }
0x49: {  	_ =	shalt  }
0x4a: {  	_ =	shalt  }
0x4b: {  	_ =	shalt  }
0x4c: {  	_ =	shalt  }
0x4d: {  	_ =	shalt  }
0x4e: {  	_ =	shalt  }
0x4f: {  	_ =	shalt  }
0x50: {  	_ =	shalt  }
0x51: {  	_ =	shalt  }
0x52: {  	_ =	shalt  }
0x53: {  	_ =	shalt  }
0x54: {  	_ =	shalt  }
0x55: {  	_ =	shalt  }
0x56: {  	_ =	shalt  }
0x57: {  	_ =	shalt  }
0x58: {  	_ =	shalt  }
0x59: {  	_ =	shalt  }
0x5a: {  	_ =	shalt  }
0x5b: {  	_ =	shalt  }
0x5c: {  	_ =	shalt  }
0x5d: {  	_ =	shalt  }
0x5e: {  	_ =	shalt  }
0x5f: {  	_ =	shalt  }
0x60: {  	_ =	shalt  }
0x61: {  	_ =	shalt  }
0x62: {  	_ =	shalt  }
0x63: {  	_ =	shalt  }
0x64: {  	_ =	shalt  }
0x65: {  	_ =	shalt  }
0x66: {  	_ =	shalt  }
0x67: {  	_ =	shalt  }
0x68: {  	_ =	shalt  }
0x69: {  	_ =	shalt  }
0x6a: {  	_ =	shalt  }
0x6b: {  	_ =	shalt  }
0x6c: {  	_ =	shalt  }
0x6d: {  	_ =	shalt  }
0x6e: {  	_ =	shalt  }
0x6f: {  	_ =	shalt  }
0x70: {  	_ =	shalt  }
0x71: {  	_ =	shalt  }
0x72: {  	_ =	shalt  }
0x73: {  	_ =	shalt  }
0x74: {  	_ =	shalt  }
0x75: {  	_ =	shalt  }
0x76: {  	_ =	shalt  }
0x77: {  	_ =	shalt  }
0x78: {  	_ =	shalt  }
0x79: {  	_ =	shalt  }
0x7a: {  	_ =	shalt  }
0x7b: {  	_ =	shalt  }
0x7c: {  	_ =	shalt  }
0x7d: {  	_ =	shalt  }
0x7e: {  	_ =	shalt  }
0x7f: {  	_ =	shalt  }
0x80: {  	_ =	shalt  }
0x81: {  	_ =	shalt  }
0x82: {  	_ =	shalt  }
0x83: {  	_ =	shalt  }
0x84: {  	_ =	shalt  }
0x85: {  	_ =	shalt  }
0x86: {  	_ =	shalt  }
0x87: {  	_ =	shalt  }
.Lfunc_end0:
.L_simem_size_0:
called_computation_lowered:
.L_overlay_start_0:
0x88: {  	s2 =	sld [smem:$0x3FD9]  }
0x89: {  	s3 =	sld [smem:$0x3FFE];
	_ =	sdelay $0x1  }
0x8a: {  	s1 =	srdreg.scid  }
0x8b: {  	s0 =	sand.u32 $0x1, s1  }
0x8c: {  	s17 =	sshll.u32 s0, $0xA;
	s2 =	sadd.s32 s3, s2  }
0x8d: {  	s2 =	sadd.s32 s2, s17  }
0x8e: {  	[smem:$0x3FBD] =	sst s2  }
0x8f: {  	_ = 	snop  }
0x90: {  	s2 =	sld [smem:$0x3FD0];
	(tm) =	ssettm $0x1  }
0x91: {  	s18 =	sld [smem:$0x3FFB];
	_ =	sdelay $0x3  }
0x92: {  	_ =	strace s18  }
0x93: {  	s3 =	sld [smem:$0x3FFC];
	_ =	sdelay $0x3  }
0x94: {  	_ =	strace s3  }
0x95: {  	s3 =	sld [smem:$0x3FFD];
	_ =	sdelay $0x3  }
0x96: {  	_ =	strace s3  }
0x97: {  	_ =	strace $0x8FFFFFFF  }
0x98: {  	s19 =	sld [smem:$0x3FDB];
	_ =	sdelay $0x1  }
0x99: {  	s4 =	simm.s32 $_scs_section_size  }
0x9a: {  	s5 =	simm.s32 $_size__tile_overlayer_lowered;
	s6 =	simm.s32 $_tile_overlayer_lowered  }
0x9b: {  	s22 =	simm.s32 $0x1BFF;
	s21 =	sshll.u32 s6, $0x1;
	s3 =	sadd.s32 s4, s19  }
0x9c: {  	s7 =	simm.s32 $0x0;
	s20 =	sshll.u32 s5, $0x1;
	s5 =	sadd.s32 s21, s3  }
0x9d: {  	[timem:s7], [sflag:s22] =	dma.local [hbm:s5], s20  }
0x9e: {  	_ =	swait.ge [sflag:s22], s20  }
0x9f: {  	s4 =	ssub.s32 $0x0, s20;
	[sflag:s22] =	ssyncset.done $0x0  }
0xa0: {  	[sflag:s22] =	ssyncadd.s32 s4;
	_ =	sdelay $0x1  }
0xa1: {  	s23 =	simm.s32 $0x1B8B  }
0xa2: {  	_ =	swait.ge [sflag:s23], $0x1  }
0xa3: {  	[sflag:s23] =	ssyncset.done $0x0  }
0xa4: {  	s25 =	simm.s32 $0x1B8E;
	s24 =	sld [smem:$0x3FFE];
	[sflag:s23] =	ssyncadd.s32 $0xFFFFFFFF  }
0xa5: {  	s26 =	simm.s32 $execute0_lowered;
	[smem:$0x3FD2] =	sst s25  }
0xa6: {  	s5 =	sshll.u32 s26, $0x1;
	_ =	strace $0x80000046;
	[dreg:$0x1] =	wrdreg $0xFFFFFFFF  }
0xa7: {  	s28 =	simm.s32 $_size_execute0_lowered;
	s3 =	sadd.s32 s3, s5;
	[dreg:$0x0] =	wrdreg $0x0  }
0xa8: {  	s5 =	sshll.u32 s28, $0x1;
	[dreg:$0x2] =	wrdreg s3  }
0xa9: {  	[dreg:$0x3] =	wrdreg s5  }
0xaa: {  	[dreg:$0x4] =	wrdreg $0xC0  }
0xab: {  	_ =	task [dreg:s7], $0x5FFFF  }
0xac: {  	[dreg:$0x1] =	wrdreg $0xFFFFFFFF  }
0xad: {  	[dreg:$0x0] =	wrdreg $0x60  }
0xae: {  	[dreg:$0x2] =	wrdreg s24  }
0xaf: {  	[dreg:$0x3] =	wrdreg s2  }
0xb0: {  	[dreg:$0x4] =	wrdreg $0x9E500  }
0xb1: {  	[dreg:$0x5] =	wrdreg $0x1DE500  }
0xb2: {  	[dreg:$0x6] =	wrdreg $0x9  }
0xb3: {  	_ =	task.clear_ibuf [dreg:s7], $0x7FFFF;
	_ =	strace $0x90000046  }
0xb4: {  	s29 =	simm.s32 $0x9;
	_ =	strace $0x80000048  }
0xb5: {  	_ =	swait.ge [sflag:s29], $0x1  }
0xb6: {  	[sflag:s29] =	ssyncadd.s32 $0xFFFFFFFF  }
0xb7: {  	_ =	strace $0x90000048  }
0xb8: {  	_ =	sfence  }
0xb9: {  	s30 =	sld [smem:$0x0];
	_ =	sdelay $0x2  }
0xba: {  	s31 =	sshll.u32 s1, $0xD;
	s1 =	sshrl.u32 s1, $0x2  }
0xbb: {  	s3 =	sand.u32 $0x4000, s31;
	s1 =	sadd.s32 s1, s30  }
0xbc: {  	s0 =	sor.u32 s3, s0;
	s1 =	sshll.u32 s1, $0x11  }
0xbd: {  	s0 =	sor.u32 s1, s0  }
0xbe: {  	s0 =	sadd.s32 $0x8F2B, s0  }
0xbf: {  	[sflag:s0] =	ssyncadd.remote.s32 $0x1  }
0xc0: {  	_ =	sfence.sel $0xFFFF  }
0xc1: {  	[dreg:$0x0] =	wrdreg $0xFFFFFFFF;
	(pc) =	sbr.abs _section_cstart, $3  }
0xc2: {  	[dreg:$0x1] =	wrdreg $0xFFFFFFFF  }
0xc3: {  	_ =	task.clear_ibuf [dreg:s7], $0x2FFFF;
	_ =	strace $0x9FFFFFFF  }
0xc4: {  	(tm) =	ssettm $0x7FFFFFFF  }
0xc5: {  	_ =	shalt  }
tec
execute0_lowered:
.L_overlay_start_1:
0x0: {  	(tag) =	ssettag $0x1  }
0x1: {  	s0 =	rddreg [dreg:$0x0]  }
0x2: {  	s1 =	rddreg [dreg:$0x1]  }
0x3: {  	s2 =	rddreg [dreg:$0x2];
	s14 =	stileid.u32  }
0x4: {  	s4 =	srdreg.scid;
	s11 =	smul.u32 $0x50000, s14  }
0x5: {  	s3 =	rddreg [dreg:$0x3];
	s5 =	simm.s32 $0x0;
	s4 =	sand.u32 $0x1, s4  }
0x6: {  	s8 =	smul.u32 $0x14000, s14;
	[smem:$0x7FF] =	sst s5;
	s11 =	sshrl.u32 s11, $0x2  }
0x7: {  	s6 =	sadd.s32 $0xBE00, s0;
	s13 =	sshll.u32 s14, $0x1;
	s11 =	sadd.s32 s11, s2  }
0x8: {  	s9 =	smul.u32 $0x140000, s4;
	_ =	strace $0x80000047;
	s24 =	sadd.s32 $0x1400, s11  }
0x9: {  	s10 =	smul.u32 $0x3E8, s4;
	s25 =	sadd.s32 $0x2800, s11;
	[dreg:$0x5] =	wrdreg s24  }
0xa: {  	s23 =	ssub.s32 $0x2, s4;
	s26 =	sadd.s32 $0x3C00, s11;
	[dreg:$0x6] =	wrdreg s25  }
0xb: {  	s4 =	sor.u32 s4, s13;
	s13 =	sadd.s32 $0x5000, s11;
	[dreg:$0x7] =	wrdreg s26  }
0xc: {  	s7 =	sadd.s32 $0x2000, s0;
	s15 =	sadd.s32 $0x6400, s11;
	[dreg:$0x8] =	wrdreg s13  }
0xd: {  	s12 =	sshrl.u32 s23, $0x1;
	s16 =	sadd.s32 $0x7800, s11;
	[dreg:$0x9] =	wrdreg s15  }
0xe: {  	s9 =	sadd.s32 s8, s9;
	s17 =	sadd.s32 $0x8C00, s11;
	[dreg:$0xa] =	wrdreg s16  }
0xf: {  	s10 =	sshrl.u32 s10, $0x3;
	s19 =	sadd.s32 $0xA000, s11;
	[dreg:$0xb] =	wrdreg s17  }
0x10: {  	s9 =	sshrl.u32 s9, $0x3;
	s20 =	sadd.s32 $0xB400, s11;
	[dreg:$0xc] =	wrdreg s19  }
0x11: {  	s21 =	sadd.s32 $0xC800, s11;
	s22 =	sadd.s32 $0xDC00, s11;
	[dreg:$0xd] =	wrdreg s20  }
0x12: {  	s9 =	sadd.s32 s9, s0;
	s0 =	sadd.s32 s10, s0;
	[dreg:$0xe] =	wrdreg s21  }
0x13: {  	s10 =	ssub.s32 s23, s12;
	[dreg:$0xf] =	wrdreg s22;
	s23 =	sadd.s32 $0xF000, s11  }
0x14: {  	s18 =	smul.u32 $0xA00, s14;
	s24 =	sadd.s32 $0x10400, s11;
	[dreg:$0x10] =	wrdreg s23  }
0x15: {  	s25 =	sadd.s32 $0x11800, s11;
	[dreg:$0x11] =	wrdreg s24  }
0x16: {  	s12 =	sshrl.u32 s18, $0x2;
	s26 =	sadd.s32 $0x12C00, s11;
	[dreg:$0x12] =	wrdreg s25  }
0x17: {  	[dreg:$0x13] =	wrdreg s26;
	s11 =	sadd.s32 s12, s3  }
0x18: {  	s15 =	sadd.s32 $0x15C00, s0;
	[dreg:$0x14] =	wrdreg s11  }
0x19: {  	s28 =	simm.s32 $0x1;
	s16 =	sadd.s32 $0x15CFA, s0;
	[dreg:$0x17] =	wrdreg s15  }
0x1a: {  	s29 =	simm.s32 $0xD;
	s17 =	sadd.s32 $0x15DF4, s0;
	[dreg:$0x18] =	wrdreg s16  }
0x1b: {  	s30 =	simm.s32 $0x28;
	s18 =	sadd.s32 $0x15EEE, s0;
	[dreg:$0x19] =	wrdreg s17  }
0x1c: {  	s31 =	simm.s32 $0x9BA0;
	s19 =	sadd.s32 $0x15FE8, s0;
	[dreg:$0x1a] =	wrdreg s18  }
0x1d: {  	p0 =	sne.s32 s14, $0x0;
	s21 =	sadd.s32 $0x160E2, s0;
	[dreg:$0x1b] =	wrdreg s19  }
0x1e: {  	s14 =	simm.s32 $0xA;
	s22 =	sadd.s32 $0x161DC, s0;
	[dreg:$0x1c] =	wrdreg s21  }
0x1f: {  	s8 =	sadd.s32 s8, s2;
	s23 =	sadd.s32 $0x162D6, s0;
	[dreg:$0x1d] =	wrdreg s22  }
0x20: {  	s20 =	smul.u32 $0x2710, s4;
	s24 =	sadd.s32 $0x163D0, s0;
	[dreg:$0x1e] =	wrdreg s23  }
0x21: {  	s0 =	sadd.s32 $0x164CA, s0;
	s25 =	sadd.s32 $0x16600, s9;
	[dreg:$0x1f] =	wrdreg s24  }
0x22: {  	s26 =	smax.u32 s10, $0x1;
	s9 =	sadd.s32 $0xBB8, s3;
	[smem:$0x7F2] =	sst s0  }
0x23: {  	s10 =	simm.s32 $0xC;
	s12 =	sshrl.u32 s20, $0x3;
	[smem:$0x7F3] =	sst s25  }
0x24: {  	[smem:$0x7F4] =	sst s26;
	s0 =	sadd.s32 $0x3E8, s3;
	s4 =	sadd.s32 s7, s12  }
0x25: {  	s0 =	sshrl.u32 @!p0 s0, $0x3;
	[dreg:$0x16] =	wrdreg s4;
	s4 =	sadd.s32 $0x7D0, s3  }
0x26: {  	s26 =	simm.s32 $0xFA0;
	[smem:$0x7F5] =	sst s0;
	s0 =	sshrl.u32 @!p0 s4, $0x3  }
0x27: {  	s11 =	simm.s32 $0x5;
	[smem:$0x7F6] =	sst s0;
	s0 =	sshrl.u32 @!p0 s9, $0x3  }
0x28: {  	s13 =	sadd.s32 s6, s12;
	[smem:$0x7F7] =	sst s0;
	s0 =	sadd.s32 $0xFA0, s3  }
0x29: {  	[dreg:$0x15] =	wrdreg s13;
	s4 =	sadd.s32 $0x1388, s3;
	s0 =	sshrl.u32 @!p0 s0, $0x3  }
0x2a: {  	s9 =	sadd.s32 $0x1770, s3;
	[smem:$0x7F8] =	sst s0;
	s0 =	sshrl.u32 @!p0 s4, $0x3  }
0x2b: {  	s12 =	simm.s32 $0x9;
	[smem:$0x7F9] =	sst s0;
	s0 =	sshrl.u32 @!p0 s9, $0x3  }
.Ltmp0:
0x2c: {  	[smem:$0x7FA] =	sst s0;
	s0 =	sadd.s32 $0x1B58, s3;
	(pc) =	sbr.rel .LBB2_1-.Ltmp0, $4  }
0x2d: {  	s13 =	simm.s32 $0x6;
	s4 =	sadd.s32 $0x1F40, s3;
	s0 =	sshrl.u32 @!p0 s0, $0x3  }
0x2e: {  	s9 =	sadd.s32 $0x2328, s3;
	[smem:$0x7FB] =	sst s0;
	s0 =	sshrl.u32 @!p0 s4, $0x3  }
0x2f: {  	s4 =	simm.s32 $0xB;
	[smem:$0x7FC] =	sst s0;
	s0 =	sshrl.u32 @!p0 s9, $0x3  }
0x30: {  	v0 =	vimm.f32 $1.000000000e+00;
	v1 =	vimm.f32 $0.0e+00;
	s9 =	simm.s32 $0x8;
	[smem:$0x7FD] =	sst s0;
	s0 =	simm.s32 $0x7  }
.LBB2_7:
0x31: {  	_ =	swait.ge [sflag:s0], $0x1400  }
0x32: {  	[sflag:s0] =	ssyncset.done $0x0  }
0x33: {  	[sflag:s0] =	ssyncadd.s32 $0xFFFFEC00  }
0x34: {  	_ =	swait.ge [sflag:s4], $0x28  }
0x35: {  	[sflag:s4] =	ssyncset.done $0x0  }
0x36: {  	[sflag:s4] =	ssyncadd.s32 $0xFFFFFFD8  }
0x37: {  	_ =	swait.ge [sflag:s9], $0x1400  }
0x38: {  	[sflag:s9] =	ssyncset.done $0x0  }
0x39: {  	[sflag:s9] =	ssyncadd.s32 $0xFFFFEC00  }
0x3a: {  	_ =	swait.ge [sflag:s10], $0x28  }
0x3b: {  	[sflag:s10] =	ssyncset.done $0x0  }
0x3c: {  	[sflag:s10] =	ssyncadd.s32 $0xFFFFFFD8  }
0x3d: {  	_ =	swait.ge [sflag:s11], $0x1400  }
0x3e: {  	[sflag:s11] =	ssyncset.done $0x0  }
0x3f: {  	[sflag:s11] =	ssyncadd.s32 $0xFFFFEC00  }
0x40: {  	_ =	swait.ge [sflag:s12], $0x28  }
0x41: {  	[sflag:s12] =	ssyncset.done $0x0  }
0x42: {  	[sflag:s12] =	ssyncadd.s32 $0xFFFFFFD8  }
0x43: {  	_ =	swait.ge [sflag:s13], $0x1400  }
0x44: {  	[sflag:s13] =	ssyncset.done $0x0  }
0x45: {  	[sflag:s13] =	ssyncadd.s32 $0xFFFFEC00  }
0x46: {  	_ =	swait.ge [sflag:s14], $0x28  }
0x47: {  	[sflag:s14] =	ssyncset.done $0x0  }
0x48: {  	[sflag:s14] =	ssyncadd.s32 $0xFFFFFFD8  }
0x49: {  	[bflag:$0x0] =	sbarrier.arrive $0xFFFF  }
0x4a: {  	s15 =	sshrl.u32 @!p0 s3, $0x3;
	s16 =	simm.s32 @!p0 $0x1C0D;
	s17 =	rddreg [dreg:$0x17]  }
0x4b: {  	[hbm:s17], [sflag:s16] =	dma.local @!p0 [spmem:s15], $0x7D  }
0x4c: {  	s15 =	simm.s32 @!p0 $0xD  }
0x4d: {  	_ =	swait.ge @!p0 [sflag:s15], $0x7D  }
0x4e: {  	s18 =	sld [smem:$0x7F5]  }
0x4f: {  	[sflag:s15] =	ssyncset.done @!p0 $0x0  }
0x50: {  	s17 =	rddreg [dreg:$0x18];
	[sflag:s15] =	ssyncadd.s32 @!p0 $0xFFFFFF83  }
0x51: {  	[hbm:s17], [sflag:s16] =	dma.local @!p0 [spmem:s18], $0x7D  }
0x52: {  	_ =	swait.ge @!p0 [sflag:s15], $0x7D  }
0x53: {  	s18 =	sld [smem:$0x7F6]  }
0x54: {  	[sflag:s15] =	ssyncset.done @!p0 $0x0  }
0x55: {  	s17 =	rddreg [dreg:$0x19];
	[sflag:s15] =	ssyncadd.s32 @!p0 $0xFFFFFF83  }
0x56: {  	[hbm:s17], [sflag:s16] =	dma.local @!p0 [spmem:s18], $0x7D  }
0x57: {  	_ =	swait.ge @!p0 [sflag:s15], $0x7D  }
0x58: {  	s18 =	sld [smem:$0x7F7]  }
0x59: {  	[sflag:s15] =	ssyncset.done @!p0 $0x0  }
0x5a: {  	s17 =	rddreg [dreg:$0x1a];
	[sflag:s15] =	ssyncadd.s32 @!p0 $0xFFFFFF83  }
0x5b: {  	[hbm:s17], [sflag:s16] =	dma.local @!p0 [spmem:s18], $0x7D  }
0x5c: {  	_ =	swait.ge @!p0 [sflag:s15], $0x7D  }
0x5d: {  	s18 =	sld [smem:$0x7F8]  }
0x5e: {  	[sflag:s15] =	ssyncset.done @!p0 $0x0  }
0x5f: {  	s17 =	rddreg [dreg:$0x1b];
	[sflag:s15] =	ssyncadd.s32 @!p0 $0xFFFFFF83  }
0x60: {  	[hbm:s17], [sflag:s16] =	dma.local @!p0 [spmem:s18], $0x7D  }
0x61: {  	_ =	swait.ge @!p0 [sflag:s15], $0x7D  }
0x62: {  	s18 =	sld [smem:$0x7F9]  }
0x63: {  	[sflag:s15] =	ssyncset.done @!p0 $0x0  }
0x64: {  	s17 =	rddreg [dreg:$0x1c];
	[sflag:s15] =	ssyncadd.s32 @!p0 $0xFFFFFF83  }
0x65: {  	[hbm:s17], [sflag:s16] =	dma.local @!p0 [spmem:s18], $0x7D  }
0x66: {  	_ =	swait.ge @!p0 [sflag:s15], $0x7D  }
0x67: {  	s18 =	sld [smem:$0x7FA]  }
0x68: {  	[sflag:s15] =	ssyncset.done @!p0 $0x0  }
0x69: {  	s17 =	rddreg [dreg:$0x1d];
	[sflag:s15] =	ssyncadd.s32 @!p0 $0xFFFFFF83  }
0x6a: {  	[hbm:s17], [sflag:s16] =	dma.local @!p0 [spmem:s18], $0x7D  }
0x6b: {  	_ =	swait.ge @!p0 [sflag:s15], $0x7D  }
0x6c: {  	s18 =	sld [smem:$0x7FB]  }
0x6d: {  	[sflag:s15] =	ssyncset.done @!p0 $0x0  }
0x6e: {  	s17 =	rddreg [dreg:$0x1e];
	[sflag:s15] =	ssyncadd.s32 @!p0 $0xFFFFFF83  }
0x6f: {  	[hbm:s17], [sflag:s16] =	dma.local @!p0 [spmem:s18], $0x7D  }
0x70: {  	_ =	swait.ge @!p0 [sflag:s15], $0x7D  }
0x71: {  	s18 =	sld [smem:$0x7FC]  }
0x72: {  	[sflag:s15] =	ssyncset.done @!p0 $0x0  }
0x73: {  	s17 =	rddreg [dreg:$0x1f];
	[sflag:s15] =	ssyncadd.s32 @!p0 $0xFFFFFF83  }
0x74: {  	[hbm:s17], [sflag:s16] =	dma.local @!p0 [spmem:s18], $0x7D  }
0x75: {  	_ =	swait.ge @!p0 [sflag:s15], $0x7D  }
0x76: {  	s17 =	sld [smem:$0x7F2]  }
0x77: {  	s18 =	sld [smem:$0x7FD]  }
0x78: {  	[sflag:s15] =	ssyncset.done @!p0 $0x0  }
0x79: {  	[sflag:s15] =	ssyncadd.s32 @!p0 $0xFFFFFF83  }
0x7a: {  	[hbm:s17], [sflag:s16] =	dma.local @!p0 [spmem:s18], $0x7D  }
0x7b: {  	_ =	swait.ge @!p0 [sflag:s15], $0x7D  }
0x7c: {  	s21 =	stileid.u32;
	s24 =	sld [smem:$0x7F3]  }
0x7d: {  	s16 =	sshll.u32 s21, $0x6;
	[sflag:s15] =	ssyncset.done @!p0 $0x0  }
0x7e: {  	s23 =	sshrl.u32 s8, $0x3;
	s22 =	sor.u32 $0x1C0D, s16;
	[sflag:s15] =	ssyncadd.s32 @!p0 $0xFFFFFF83  }
0x7f: {  	[hbm:s24], [sflag:s22] =	dma.local [spmem:s23], $0x2800  }
0x80: {  	_ =	swait.ge [sflag:s29], $0x2800  }
0x81: {  	s25 =	sld [smem:$0x7F4];
	_ =	sdelay $0x1  }
0x82: {  	s5 =	sadd.s32 $0x1, s5  }
0x83: {  	p1 =	sne.s32 s5, s25  }
.Ltmp1:
0x84: {  	_ = 	snop;
	(pc) =	sbr.rel @!p1 .LBB2_8-.Ltmp1, $3  }
0x85: {  	_ =	sdelay $0x1  }
0x86: {  	[sflag:s29] =	ssyncset.done $0x0  }
0x87: {  	[sflag:s29] =	ssyncadd.s32 $0xFFFFD800  }
.LBB2_1:
0x88: {  	[tilespmem:$0x9BA0] =	vst v0  }
0x89: {  	[tilespmem:$0x9BB0] =	vst v0  }
0x8a: {  	[tilespmem:$0x9BC0] =	vst v0  }
0x8b: {  	[tilespmem:$0x9BD0] =	vst v1  }
0x8c: {  	[tilespmem:$0x9BE0] =	vst v1  }
0x8d: {  	[tilespmem:$0x9BF0] =	vst v1  }
0x8e: {  	[tilespmem:$0x9C00] =	vst v1  }
0x8f: {  	[tilespmem:$0x9C10] =	vst v1  }
0x90: {  	[tilespmem:$0x9C20] =	vst v1  }
0x91: {  	[tilespmem:$0x9C30] =	vst v1  }
0x92: {  	[tilespmem:$0x9C40] =	vst v1  }
0x93: {  	[tilespmem:$0x9C50] =	vst v1  }
0x94: {  	[tilespmem:$0x9C60] =	vst v1  }
0x95: {  	[tilespmem:$0x9C70] =	vst v1  }
0x96: {  	[tilespmem:$0x9C80] =	vst v1  }
0x97: {  	[tilespmem:$0x9C90] =	vst v1  }
0x98: {  	[tilespmem:$0x9CA0] =	vst v1  }
0x99: {  	[tilespmem:$0x9CB0] =	vst v1  }
0x9a: {  	[tilespmem:$0x9CC0] =	vst v1  }
0x9b: {  	[tilespmem:$0x9CD0] =	vst v1  }
0x9c: {  	[tilespmem:$0x9CE0] =	vst v1  }
0x9d: {  	[tilespmem:$0x9CF0] =	vst v1  }
0x9e: {  	[tilespmem:$0x9D00] =	vst v1  }
0x9f: {  	[tilespmem:$0x9D10] =	vst v1  }
0xa0: {  	[tilespmem:$0x9D20] =	vst v1  }
0xa1: {  	[tilespmem:$0x9D30] =	vst v1  }
0xa2: {  	[tilespmem:$0x9D40] =	vst v1  }
0xa3: {  	[tilespmem:$0x9D50] =	vst v1  }
0xa4: {  	[tilespmem:$0x9D60] =	vst v1  }
0xa5: {  	[tilespmem:$0x9D70] =	vst v1  }
0xa6: {  	[tilespmem:$0x9D80] =	vst v1  }
0xa7: {  	[tilespmem:$0x9D90] =	vst v1  }
0xa8: {  	[tilespmem:$0x9DA0] =	vst v1  }
0xa9: {  	[tilespmem:$0x9DB0] =	vst v1  }
0xaa: {  	[tilespmem:$0x9DC0] =	vst v1  }
0xab: {  	[tilespmem:$0x9DD0] =	vst v1  }
0xac: {  	[tilespmem:$0x9DE0] =	vst v1  }
0xad: {  	[tilespmem:$0x9DF0] =	vst v1  }
0xae: {  	[tilespmem:$0x9E00] =	vst v1  }
0xaf: {  	[tilespmem:$0x9E10] =	vst v1  }
0xb0: {  	[tilespmem:$0x9E20] =	vst v1  }
0xb1: {  	[tilespmem:$0x9E30] =	vst v1  }
0xb2: {  	[tilespmem:$0x9E40] =	vst v1;
	s15 =	simm.s32 $0x0;
	s16 =	simm.s32 $0x200  }
.LBB2_2:
0xb3: {  	p1 =	sne.s32 s16, $0x4E00;
	[tilespmem:s15+$0x1010] =	vst v1  }
0xb4: {  	[tilespmem:s15+$0xFA0] =	vst v1  }
0xb5: {  	[tilespmem:s15+$0xFB0] =	vst v1  }
.Ltmp2:
0xb6: {  	[tilespmem:s15+$0xFC0] =	vst v1;
	(pc) =	sbr.rel @p1 .LBB2_2-.Ltmp2, $4  }
0xb7: {  	[tilespmem:s15+$0xFD0] =	vst v1  }
0xb8: {  	[tilespmem:s15+$0xFE0] =	vst v1  }
0xb9: {  	[tilespmem:s15+$0xFF0] =	vst v1  }
0xba: {  	[tilespmem:s15+$0x1000] =	vst v1;
	s15 =	sshra.s32 s16, $0x2;
	s16 =	sadd.s32 $0x200, s16  }
0xbb: {  	[tilespmem:s15+$0x1010] =	vst v1  }
0xbc: {  	[tilespmem:s15+$0xFA0] =	vst v1  }
0xbd: {  	[tilespmem:s15+$0xFB0] =	vst v1  }
0xbe: {  	[tilespmem:s15+$0xFC0] =	vst v1  }
0xbf: {  	[tilespmem:s15+$0xFD0] =	vst v1  }
0xc0: {  	[tilespmem:s15+$0xFE0] =	vst v1  }
0xc1: {  	[tilespmem:s15+$0xFF0] =	vst v1  }
0xc2: {  	[tilespmem:s15+$0x1000] =	vst v1  }
0xc3: {  	[spmem:s8] =	stream.linear.scatter [tilespmem:s26], [sflag:$0x1], $0x1400, $0x38;
	[tilespmem:$0x1E0D0] =	vst v63  }
0xc4: {  	s23 =	rddreg [dreg:$0x5]  }
0xc5: {  	[spmem:s23] =	stream.linear.scatter [tilespmem:s26], [sflag:$0x1], $0x1400, $0x38;
	[tilespmem:$0x1E0D0] =	vst v63  }
0xc6: {  	s24 =	rddreg [dreg:$0x6]  }
0xc7: {  	[spmem:s24] =	stream.linear.scatter [tilespmem:s26], [sflag:$0x1], $0x1400, $0x38;
	[tilespmem:$0x1E0D0] =	vst v63  }
0xc8: {  	s25 =	rddreg [dreg:$0x7]  }
0xc9: {  	[spmem:s25] =	stream.linear.scatter [tilespmem:s26], [sflag:$0x1], $0x1400, $0x38;
	[tilespmem:$0x1E0D0] =	vst v63  }
0xca: {  	s16 =	rddreg [dreg:$0x8]  }
0xcb: {  	[spmem:s16] =	stream.linear.scatter [tilespmem:s26], [sflag:$0x1], $0x1400, $0x38;
	[tilespmem:$0x1E0D0] =	vst v63  }
0xcc: {  	s17 =	rddreg [dreg:$0x9]  }
0xcd: {  	[spmem:s17] =	stream.linear.scatter [tilespmem:s26], [sflag:$0x1], $0x1400, $0x38;
	[tilespmem:$0x1E0D0] =	vst v63  }
0xce: {  	s18 =	rddreg [dreg:$0xa]  }
0xcf: {  	[spmem:s18] =	stream.linear.scatter [tilespmem:s26], [sflag:$0x1], $0x1400, $0x38;
	[tilespmem:$0x1E0D0] =	vst v63  }
0xd0: {  	s19 =	rddreg [dreg:$0xb]  }
0xd1: {  	[spmem:s19] =	stream.linear.scatter [tilespmem:s26], [sflag:$0x1], $0x1400, $0x38;
	[tilespmem:$0x1E0D0] =	vst v63  }
0xd2: {  	s21 =	rddreg [dreg:$0xc]  }
0xd3: {  	[spmem:s21] =	stream.linear.scatter [tilespmem:s26], [sflag:$0x1], $0x1400, $0x38;
	[tilespmem:$0x1E0D0] =	vst v63  }
0xd4: {  	s22 =	rddreg [dreg:$0xd]  }
0xd5: {  	[spmem:s22] =	stream.linear.scatter [tilespmem:s26], [sflag:$0x1], $0x1400, $0x38;
	[tilespmem:$0x1E0D0] =	vst v63  }
0xd6: {  	s23 =	rddreg [dreg:$0xe]  }
0xd7: {  	[spmem:s23] =	stream.linear.scatter [tilespmem:s26], [sflag:$0x1], $0x1400, $0x38;
	[tilespmem:$0x1E0D0] =	vst v63  }
0xd8: {  	s24 =	rddreg [dreg:$0xf]  }
0xd9: {  	[spmem:s24] =	stream.linear.scatter [tilespmem:s26], [sflag:$0x1], $0x1400, $0x38;
	[tilespmem:$0x1E0D0] =	vst v63  }
0xda: {  	s25 =	rddreg [dreg:$0x10]  }
0xdb: {  	[spmem:s25] =	stream.linear.scatter [tilespmem:s26], [sflag:$0x1], $0x1400, $0x38;
	[tilespmem:$0x1E0D0] =	vst v63  }
0xdc: {  	s16 =	rddreg [dreg:$0x11]  }
0xdd: {  	[spmem:s16] =	stream.linear.scatter [tilespmem:s26], [sflag:$0x1], $0x1400, $0x38;
	[tilespmem:$0x1E0D0] =	vst v63  }
0xde: {  	s17 =	rddreg [dreg:$0x12]  }
0xdf: {  	[spmem:s17] =	stream.linear.scatter [tilespmem:s26], [sflag:$0x1], $0x1400, $0x38;
	[tilespmem:$0x1E0D0] =	vst v63  }
0xe0: {  	s18 =	rddreg [dreg:$0x13]  }
0xe1: {  	[spmem:s18] =	stream.linear.scatter [tilespmem:s26], [sflag:$0x1], $0x1400, $0x38;
	[tilespmem:$0x1E0D0] =	vst v63  }
0xe2: {  	s19 =	rddreg [dreg:$0x14];
	s16 =	simm.s32 $0x9BD0  }
0xe3: {  	[spmem:s19] =	stream.linear.scatter [tilespmem:s16], [sflag:$0x1], $0x280, $0x38;
	[tilespmem:$0x1E0D0] =	vst v63  }
0xe4: {  	_ =	swait.ge [sflag:s28], $0x1400  }
0xe5: {  	[sflag:s28] =	ssyncset.done $0x0  }
0xe6: {  	[sflag:s28] =	ssyncadd.s32 $0xFFFFEC00  }
0xe7: {  	_ =	swait.ge [sflag:s28], $0x1400  }
0xe8: {  	[sflag:s28] =	ssyncset.done $0x0  }
0xe9: {  	[sflag:s28] =	ssyncadd.s32 $0xFFFFEC00  }
0xea: {  	_ =	swait.ge [sflag:s28], $0x1400  }
0xeb: {  	[sflag:s28] =	ssyncset.done $0x0  }
0xec: {  	[sflag:s28] =	ssyncadd.s32 $0xFFFFEC00  }
0xed: {  	_ =	swait.ge [sflag:s28], $0x1400  }
0xee: {  	[sflag:s28] =	ssyncset.done $0x0  }
0xef: {  	[sflag:s28] =	ssyncadd.s32 $0xFFFFEC00  }
0xf0: {  	_ =	swait.ge [sflag:s28], $0x1400  }
0xf1: {  	[sflag:s28] =	ssyncset.done $0x0  }
0xf2: {  	[sflag:s28] =	ssyncadd.s32 $0xFFFFEC00  }
0xf3: {  	_ =	swait.ge [sflag:s28], $0x1400  }
0xf4: {  	[sflag:s28] =	ssyncset.done $0x0  }
0xf5: {  	[sflag:s28] =	ssyncadd.s32 $0xFFFFEC00  }
0xf6: {  	_ =	swait.ge [sflag:s28], $0x1400  }
0xf7: {  	[sflag:s28] =	ssyncset.done $0x0  }
0xf8: {  	[sflag:s28] =	ssyncadd.s32 $0xFFFFEC00  }
0xf9: {  	_ =	swait.ge [sflag:s28], $0x1400  }
0xfa: {  	[sflag:s28] =	ssyncset.done $0x0  }
0xfb: {  	[sflag:s28] =	ssyncadd.s32 $0xFFFFEC00  }
0xfc: {  	_ =	swait.ge [sflag:s28], $0x1400  }
0xfd: {  	[sflag:s28] =	ssyncset.done $0x0  }
0xfe: {  	[sflag:s28] =	ssyncadd.s32 $0xFFFFEC00  }
0xff: {  	_ =	swait.ge [sflag:s28], $0x1400  }
0x100: {  	[sflag:s28] =	ssyncset.done $0x0  }
0x101: {  	[sflag:s28] =	ssyncadd.s32 $0xFFFFEC00  }
0x102: {  	_ =	swait.ge [sflag:s28], $0x1400  }
0x103: {  	[sflag:s28] =	ssyncset.done $0x0  }
0x104: {  	[sflag:s28] =	ssyncadd.s32 $0xFFFFEC00  }
0x105: {  	_ =	swait.ge [sflag:s28], $0x1400  }
0x106: {  	[sflag:s28] =	ssyncset.done $0x0  }
0x107: {  	[sflag:s28] =	ssyncadd.s32 $0xFFFFEC00  }
0x108: {  	_ =	swait.ge [sflag:s28], $0x1400  }
0x109: {  	[sflag:s28] =	ssyncset.done $0x0  }
0x10a: {  	[sflag:s28] =	ssyncadd.s32 $0xFFFFEC00  }
0x10b: {  	_ =	swait.ge [sflag:s28], $0x1400  }
0x10c: {  	[sflag:s28] =	ssyncset.done $0x0  }
0x10d: {  	[sflag:s28] =	ssyncadd.s32 $0xFFFFEC00  }
0x10e: {  	_ =	swait.ge [sflag:s28], $0x1400  }
0x10f: {  	[sflag:s28] =	ssyncset.done $0x0  }
0x110: {  	[sflag:s28] =	ssyncadd.s32 $0xFFFFEC00  }
0x111: {  	_ =	swait.ge [sflag:s28], $0x1400  }
0x112: {  	[sflag:s28] =	ssyncset.done $0x0  }
0x113: {  	[sflag:s28] =	ssyncadd.s32 $0xFFFFEC00  }
0x114: {  	_ =	swait.ge [sflag:s28], $0x280  }
0x115: {  	[sflag:s28] =	ssyncset.done $0x0  }
0x116: {  	[sflag:s28] =	ssyncadd.s32 $0xFFFFFD80  }
0x117: {  	[bflag:$0x0] =	sbarrier.arrive $0xFFFF  }
0x118: {  	s15 =	simm.s32 $0x0;
	s21 =	rddreg [dreg:$0x15]  }
0x119: {  	[tilespmem:s15], [sflag:$0xD] =	stream.linear.gather [hbm4b:s21+s15], $0x3E8, $0x38;
	[tilespmem:$0x1E0D0] =	vst v63  }
0x11a: {  	_ =	swait.ge [sflag:s29], $0x3E8  }
0x11b: {  	[sflag:s29] =	ssyncset.done $0x0  }
0x11c: {  	s17 =	simm.s32 $0x7D0;
	s22 =	rddreg [dreg:$0x16];
	[sflag:s29] =	ssyncadd.s32 $0xFFFFFC18  }
0x11d: {  	[tilespmem:s17], [sflag:$0xD] =	stream.linear.gather [hbm4b:s22+s15], $0x3E8, $0x38;
	[tilespmem:$0x1E0D0] =	vst v63  }
0x11e: {  	_ =	swait.ge [sflag:s29], $0x3E8  }
0x11f: {  	[sflag:s29] =	ssyncset.done $0x0  }
0x120: {  	[sflag:s29] =	ssyncadd.s32 $0xFFFFFC18  }
0x121: {  	[tilespmem:s26], [sflag:$0x1] =	stream.indirect.gather [hbm4b:s1+s30], $0x80, s15, s30, $0xb8;
	[tilespmem:$0x1E0D0] =	vst v63  }
.Ltmp3:
0x122: {  	_ = 	snop;
	(pc) =	sbr.rel .LBB2_4-.Ltmp3, $4  }
0x123: {  	s23 =	simm.s32 $0x23A0  }
0x124: {  	[tilespmem:s23], [sflag:$0x2] =	stream.indirect.gather [hbm4b:s1+s30], $0x80, s30, s30, $0xb8;
	[tilespmem:$0x1E0D0] =	vst v63  }
0x125: {  	s24 =	simm.s32 $0x50;
	s25 =	simm.s32 $0x37A0  }
0x126: {  	[tilespmem:s25], [sflag:$0x3] =	stream.indirect.gather [hbm4b:s1+s30], $0x80, s24, s30, $0xb8;
	[tilespmem:$0x1E0D0] =	vst v63  }
.LBB2_6:
0x127: {  	s17 =	smul.u32 $0x25, s15;
	_ =	sdelay $0x1  }
0x128: {  	s17 =	sshrl.u32 s17, $0x8  }
0x129: {  	s18 =	ssub.s32 s15, s17  }
0x12a: {  	s19 =	smul.u32 $0x29, s15;
	s18 =	sand.u32 $0xFE, s18  }
0x12b: {  	s18 =	sshrl.u32 s18, $0x1  }
0x12c: {  	s23 =	sshrl.u32 s19, $0xA;
	s17 =	sadd.s32 s17, s18  }
0x12d: {  	s19 =	sand.u32 $0x3F, s23;
	s17 =	sand.u32 $0xFC, s17  }
0x12e: {  	s21 =	sadd.s32 $0x1, s16;
	s19 =	smul.u32 $0x19, s19;
	s17 =	sshrl.u32 s17, $0x2  }
0x12f: {  	_ =	swait.ge [sflag:s21], $0x1400;
	s17 =	smul.u32 $0x7, s17  }
0x130: {  	s24 =	sadd.s32 $0x5, s16;
	[sflag:s21] =	ssyncset.done $0x0;
	s19 =	ssub.s32 s15, s19  }
0x131: {  	s18 =	sand.u32 $0x1, s23;
	s19 =	sand.u32 $0xFF, s19;
	s17 =	ssub.s32 s15, s17  }
0x132: {  	p1 =	seq.s32 s18, $0x1;
	s19 =	smul.u32 $0xA0, s19;
	s17 =	sand.u32 $0xFF, s17  }
0x133: {  	s18 =	simm.s32 $0x3E8;
	s15 =	sadd.s32 $0x1, s15;
	s17 =	smul.u32 $0x5000, s17  }
0x134: {  	s18 =	simm.s32 @!p1 $0x0;
	s19 =	sshrl.u32 s19, $0x2;
	p1 =	sne.s32 s15, $0xFA  }
.Ltmp4:
0x135: {  	s18 =	sadd.s32 s19, s18;
	s17 =	sshrl.u32 s17, $0x2;
	(pc) =	sbr.rel @!p1 .LBB2_7-.Ltmp4, $4  }
0x136: {  	[sflag:s21] =	ssyncadd.s32 $0xFFFFEC00;
	s18 =	sadd.s32 $0x7D0, s18;
	s17 =	sadd.s32 $0xFA0, s17  }
0x137: {  	[spmem:s2] =	stream.indirect.scatter.add.f32 [tilespmem:s17], [sflag:s24], $0x80, s18, s30, $0xb8;
	[tilespmem:$0x1E0D0] =	vst v63  }
0x138: {  	s25 =	sadd.s32 $0x9, s16  }
0x139: {  	[spmem:s3] =	stream.indirect.scatter.add.f32 [tilespmem:s31], [sflag:s25], $0x1, s18, s30, $0xb8;
	[tilespmem:$0x1E0D0] =	vst v63  }
.LBB2_4:
0x13a: {  	p1 =	slt.u32 s15, $0x4  }
0x13b: {  	s16 =	sand.u32 @!p1 $0x3, s15  }
0x13c: {  	p2 =	sgt.u32 @!p1 s15, $0xF6;
	s17 =	sadd.s32 @!p1 $0x5, s16  }
0x13d: {  	p2 =	por p1, !p2;
	_ =	swait.ge @!p1 [sflag:s17], $0x1400  }
.Ltmp5:
0x13e: {  	[sflag:s17] =	ssyncset.done @!p1 $0x0;
	(pc) =	sbr.rel @!p2 .LBB2_6-.Ltmp5, $4  }
0x13f: {  	[sflag:s17] =	ssyncadd.s32 @!p1 $0xFFFFEC00;
	s17 =	sadd.s32 @!p1 $0x9, s16  }
0x140: {  	_ =	swait.ge @!p1 [sflag:s17], $0x28  }
0x141: {  	[sflag:s17] =	ssyncset.done @!p1 $0x0  }
0x142: {  	[sflag:s17] =	ssyncadd.s32 @!p1 $0xFFFFFFD8  }
0x143: {  	s16 =	sadd.s32 $0x3, s15  }
0x144: {  	s17 =	smul.u32 $0x29, s16;
	_ =	sdelay $0x1  }
0x145: {  	s17 =	sshrl.u32 s17, $0xA  }
0x146: {  	s17 =	sand.u32 $0x3F, s17  }
0x147: {  	s18 =	smul.u32 $0x19, s17;
	_ =	sdelay $0x1  }
0x148: {  	s18 =	ssub.s32 s16, s18  }
0x149: {  	s18 =	sand.u32 $0xFF, s18  }
0x14a: {  	p2 =	seq.s32 s18, $0x0  }
0x14b: {  	s19 =	smul.u32 @p2 $0x3E8, s17  }
0x14c: {  	s21 =	sand.u32 @p2 $0x1, s17  }
0x14d: {  	s24 =	smul.u32 $0x25, s16;
	p1 =	seq.s32 @p2 s21, $0x1;
	s19 =	sadd.s32 @p2 s20, s19  }
0x14e: {  	s21 =	simm.s32 @p2 $0x3E8;
	p3 =	por !p1, !p2;
	s19 =	sshrl.u32 @p2 s19, $0x3  }
0x14f: {  	s23 =	simm.s32 @p2 $0x0;
	s21 =	simm.s32 @p3 $0x0;
	s22 =	sadd.s32 @p2 s6, s19  }
0x150: {  	[tilespmem:s21], [sflag:$0xD] =	stream.linear.gather @p2 [hbm4b:s22+s23], $0x3E8, $0x38;
	[tilespmem:$0x1E0D0] =	vst v63  }
0x151: {  	s22 =	sshrl.u32 s24, $0x8  }
0x152: {  	s25 =	simm.s32 @p2 $0xD;
	s24 =	ssub.s32 s16, s22  }
0x153: {  	_ =	swait.ge @p2 [sflag:s25], $0x3E8;
	s24 =	sand.u32 $0xFE, s24  }
0x154: {  	s19 =	sadd.s32 @p2 s7, s19;
	[sflag:s25] =	ssyncset.done @p2 $0x0;
	s24 =	sshrl.u32 s24, $0x1  }
0x155: {  	s21 =	sadd.s32 @p2 $0x7D0, s21;
	[sflag:s25] =	ssyncadd.s32 @p2 $0xFFFFFC18;
	s22 =	sadd.s32 s22, s24  }
0x156: {  	[tilespmem:s21], [sflag:$0xD] =	stream.linear.gather @p2 [hbm4b:s19+s23], $0x3E8, $0x38;
	[tilespmem:$0x1E0D0] =	vst v63  }
0x157: {  	s22 =	sand.u32 $0xFC, s22  }
0x158: {  	s22 =	sshrl.u32 s22, $0x2  }
0x159: {  	s22 =	smul.u32 $0x7, s22  }
0x15a: {  	s17 =	sand.u32 @!p2 $0x1, s17;
	_ =	swait.ge @p2 [sflag:s25], $0x3E8  }
0x15b: {  	p3 =	seq.s32 @!p2 s17, $0x1;
	[sflag:s25] =	ssyncset.done @p2 $0x0;
	s24 =	ssub.s32 s16, s22  }
0x15c: {  	[sflag:s25] =	ssyncadd.s32 @p2 $0xFFFFFC18;
	s25 =	smul.u32 $0xA0, s18;
	s19 =	sand.u32 $0xFF, s24  }
0x15d: {  	p1 =	por @!p2 p3, p3;
	s18 =	simm.s32 $0x3E8;
	s19 =	smul.u32 $0x5000, s19  }
.Ltmp6:
0x15e: {  	s18 =	simm.s32 @!p1 $0x0;
	(pc) =	sbr.rel .LBB2_6-.Ltmp6, $4  }
0x15f: {  	s16 =	sand.u32 $0x3, s16;
	s17 =	sshrl.u32 s25, $0x2;
	s19 =	sshrl.u32 s19, $0x2  }
0x160: {  	s17 =	sadd.s32 s17, s18;
	s16 =	sadd.s32 $0x1, s16;
	s19 =	sadd.s32 $0xFA0, s19  }
0x161: {  	[tilespmem:s19], [sflag:s16] =	stream.indirect.gather [hbm4b:s1+s30], $0x80, s17, s30, $0xb8;
	[tilespmem:$0x1E0D0] =	vst v63  }
0x162: {  	s16 =	sand.u32 $0x3, s15  }
.LBB2_8:
0x163: {  	_ =	sfence.sel $0x180000  }
0x164: {  	[bflag:$0x0] =	sbarrier.arrive $0xFFFF  }
0x165: {  	_ =	strace $0x90000047  }
0x166: {  	[bflag:$0x2] =	sbarrier.arrive $0xFFFF  }
0x167: {  	s0 =	rddreg [dreg:$0x4]  }
0x168: {  	s0 =	sadd.s32 @!p0 $0x100000, s0  }
0x169: {  	[sflag:s0] =	ssyncadd.tile.s32 @!p0 $0x1;
	_ =	shalt  }
.Lfunc_end2:
_tile_overlayer_lowered:
.L_overlay_start_2:
0x16a: {  	(tag) =	ssettag $0x2  }
0x16b: {  	s0 =	rddreg [dreg:$0x0];
	s2 =	stileid.u32  }
0x16c: {  	s1 =	rddreg [dreg:$0x1];
	p0 =	sne.s32 s2, $0x0  }
0x16d: {  	s3 =	rddreg [dreg:$0x2];
	[bflag:$0x3] =	sbarrier.arrive $0xFFFF;
	s2 =	simm.s32 @!p0 $0x1C0D  }
0x16e: {  	[timem:s3], [sflag:s2] =	dma.local @!p0 [hbm:s0], s1  }
0x16f: {  	s0 =	simm.s32 @!p0 $0xD  }
0x170: {  	_ =	swait.ge @!p0 [sflag:s0], s1  }
0x171: {  	s1 =	ssub.s32 @!p0 $0x0, s1;
	[sflag:s0] =	ssyncset.done @!p0 $0x0  }
0x172: {  	[sflag:s0] =	ssyncadd.s32 @!p0 s1  }
0x173: {  	[bflag:$0x3] =	sbarrier.arrive $0xFFFF  }
0x174: {  	_ =	shalt  }

</sc_bundles>
